<compile_context>
chip_gen: v7x
topology: tpu7x:2x2x1
jax: 0.10.2.dev20260603
libtpu: 0.0.44.dev20260713+nightly
codegen_flags: <defaults>
</compile_context>

<pallas_src>
import functools

import jax
import jax.numpy as jnp
from jax import lax
from jax.experimental import pallas as pl
from jax.experimental.pallas import tpu as pltpu
from jax.experimental.pallas import tpu_sc as plsc

_TABLE_SIZES = (100003, 100019, 100043, 100057, 100069, 100103, 100109,
                100129)
_NUM_HEADS = 8
_EMBED_DIM = 32
_NC = 2
_NS = 16
_NW = _NC * _NS
_CHUNK = 128


@functools.lru_cache(maxsize=None)
def _build(B: int, S: int):
    assert B == _NW * _CHUNK
    assert S % 2 == 0
    mesh = plsc.VectorSubcoreMesh(core_axis_name="c", subcore_axis_name="s")

    @functools.partial(
        pl.kernel,
        out_type=jax.ShapeDtypeStruct((S, B, _NUM_HEADS * _EMBED_DIM),
                                      jnp.float32),
        mesh=mesh,
        compiler_params=pltpu.CompilerParams(use_tc_tiling_on_sc=False),
        scratch_types=[
            pltpu.VMEM((2, _NUM_HEADS, _CHUNK), jnp.int32),
            pltpu.VMEM((2, _NUM_HEADS, _CHUNK, _EMBED_DIM), jnp.float32),
            pltpu.SemaphoreType.DMA((2,)),
            pltpu.SemaphoreType.DMA((2,)),
        ],
    )
    def gather_kernel(idx_hbm, t0, t1, t2, t3, t4, t5, t6, t7, out_hbm,
                      idx_v, rows_v, gsem, osem):
        tabs = [t0, t1, t2, t3, t4, t5, t6, t7]
        wid = lax.axis_index("s") * _NC + lax.axis_index("c")
        b0 = wid * _CHUNK

        def fire(s, b):
            pltpu.sync_copy(idx_hbm.at[s, wid], idx_v.at[b])
            for h in range(_NUM_HEADS):
                pltpu.async_copy(tabs[h].at[idx_v.at[b, h]],
                                 rows_v.at[b, h], gsem.at[b])

        def drain_gather(b):
            for h in range(_NUM_HEADS):
                pltpu.make_async_copy(tabs[h].at[idx_v.at[b, h]],
                                      rows_v.at[b, h], gsem.at[b]).wait()

        def write_out(s, b):
            for h in range(_NUM_HEADS):
                pltpu.async_copy(
                    rows_v.at[b, h],
                    out_hbm.at[s, pl.ds(b0, _CHUNK),
                               pl.ds(h * _EMBED_DIM, _EMBED_DIM)],
                    osem.at[b])

        def wait_out(s, b):
            for h in range(_NUM_HEADS):
                pltpu.make_async_copy(
                    rows_v.at[b, h],
                    out_hbm.at[s, pl.ds(b0, _CHUNK),
                               pl.ds(h * _EMBED_DIM, _EMBED_DIM)],
                    osem.at[b]).wait()

        fire(0, 0)

        def body(j2, carry):
            for b in range(2):
                s = j2 * 2 + b
                nb = 1 - b

                @pl.when(s + 1 < S)
                def _():
                    @pl.when(s >= 1)
                    def _():
                        wait_out(s - 1, nb)
                    fire(s + 1, nb)

                drain_gather(b)
                write_out(s, b)
            return carry

        lax.fori_loop(0, S // 2, body, 0)
        wait_out(S - 2, 0)
        wait_out(S - 1, 1)

    return gather_kernel


def kernel(hash_indices, table_0, table_1, table_2, table_3, table_4,
           table_5, table_6, table_7):
    B, S, H = hash_indices.shape
    idx4 = jnp.transpose(hash_indices, (1, 0, 2)).reshape(
        S, B // _CHUNK, _CHUNK, H).transpose(0, 1, 3, 2)
    out = _build(B, S)(idx4, table_0, table_1, table_2, table_3, table_4,
                       table_5, table_6, table_7)
    return jnp.transpose(out, (1, 0, 2))

# --- scband reference (transcript-rebuilt; emitter-appended) ---
"""Pipeline reference for scband-multi-head-embedding-78778290144016 (READ-ONLY COPY).

The authoritative reference and input builder live on the scoring server;
editing this copy changes nothing except your own understanding.
"""

import jax, jax.numpy as jnp
import numpy as np

TABLE_SIZES = [100003, 100019, 100043, 100057, 100069, 100103, 100109, 100129]
NUM_HEADS = 8
EMBED_DIM = 32
BATCH = 4096
SEQ_LEN = 50


def setup_inputs(seed: int = 0) -> dict:
    key = jax.random.key(seed)
    keys = jax.random.split(key, NUM_HEADS + 1)
    # indices must be in-range for every head table; min table size is 100003
    hash_indices = jax.random.randint(keys[0], (BATCH, SEQ_LEN, NUM_HEADS), 0, 100003, dtype=jnp.int32)
    inp = {"hash_indices": hash_indices}
    for h in range(NUM_HEADS):
        inp[f"table_{h}"] = jax.random.normal(keys[h + 1], (TABLE_SIZES[h], EMBED_DIM), dtype=jnp.float32) * 0.01
    return inp


def reference(hash_indices, table_0, table_1, table_2, table_3, table_4, table_5, table_6, table_7):
    tables = [table_0, table_1, table_2, table_3, table_4, table_5, table_6, table_7]
    parts = []
    for h in range(NUM_HEADS):
        # embedding lookup: gather rows from per-head table
        parts.append(jnp.take(tables[h], hash_indices[..., h], axis=0))
    return jnp.concatenate(parts, axis=-1)

if __name__ == "__main__":
    import jax
    _d = setup_inputs()
    print(jax.jit(kernel)(*tuple(_d.values())))

</pallas_src>

<mosaic_0001>
#map = affine_map<(d0, d1) -> (0, 0, 0, 0)>
#map1 = affine_map<(d0, d1) -> (0, 0)>
#map2 = affine_map<(d0, d1) -> (0, 0, 0)>
module attributes {stable_mosaic.version = 14 : i64} {
  func.func @gather_kernel(%arg0: i32, %arg1: i32, %arg2: memref<50x32x8x128xi32, #tpu.memory_space<hbm>>, %arg3: memref<100003x32xf32, #tpu.memory_space<hbm>>, %arg4: memref<100019x32xf32, #tpu.memory_space<hbm>>, %arg5: memref<100043x32xf32, #tpu.memory_space<hbm>>, %arg6: memref<100057x32xf32, #tpu.memory_space<hbm>>, %arg7: memref<100069x32xf32, #tpu.memory_space<hbm>>, %arg8: memref<100103x32xf32, #tpu.memory_space<hbm>>, %arg9: memref<100109x32xf32, #tpu.memory_space<hbm>>, %arg10: memref<100129x32xf32, #tpu.memory_space<hbm>>, %arg11: memref<50x4096x256xf32, #tpu.memory_space<hbm>>, %arg12: memref<2x8x128xi32, #tpu.memory_space<vmem>>, %arg13: memref<2x8x128x32xf32, #tpu.memory_space<vmem>>, %arg14: memref<2x!tpu.dma_semaphore, #tpu.memory_space<semaphore_mem>>, %arg15: memref<2x!tpu.dma_semaphore, #tpu.memory_space<semaphore_mem>>) attributes {dimension_semantics = [#tpu.dimension_semantics<core_parallel>, #tpu.dimension_semantics<subcore_parallel>], iteration_bounds = array<i64: 2, 16>, scalar_prefetch = 0 : i64, scratch_operands = 4 : i64, tpu.core_type = #tpu.core_type<sc_vector_subcore>, window_params = [{transform_indices = #map}, {transform_indices = #map1}, {transform_indices = #map1}, {transform_indices = #map1}, {transform_indices = #map1}, {transform_indices = #map1}, {transform_indices = #map1}, {transform_indices = #map1}, {transform_indices = #map1}, {transform_indices = #map2}]} {
    %mul3A = arith.constant 2 : i32
    %mul3A_0 = arith.muli %arg1, %mul3A : i32
    %add3A = arith.addi %mul3A_0, %arg0 : i32
    %mul3A_1 = arith.constant 128 : i32
    %mul3A_2 = arith.muli %add3A, %mul3A_1 : i32
    %run_scoped3A = arith.constant 0 : i32
    %run_scoped3A_3 = arith.constant 0 : i32
    "tpu.region"() ({
      %run_scoped3A_463 = tpu.sem_alloc : memref<!tpu.dma_semaphore, #tpu.memory_space<semaphore_mem>>
      %dma_start3A_464 = arith.constant 0 : i32
      %dma_start3A_465 = arith.constant 0 : i32
      %dma_start3A_466 = tpu.memref_slice %arg12[%run_scoped3A_3, %dma_start3A_464, %dma_start3A_465] : memref<2x8x128xi32, #tpu.memory_space<vmem>> -> memref<1x8x128xi32, #tpu.memory_space<vmem>>
      %dma_start3A_467 = tpu.memref_squeeze %dma_start3A_466 : memref<1x8x128xi32, #tpu.memory_space<vmem>> -> memref<8x128xi32, #tpu.memory_space<vmem>>
      %dma_start3A_468 = arith.constant 0 : i32
      %dma_start3A_469 = arith.constant 0 : i32
      %dma_start3A_470 = tpu.memref_slice %arg2[%run_scoped3A, %add3A, %dma_start3A_468, %dma_start3A_469] : memref<50x32x8x128xi32, #tpu.memory_space<hbm>> -> memref<1x1x8x128xi32, #tpu.memory_space<hbm>>
      %dma_start3A_471 = tpu.memref_squeeze %dma_start3A_470 : memref<1x1x8x128xi32, #tpu.memory_space<hbm>> -> memref<8x128xi32, #tpu.memory_space<hbm>>
      %dma_start3A_472 = arith.constant 0 : i32
      %dma_start3A_473 = arith.constant 0 : i32
      %dma_start3A_474 = tpu.memref_slice %arg12[%run_scoped3A_3, %dma_start3A_472, %dma_start3A_473] : memref<2x8x128xi32, #tpu.memory_space<vmem>> -> memref<1x8x128xi32, #tpu.memory_space<vmem>>
      %dma_start3A_475 = tpu.memref_squeeze %dma_start3A_474 : memref<1x8x128xi32, #tpu.memory_space<vmem>> -> memref<8x128xi32, #tpu.memory_space<vmem>>
      %dma_start3A_476 = arith.constant 0 : i32
      %dma_start3A_477 = arith.constant 0 : i32
      %dma_start3A_478 = tpu.memref_slice %arg2[%run_scoped3A, %add3A, %dma_start3A_476, %dma_start3A_477] : memref<50x32x8x128xi32, #tpu.memory_space<hbm>> -> memref<1x1x8x128xi32, #tpu.memory_space<hbm>>
      %dma_start3A_479 = tpu.memref_squeeze %dma_start3A_478 : memref<1x1x8x128xi32, #tpu.memory_space<hbm>> -> memref<8x128xi32, #tpu.memory_space<hbm>>
      tpu.enqueue_dma source(%dma_start3A_479 : memref<8x128xi32, #tpu.memory_space<hbm>>) target(%dma_start3A_475 : memref<8x128xi32, #tpu.memory_space<vmem>>) target_semaphore(%run_scoped3A_463 : memref<!tpu.dma_semaphore, #tpu.memory_space<semaphore_mem>>)
      %dma_wait3A_480 = arith.constant 0 : i32
      %dma_wait3A_481 = arith.constant 0 : i32
      %dma_wait3A_482 = tpu.memref_slice %arg12[%run_scoped3A_3, %dma_wait3A_480, %dma_wait3A_481] : memref<2x8x128xi32, #tpu.memory_space<vmem>> -> memref<1x8x128xi32, #tpu.memory_space<vmem>>
      %dma_wait3A_483 = tpu.memref_squeeze %dma_wait3A_482 : memref<1x8x128xi32, #tpu.memory_space<vmem>> -> memref<8x128xi32, #tpu.memory_space<vmem>>
      %dma_wait3A_484 = arith.constant 0 : i32
      %dma_wait3A_485 = arith.constant 0 : i32
      %dma_wait3A_486 = tpu.memref_slice %arg2[%run_scoped3A, %add3A, %dma_wait3A_484, %dma_wait3A_485] : memref<50x32x8x128xi32, #tpu.memory_space<hbm>> -> memref<1x1x8x128xi32, #tpu.memory_space<hbm>>
      %dma_wait3A_487 = tpu.memref_squeeze %dma_wait3A_486 : memref<1x1x8x128xi32, #tpu.memory_space<hbm>> -> memref<8x128xi32, #tpu.memory_space<hbm>>
      %dma_wait3A_488 = arith.constant 0 : i32
      %dma_wait3A_489 = arith.constant 0 : i32
      %dma_wait3A_490 = tpu.memref_slice %arg12[%run_scoped3A_3, %dma_wait3A_488, %dma_wait3A_489] : memref<2x8x128xi32, #tpu.memory_space<vmem>> -> memref<1x8x128xi32, #tpu.memory_space<vmem>>
      %dma_wait3A_491 = tpu.memref_squeeze %dma_wait3A_490 : memref<1x8x128xi32, #tpu.memory_space<vmem>> -> memref<8x128xi32, #tpu.memory_space<vmem>>
      %dma_wait3A_492 = arith.constant 0 : i32
      %dma_wait3A_493 = arith.constant 0 : i32
      %dma_wait3A_494 = tpu.memref_slice %arg2[%run_scoped3A, %add3A, %dma_wait3A_492, %dma_wait3A_493] : memref<50x32x8x128xi32, #tpu.memory_space<hbm>> -> memref<1x1x8x128xi32, #tpu.memory_space<hbm>>
      %dma_wait3A_495 = tpu.memref_squeeze %dma_wait3A_494 : memref<1x1x8x128xi32, #tpu.memory_space<hbm>> -> memref<8x128xi32, #tpu.memory_space<hbm>>
      tpu.wait_dma2 semaphore(%run_scoped3A_463 : memref<!tpu.dma_semaphore, #tpu.memory_space<semaphore_mem>>) src(%dma_wait3A_495 : memref<8x128xi32, #tpu.memory_space<hbm>>) dst(%dma_wait3A_491 : memref<8x128xi32, #tpu.memory_space<vmem>>)
      tpu.yield
    }) : () -> ()
    %dma_start3A = arith.constant 0 : i32
    %dma_start3A_4 = arith.constant 0 : i32
    %dma_start3A_5 = arith.constant 0 : i32
    %dma_start3A_6 = arith.constant 0 : i32
    %dma_start3A_7 = arith.constant 0 : i32
    %dma_start3A_8 = arith.constant 0 : i32
    %dma_start3A_9 = arith.constant 0 : i32
    %dma_start3A_10 = tpu.memref_slice %arg13[%dma_start3A_5, %dma_start3A_6, %dma_start3A_8, %dma_start3A_9] : memref<2x8x128x32xf32, #tpu.memory_space<vmem>> -> memref<1x1x128x32xf32, #tpu.memory_space<vmem>>
    %dma_start3A_11 = tpu.memref_squeeze %dma_start3A_10 : memref<1x1x128x32xf32, #tpu.memory_space<vmem>> -> memref<128x32xf32, #tpu.memory_space<vmem>>
    %dma_start3A_12 = arith.constant 0 : i32
    %dma_start3A_13 = tpu.memref_slice %arg12[%dma_start3A, %dma_start3A_4, %dma_start3A_12] : memref<2x8x128xi32, #tpu.memory_space<vmem>> -> memref<1x1x128xi32, #tpu.memory_space<vmem>>
    %dma_start3A_14 = tpu.memref_squeeze %dma_start3A_13 : memref<1x1x128xi32, #tpu.memory_space<vmem>> -> memref<128xi32, #tpu.memory_space<vmem>>
    %dma_start3A_15 = arith.constant 0 : i32
    %dma_start3A_16 = arith.constant 0 : i32
    %dma_start3A_17 = tpu.memref_slice %arg3[%dma_start3A_15, %dma_start3A_16] : memref<100003x32xf32, #tpu.memory_space<hbm>> -> memref<100003x32xf32, #tpu.memory_space<hbm>>
    %dma_start3A_18 = tpu.memref_slice %arg14[%dma_start3A_7] : memref<2x!tpu.dma_semaphore, #tpu.memory_space<semaphore_mem>> -> memref<1x!tpu.dma_semaphore, #tpu.memory_space<semaphore_mem>>
    %dma_start3A_19 = tpu.memref_squeeze %dma_start3A_18 : memref<1x!tpu.dma_semaphore, #tpu.memory_space<semaphore_mem>> -> memref<!tpu.dma_semaphore, #tpu.memory_space<semaphore_mem>>
    tpu.enqueue_indirect_dma source(%dma_start3A_17 : memref<100003x32xf32, #tpu.memory_space<hbm>>) target(%dma_start3A_11 : memref<128x32xf32, #tpu.memory_space<vmem>>) offsets(%dma_start3A_14 : memref<128xi32, #tpu.memory_space<vmem>>) semaphore(%dma_start3A_19 : memref<!tpu.dma_semaphore, #tpu.memory_space<semaphore_mem>>)
    %dma_start3A_20 = arith.constant 0 : i32
    %dma_start3A_21 = arith.constant 1 : i32
    %dma_start3A_22 = arith.constant 0 : i32
    %dma_start3A_23 = arith.constant 1 : i32
    %dma_start3A_24 = arith.constant 0 : i32
    %dma_start3A_25 = arith.constant 0 : i32
    %dma_start3A_26 = arith.constant 0 : i32
    %dma_start3A_27 = tpu.memref_slice %arg13[%dma_start3A_22, %dma_start3A_23, %dma_start3A_25, %dma_start3A_26] : memref<2x8x128x32xf32, #tpu.memory_space<vmem>> -> memref<1x1x128x32xf32, #tpu.memory_space<vmem>>
    %dma_start3A_28 = tpu.memref_squeeze %dma_start3A_27 : memref<1x1x128x32xf32, #tpu.memory_space<vmem>> -> memref<128x32xf32, #tpu.memory_space<vmem>>
    %dma_start3A_29 = arith.constant 0 : i32
    %dma_start3A_30 = tpu.memref_slice %arg12[%dma_start3A_20, %dma_start3A_21, %dma_start3A_29] : memref<2x8x128xi32, #tpu.memory_space<vmem>> -> memref<1x1x128xi32, #tpu.memory_space<vmem>>
    %dma_start3A_31 = tpu.memref_squeeze %dma_start3A_30 : memref<1x1x128xi32, #tpu.memory_space<vmem>> -> memref<128xi32, #tpu.memory_space<vmem>>
    %dma_start3A_32 = arith.constant 0 : i32
    %dma_start3A_33 = arith.constant 0 : i32
    %dma_start3A_34 = tpu.memref_slice %arg4[%dma_start3A_32, %dma_start3A_33] : memref<100019x32xf32, #tpu.memory_space<hbm>> -> memref<100019x32xf32, #tpu.memory_space<hbm>>
    %dma_start3A_35 = tpu.memref_slice %arg14[%dma_start3A_24] : memref<2x!tpu.dma_semaphore, #tpu.memory_space<semaphore_mem>> -> memref<1x!tpu.dma_semaphore, #tpu.memory_space<semaphore_mem>>
    %dma_start3A_36 = tpu.memref_squeeze %dma_start3A_35 : memref<1x!tpu.dma_semaphore, #tpu.memory_space<semaphore_mem>> -> memref<!tpu.dma_semaphore, #tpu.memory_space<semaphore_mem>>
    tpu.enqueue_indirect_dma source(%dma_start3A_34 : memref<100019x32xf32, #tpu.memory_space<hbm>>) target(%dma_start3A_28 : memref<128x32xf32, #tpu.memory_space<vmem>>) offsets(%dma_start3A_31 : memref<128xi32, #tpu.memory_space<vmem>>) semaphore(%dma_start3A_36 : memref<!tpu.dma_semaphore, #tpu.memory_space<semaphore_mem>>)
    %dma_start3A_37 = arith.constant 0 : i32
    %dma_start3A_38 = arith.constant 2 : i32
    %dma_start3A_39 = arith.constant 0 : i32
    %dma_start3A_40 = arith.constant 2 : i32
    %dma_start3A_41 = arith.constant 0 : i32
    %dma_start3A_42 = arith.constant 0 : i32
    %dma_start3A_43 = arith.constant 0 : i32
    %dma_start3A_44 = tpu.memref_slice %arg13[%dma_start3A_39, %dma_start3A_40, %dma_start3A_42, %dma_start3A_43] : memref<2x8x128x32xf32, #tpu.memory_space<vmem>> -> memref<1x1x128x32xf32, #tpu.memory_space<vmem>>
    %dma_start3A_45 = tpu.memref_squeeze %dma_start3A_44 : memref<1x1x128x32xf32, #tpu.memory_space<vmem>> -> memref<128x32xf32, #tpu.memory_space<vmem>>
    %dma_start3A_46 = arith.constant 0 : i32
    %dma_start3A_47 = tpu.memref_slice %arg12[%dma_start3A_37, %dma_start3A_38, %dma_start3A_46] : memref<2x8x128xi32, #tpu.memory_space<vmem>> -> memref<1x1x128xi32, #tpu.memory_space<vmem>>
    %dma_start3A_48 = tpu.memref_squeeze %dma_start3A_47 : memref<1x1x128xi32, #tpu.memory_space<vmem>> -> memref<128xi32, #tpu.memory_space<vmem>>
    %dma_start3A_49 = arith.constant 0 : i32
    %dma_start3A_50 = arith.constant 0 : i32
    %dma_start3A_51 = tpu.memref_slice %arg5[%dma_start3A_49, %dma_start3A_50] : memref<100043x32xf32, #tpu.memory_space<hbm>> -> memref<100043x32xf32, #tpu.memory_space<hbm>>
    %dma_start3A_52 = tpu.memref_slice %arg14[%dma_start3A_41] : memref<2x!tpu.dma_semaphore, #tpu.memory_space<semaphore_mem>> -> memref<1x!tpu.dma_semaphore, #tpu.memory_space<semaphore_mem>>
    %dma_start3A_53 = tpu.memref_squeeze %dma_start3A_52 : memref<1x!tpu.dma_semaphore, #tpu.memory_space<semaphore_mem>> -> memref<!tpu.dma_semaphore, #tpu.memory_space<semaphore_mem>>
    tpu.enqueue_indirect_dma source(%dma_start3A_51 : memref<100043x32xf32, #tpu.memory_space<hbm>>) target(%dma_start3A_45 : memref<128x32xf32, #tpu.memory_space<vmem>>) offsets(%dma_start3A_48 : memref<128xi32, #tpu.memory_space<vmem>>) semaphore(%dma_start3A_53 : memref<!tpu.dma_semaphore, #tpu.memory_space<semaphore_mem>>)
    %dma_start3A_54 = arith.constant 0 : i32
    %dma_start3A_55 = arith.constant 3 : i32
    %dma_start3A_56 = arith.constant 0 : i32
    %dma_start3A_57 = arith.constant 3 : i32
    %dma_start3A_58 = arith.constant 0 : i32
    %dma_start3A_59 = arith.constant 0 : i32
    %dma_start3A_60 = arith.constant 0 : i32
    %dma_start3A_61 = tpu.memref_slice %arg13[%dma_start3A_56, %dma_start3A_57, %dma_start3A_59, %dma_start3A_60] : memref<2x8x128x32xf32, #tpu.memory_space<vmem>> -> memref<1x1x128x32xf32, #tpu.memory_space<vmem>>
    %dma_start3A_62 = tpu.memref_squeeze %dma_start3A_61 : memref<1x1x128x32xf32, #tpu.memory_space<vmem>> -> memref<128x32xf32, #tpu.memory_space<vmem>>
    %dma_start3A_63 = arith.constant 0 : i32
    %dma_start3A_64 = tpu.memref_slice %arg12[%dma_start3A_54, %dma_start3A_55, %dma_start3A_63] : memref<2x8x128xi32, #tpu.memory_space<vmem>> -> memref<1x1x128xi32, #tpu.memory_space<vmem>>
    %dma_start3A_65 = tpu.memref_squeeze %dma_start3A_64 : memref<1x1x128xi32, #tpu.memory_space<vmem>> -> memref<128xi32, #tpu.memory_space<vmem>>
    %dma_start3A_66 = arith.constant 0 : i32
    %dma_start3A_67 = arith.constant 0 : i32
    %dma_start3A_68 = tpu.memref_slice %arg6[%dma_start3A_66, %dma_start3A_67] : memref<100057x32xf32, #tpu.memory_space<hbm>> -> memref<100057x32xf32, #tpu.memory_space<hbm>>
    %dma_start3A_69 = tpu.memref_slice %arg14[%dma_start3A_58] : memref<2x!tpu.dma_semaphore, #tpu.memory_space<semaphore_mem>> -> memref<1x!tpu.dma_semaphore, #tpu.memory_space<semaphore_mem>>
    %dma_start3A_70 = tpu.memref_squeeze %dma_start3A_69 : memref<1x!tpu.dma_semaphore, #tpu.memory_space<semaphore_mem>> -> memref<!tpu.dma_semaphore, #tpu.memory_space<semaphore_mem>>
    tpu.enqueue_indirect_dma source(%dma_start3A_68 : memref<100057x32xf32, #tpu.memory_space<hbm>>) target(%dma_start3A_62 : memref<128x32xf32, #tpu.memory_space<vmem>>) offsets(%dma_start3A_65 : memref<128xi32, #tpu.memory_space<vmem>>) semaphore(%dma_start3A_70 : memref<!tpu.dma_semaphore, #tpu.memory_space<semaphore_mem>>)
    %dma_start3A_71 = arith.constant 0 : i32
    %dma_start3A_72 = arith.constant 4 : i32
    %dma_start3A_73 = arith.constant 0 : i32
    %dma_start3A_74 = arith.constant 4 : i32
    %dma_start3A_75 = arith.constant 0 : i32
    %dma_start3A_76 = arith.constant 0 : i32
    %dma_start3A_77 = arith.constant 0 : i32
    %dma_start3A_78 = tpu.memref_slice %arg13[%dma_start3A_73, %dma_start3A_74, %dma_start3A_76, %dma_start3A_77] : memref<2x8x128x32xf32, #tpu.memory_space<vmem>> -> memref<1x1x128x32xf32, #tpu.memory_space<vmem>>
    %dma_start3A_79 = tpu.memref_squeeze %dma_start3A_78 : memref<1x1x128x32xf32, #tpu.memory_space<vmem>> -> memref<128x32xf32, #tpu.memory_space<vmem>>
    %dma_start3A_80 = arith.constant 0 : i32
    %dma_start3A_81 = tpu.memref_slice %arg12[%dma_start3A_71, %dma_start3A_72, %dma_start3A_80] : memref<2x8x128xi32, #tpu.memory_space<vmem>> -> memref<1x1x128xi32, #tpu.memory_space<vmem>>
    %dma_start3A_82 = tpu.memref_squeeze %dma_start3A_81 : memref<1x1x128xi32, #tpu.memory_space<vmem>> -> memref<128xi32, #tpu.memory_space<vmem>>
    %dma_start3A_83 = arith.constant 0 : i32
    %dma_start3A_84 = arith.constant 0 : i32
    %dma_start3A_85 = tpu.memref_slice %arg7[%dma_start3A_83, %dma_start3A_84] : memref<100069x32xf32, #tpu.memory_space<hbm>> -> memref<100069x32xf32, #tpu.memory_space<hbm>>
    %dma_start3A_86 = tpu.memref_slice %arg14[%dma_start3A_75] : memref<2x!tpu.dma_semaphore, #tpu.memory_space<semaphore_mem>> -> memref<1x!tpu.dma_semaphore, #tpu.memory_space<semaphore_mem>>
    %dma_start3A_87 = tpu.memref_squeeze %dma_start3A_86 : memref<1x!tpu.dma_semaphore, #tpu.memory_space<semaphore_mem>> -> memref<!tpu.dma_semaphore, #tpu.memory_space<semaphore_mem>>
    tpu.enqueue_indirect_dma source(%dma_start3A_85 : memref<100069x32xf32, #tpu.memory_space<hbm>>) target(%dma_start3A_79 : memref<128x32xf32, #tpu.memory_space<vmem>>) offsets(%dma_start3A_82 : memref<128xi32, #tpu.memory_space<vmem>>) semaphore(%dma_start3A_87 : memref<!tpu.dma_semaphore, #tpu.memory_space<semaphore_mem>>)
    %dma_start3A_88 = arith.constant 0 : i32
    %dma_start3A_89 = arith.constant 5 : i32
    %dma_start3A_90 = arith.constant 0 : i32
    %dma_start3A_91 = arith.constant 5 : i32
    %dma_start3A_92 = arith.constant 0 : i32
    %dma_start3A_93 = arith.constant 0 : i32
    %dma_start3A_94 = arith.constant 0 : i32
    %dma_start3A_95 = tpu.memref_slice %arg13[%dma_start3A_90, %dma_start3A_91, %dma_start3A_93, %dma_start3A_94] : memref<2x8x128x32xf32, #tpu.memory_space<vmem>> -> memref<1x1x128x32xf32, #tpu.memory_space<vmem>>
    %dma_start3A_96 = tpu.memref_squeeze %dma_start3A_95 : memref<1x1x128x32xf32, #tpu.memory_space<vmem>> -> memref<128x32xf32, #tpu.memory_space<vmem>>
    %dma_start3A_97 = arith.constant 0 : i32
    %dma_start3A_98 = tpu.memref_slice %arg12[%dma_start3A_88, %dma_start3A_89, %dma_start3A_97] : memref<2x8x128xi32, #tpu.memory_space<vmem>> -> memref<1x1x128xi32, #tpu.memory_space<vmem>>
    %dma_start3A_99 = tpu.memref_squeeze %dma_start3A_98 : memref<1x1x128xi32, #tpu.memory_space<vmem>> -> memref<128xi32, #tpu.memory_space<vmem>>
    %dma_start3A_100 = arith.constant 0 : i32
    %dma_start3A_101 = arith.constant 0 : i32
    %dma_start3A_102 = tpu.memref_slice %arg8[%dma_start3A_100, %dma_start3A_101] : memref<100103x32xf32, #tpu.memory_space<hbm>> -> memref<100103x32xf32, #tpu.memory_space<hbm>>
    %dma_start3A_103 = tpu.memref_slice %arg14[%dma_start3A_92] : memref<2x!tpu.dma_semaphore, #tpu.memory_space<semaphore_mem>> -> memref<1x!tpu.dma_semaphore, #tpu.memory_space<semaphore_mem>>
    %dma_start3A_104 = tpu.memref_squeeze %dma_start3A_103 : memref<1x!tpu.dma_semaphore, #tpu.memory_space<semaphore_mem>> -> memref<!tpu.dma_semaphore, #tpu.memory_space<semaphore_mem>>
    tpu.enqueue_indirect_dma source(%dma_start3A_102 : memref<100103x32xf32, #tpu.memory_space<hbm>>) target(%dma_start3A_96 : memref<128x32xf32, #tpu.memory_space<vmem>>) offsets(%dma_start3A_99 : memref<128xi32, #tpu.memory_space<vmem>>) semaphore(%dma_start3A_104 : memref<!tpu.dma_semaphore, #tpu.memory_space<semaphore_mem>>)
    %dma_start3A_105 = arith.constant 0 : i32
    %dma_start3A_106 = arith.constant 6 : i32
    %dma_start3A_107 = arith.constant 0 : i32
    %dma_start3A_108 = arith.constant 6 : i32
    %dma_start3A_109 = arith.constant 0 : i32
    %dma_start3A_110 = arith.constant 0 : i32
    %dma_start3A_111 = arith.constant 0 : i32
    %dma_start3A_112 = tpu.memref_slice %arg13[%dma_start3A_107, %dma_start3A_108, %dma_start3A_110, %dma_start3A_111] : memref<2x8x128x32xf32, #tpu.memory_space<vmem>> -> memref<1x1x128x32xf32, #tpu.memory_space<vmem>>
    %dma_start3A_113 = tpu.memref_squeeze %dma_start3A_112 : memref<1x1x128x32xf32, #tpu.memory_space<vmem>> -> memref<128x32xf32, #tpu.memory_space<vmem>>
    %dma_start3A_114 = arith.constant 0 : i32
    %dma_start3A_115 = tpu.memref_slice %arg12[%dma_start3A_105, %dma_start3A_106, %dma_start3A_114] : memref<2x8x128xi32, #tpu.memory_space<vmem>> -> memref<1x1x128xi32, #tpu.memory_space<vmem>>
    %dma_start3A_116 = tpu.memref_squeeze %dma_start3A_115 : memref<1x1x128xi32, #tpu.memory_space<vmem>> -> memref<128xi32, #tpu.memory_space<vmem>>
    %dma_start3A_117 = arith.constant 0 : i32
    %dma_start3A_118 = arith.constant 0 : i32
    %dma_start3A_119 = tpu.memref_slice %arg9[%dma_start3A_117, %dma_start3A_118] : memref<100109x32xf32, #tpu.memory_space<hbm>> -> memref<100109x32xf32, #tpu.memory_space<hbm>>
    %dma_start3A_120 = tpu.memref_slice %arg14[%dma_start3A_109] : memref<2x!tpu.dma_semaphore, #tpu.memory_space<semaphore_mem>> -> memref<1x!tpu.dma_semaphore, #tpu.memory_space<semaphore_mem>>
    %dma_start3A_121 = tpu.memref_squeeze %dma_start3A_120 : memref<1x!tpu.dma_semaphore, #tpu.memory_space<semaphore_mem>> -> memref<!tpu.dma_semaphore, #tpu.memory_space<semaphore_mem>>
    tpu.enqueue_indirect_dma source(%dma_start3A_119 : memref<100109x32xf32, #tpu.memory_space<hbm>>) target(%dma_start3A_113 : memref<128x32xf32, #tpu.memory_space<vmem>>) offsets(%dma_start3A_116 : memref<128xi32, #tpu.memory_space<vmem>>) semaphore(%dma_start3A_121 : memref<!tpu.dma_semaphore, #tpu.memory_space<semaphore_mem>>)
    %dma_start3A_122 = arith.constant 0 : i32
    %dma_start3A_123 = arith.constant 7 : i32
    %dma_start3A_124 = arith.constant 0 : i32
    %dma_start3A_125 = arith.constant 7 : i32
    %dma_start3A_126 = arith.constant 0 : i32
    %dma_start3A_127 = arith.constant 0 : i32
    %dma_start3A_128 = arith.constant 0 : i32
    %dma_start3A_129 = tpu.memref_slice %arg13[%dma_start3A_124, %dma_start3A_125, %dma_start3A_127, %dma_start3A_128] : memref<2x8x128x32xf32, #tpu.memory_space<vmem>> -> memref<1x1x128x32xf32, #tpu.memory_space<vmem>>
    %dma_start3A_130 = tpu.memref_squeeze %dma_start3A_129 : memref<1x1x128x32xf32, #tpu.memory_space<vmem>> -> memref<128x32xf32, #tpu.memory_space<vmem>>
    %dma_start3A_131 = arith.constant 0 : i32
    %dma_start3A_132 = tpu.memref_slice %arg12[%dma_start3A_122, %dma_start3A_123, %dma_start3A_131] : memref<2x8x128xi32, #tpu.memory_space<vmem>> -> memref<1x1x128xi32, #tpu.memory_space<vmem>>
    %dma_start3A_133 = tpu.memref_squeeze %dma_start3A_132 : memref<1x1x128xi32, #tpu.memory_space<vmem>> -> memref<128xi32, #tpu.memory_space<vmem>>
    %dma_start3A_134 = arith.constant 0 : i32
    %dma_start3A_135 = arith.constant 0 : i32
    %dma_start3A_136 = tpu.memref_slice %arg10[%dma_start3A_134, %dma_start3A_135] : memref<100129x32xf32, #tpu.memory_space<hbm>> -> memref<100129x32xf32, #tpu.memory_space<hbm>>
    %dma_start3A_137 = tpu.memref_slice %arg14[%dma_start3A_126] : memref<2x!tpu.dma_semaphore, #tpu.memory_space<semaphore_mem>> -> memref<1x!tpu.dma_semaphore, #tpu.memory_space<semaphore_mem>>
    %dma_start3A_138 = tpu.memref_squeeze %dma_start3A_137 : memref<1x!tpu.dma_semaphore, #tpu.memory_space<semaphore_mem>> -> memref<!tpu.dma_semaphore, #tpu.memory_space<semaphore_mem>>
    tpu.enqueue_indirect_dma source(%dma_start3A_136 : memref<100129x32xf32, #tpu.memory_space<hbm>>) target(%dma_start3A_130 : memref<128x32xf32, #tpu.memory_space<vmem>>) offsets(%dma_start3A_133 : memref<128xi32, #tpu.memory_space<vmem>>) semaphore(%dma_start3A_138 : memref<!tpu.dma_semaphore, #tpu.memory_space<semaphore_mem>>)
    %scan3A = arith.constant 0 : i32
    %scan3A_139 = arith.constant 0 : i32
    %scan3A_140 = arith.constant 25 : i32
    %scan3A_141 = arith.addi %scan3A_139, %scan3A_140 : i32
    %scan3A_142 = arith.constant 1 : i32
    scf.for %scan3A_463 = %scan3A_139 to %scan3A_141 step %scan3A_142  : i32 {
      %mul3A_464 = arith.constant 2 : i32
      %mul3A_465 = arith.muli %scan3A_463, %mul3A_464 : i32
      %add3A_466 = arith.constant 0 : i32
      %add3A_467 = arith.addi %mul3A_465, %add3A_466 : i32
      %add3A_468 = arith.constant 1 : i32
      %add3A_469 = arith.addi %add3A_467, %add3A_468 : i32
      %lt3A = arith.constant 50 : i32
      %lt3A_470 = arith.cmpi slt, %add3A_469, %lt3A : i32
      %convert_element_type3A = arith.extui %lt3A_470 : i1 to i32
      %cond3A = arith.constant 0 : i32
      %cond3A_471 = arith.cmpi ne, %convert_element_type3A, %cond3A : i32
      scf.if %cond3A_471 {
        %ge3A = arith.constant 1 : i32
        %ge3A_1059 = arith.cmpi sge, %add3A_467, %ge3A : i32
        %convert_element_type3A_1060 = arith.extui %ge3A_1059 : i1 to i32
        %cond3A_1061 = arith.constant 0 : i32
        %cond3A_1062 = arith.cmpi ne, %convert_element_type3A_1060, %cond3A_1061 : i32
        scf.if %cond3A_1062 {
          %sub3A = arith.constant 1 : i32
          %sub3A_1202 = arith.subi %add3A_467, %sub3A : i32
          %dma_wait3A_1203 = arith.constant 1 : i32
          %dma_wait3A_1204 = arith.constant 0 : i32
          %dma_wait3A_1205 = arith.constant 1 : i32
          %dma_wait3A_1206 = arith.constant 0 : i32
          %dma_wait3A_1207 = arith.constant 0 : i32
          %dma_wait3A_1208 = tpu.memref_slice %arg13[%dma_wait3A_1203, %dma_wait3A_1204, %dma_wait3A_1206, %dma_wait3A_1207] : memref<2x8x128x32xf32, #tpu.memory_space<vmem>> -> memref<1x1x128x32xf32, #tpu.memory_space<vmem>>
          %dma_wait3A_1209 = tpu.memref_squeeze %dma_wait3A_1208 : memref<1x1x128x32xf32, #tpu.memory_space<vmem>> -> memref<128x32xf32, #tpu.memory_space<vmem>>
          %dma_wait3A_1210 = arith.constant 0 : i32
          %dma_wait3A_1211 = tpu.memref_slice %arg11[%sub3A_1202, %mul3A_2, %dma_wait3A_1210] : memref<50x4096x256xf32, #tpu.memory_space<hbm>> -> memref<1x128x32xf32, #tpu.memory_space<hbm>>
          %dma_wait3A_1212 = tpu.memref_squeeze %dma_wait3A_1211 : memref<1x128x32xf32, #tpu.memory_space<hbm>> -> memref<128x32xf32, #tpu.memory_space<hbm>>
          %dma_wait3A_1213 = tpu.memref_slice %arg15[%dma_wait3A_1205] : memref<2x!tpu.dma_semaphore, #tpu.memory_space<semaphore_mem>> -> memref<1x!tpu.dma_semaphore, #tpu.memory_space<semaphore_mem>>
          %dma_wait3A_1214 = tpu.memref_squeeze %dma_wait3A_1213 : memref<1x!tpu.dma_semaphore, #tpu.memory_space<semaphore_mem>> -> memref<!tpu.dma_semaphore, #tpu.memory_space<semaphore_mem>>
          %dma_wait3A_1215 = arith.constant 0 : i32
          %dma_wait3A_1216 = tpu.memref_slice %arg11[%sub3A_1202, %mul3A_2, %dma_wait3A_1215] : memref<50x4096x256xf32, #tpu.memory_space<hbm>> -> memref<1x128x32xf32, #tpu.memory_space<hbm>>
          %dma_wait3A_1217 = tpu.memref_squeeze %dma_wait3A_1216 : memref<1x128x32xf32, #tpu.memory_space<hbm>> -> memref<128x32xf32, #tpu.memory_space<hbm>>
          %dma_wait3A_1218 = arith.constant 0 : i32
          %dma_wait3A_1219 = arith.constant 0 : i32
          %dma_wait3A_1220 = tpu.memref_slice %arg13[%dma_wait3A_1203, %dma_wait3A_1204, %dma_wait3A_1218, %dma_wait3A_1219] : memref<2x8x128x32xf32, #tpu.memory_space<vmem>> -> memref<1x1x128x32xf32, #tpu.memory_space<vmem>>
          %dma_wait3A_1221 = tpu.memref_squeeze %dma_wait3A_1220 : memref<1x1x128x32xf32, #tpu.memory_space<vmem>> -> memref<128x32xf32, #tpu.memory_space<vmem>>
          tpu.wait_dma2 semaphore(%dma_wait3A_1214 : memref<!tpu.dma_semaphore, #tpu.memory_space<semaphore_mem>>) src(%dma_wait3A_1221 : memref<128x32xf32, #tpu.memory_space<vmem>>) dst(%dma_wait3A_1217 : memref<128x32xf32, #tpu.memory_space<hbm>>)
          %dma_wait3A_1222 = arith.constant 1 : i32
          %dma_wait3A_1223 = arith.constant 1 : i32
          %dma_wait3A_1224 = arith.constant 1 : i32
          %dma_wait3A_1225 = arith.constant 0 : i32
          %dma_wait3A_1226 = arith.constant 0 : i32
          %dma_wait3A_1227 = tpu.memref_slice %arg13[%dma_wait3A_1222, %dma_wait3A_1223, %dma_wait3A_1225, %dma_wait3A_1226] : memref<2x8x128x32xf32, #tpu.memory_space<vmem>> -> memref<1x1x128x32xf32, #tpu.memory_space<vmem>>
          %dma_wait3A_1228 = tpu.memref_squeeze %dma_wait3A_1227 : memref<1x1x128x32xf32, #tpu.memory_space<vmem>> -> memref<128x32xf32, #tpu.memory_space<vmem>>
          %dma_wait3A_1229 = arith.constant 32 : i32
          %dma_wait3A_1230 = tpu.memref_slice %arg11[%sub3A_1202, %mul3A_2, %dma_wait3A_1229] : memref<50x4096x256xf32, #tpu.memory_space<hbm>> -> memref<1x128x32xf32, #tpu.memory_space<hbm>>
          %dma_wait3A_1231 = tpu.memref_squeeze %dma_wait3A_1230 : memref<1x128x32xf32, #tpu.memory_space<hbm>> -> memref<128x32xf32, #tpu.memory_space<hbm>>
          %dma_wait3A_1232 = tpu.memref_slice %arg15[%dma_wait3A_1224] : memref<2x!tpu.dma_semaphore, #tpu.memory_space<semaphore_mem>> -> memref<1x!tpu.dma_semaphore, #tpu.memory_space<semaphore_mem>>
          %dma_wait3A_1233 = tpu.memref_squeeze %dma_wait3A_1232 : memref<1x!tpu.dma_semaphore, #tpu.memory_space<semaphore_mem>> -> memref<!tpu.dma_semaphore, #tpu.memory_space<semaphore_mem>>
          %dma_wait3A_1234 = arith.constant 32 : i32
          %dma_wait3A_1235 = tpu.memref_slice %arg11[%sub3A_1202, %mul3A_2, %dma_wait3A_1234] : memref<50x4096x256xf32, #tpu.memory_space<hbm>> -> memref<1x128x32xf32, #tpu.memory_space<hbm>>
          %dma_wait3A_1236 = tpu.memref_squeeze %dma_wait3A_1235 : memref<1x128x32xf32, #tpu.memory_space<hbm>> -> memref<128x32xf32, #tpu.memory_space<hbm>>
          %dma_wait3A_1237 = arith.constant 0 : i32
          %dma_wait3A_1238 = arith.constant 0 : i32
          %dma_wait3A_1239 = tpu.memref_slice %arg13[%dma_wait3A_1222, %dma_wait3A_1223, %dma_wait3A_1237, %dma_wait3A_1238] : memref<2x8x128x32xf32, #tpu.memory_space<vmem>> -> memref<1x1x128x32xf32, #tpu.memory_space<vmem>>
          %dma_wait3A_1240 = tpu.memref_squeeze %dma_wait3A_1239 : memref<1x1x128x32xf32, #tpu.memory_space<vmem>> -> memref<128x32xf32, #tpu.memory_space<vmem>>
          tpu.wait_dma2 semaphore(%dma_wait3A_1233 : memref<!tpu.dma_semaphore, #tpu.memory_space<semaphore_mem>>) src(%dma_wait3A_1240 : memref<128x32xf32, #tpu.memory_space<vmem>>) dst(%dma_wait3A_1236 : memref<128x32xf32, #tpu.memory_space<hbm>>)
          %dma_wait3A_1241 = arith.constant 1 : i32
          %dma_wait3A_1242 = arith.constant 2 : i32
          %dma_wait3A_1243 = arith.constant 1 : i32
          %dma_wait3A_1244 = arith.constant 0 : i32
          %dma_wait3A_1245 = arith.constant 0 : i32
          %dma_wait3A_1246 = tpu.memref_slice %arg13[%dma_wait3A_1241, %dma_wait3A_1242, %dma_wait3A_1244, %dma_wait3A_1245] : memref<2x8x128x32xf32, #tpu.memory_space<vmem>> -> memref<1x1x128x32xf32, #tpu.memory_space<vmem>>
          %dma_wait3A_1247 = tpu.memref_squeeze %dma_wait3A_1246 : memref<1x1x128x32xf32, #tpu.memory_space<vmem>> -> memref<128x32xf32, #tpu.memory_space<vmem>>
          %dma_wait3A_1248 = arith.constant 64 : i32
          %dma_wait3A_1249 = tpu.memref_slice %arg11[%sub3A_1202, %mul3A_2, %dma_wait3A_1248] : memref<50x4096x256xf32, #tpu.memory_space<hbm>> -> memref<1x128x32xf32, #tpu.memory_space<hbm>>
          %dma_wait3A_1250 = tpu.memref_squeeze %dma_wait3A_1249 : memref<1x128x32xf32, #tpu.memory_space<hbm>> -> memref<128x32xf32, #tpu.memory_space<hbm>>
          %dma_wait3A_1251 = tpu.memref_slice %arg15[%dma_wait3A_1243] : memref<2x!tpu.dma_semaphore, #tpu.memory_space<semaphore_mem>> -> memref<1x!tpu.dma_semaphore, #tpu.memory_space<semaphore_mem>>
          %dma_wait3A_1252 = tpu.memref_squeeze %dma_wait3A_1251 : memref<1x!tpu.dma_semaphore, #tpu.memory_space<semaphore_mem>> -> memref<!tpu.dma_semaphore, #tpu.memory_space<semaphore_mem>>
          %dma_wait3A_1253 = arith.constant 64 : i32
          %dma_wait3A_1254 = tpu.memref_slice %arg11[%sub3A_1202, %mul3A_2, %dma_wait3A_1253] : memref<50x4096x256xf32, #tpu.memory_space<hbm>> -> memref<1x128x32xf32, #tpu.memory_space<hbm>>
          %dma_wait3A_1255 = tpu.memref_squeeze %dma_wait3A_1254 : memref<1x128x32xf32, #tpu.memory_space<hbm>> -> memref<128x32xf32, #tpu.memory_space<hbm>>
          %dma_wait3A_1256 = arith.constant 0 : i32
          %dma_wait3A_1257 = arith.constant 0 : i32
          %dma_wait3A_1258 = tpu.memref_slice %arg13[%dma_wait3A_1241, %dma_wait3A_1242, %dma_wait3A_1256, %dma_wait3A_1257] : memref<2x8x128x32xf32, #tpu.memory_space<vmem>> -> memref<1x1x128x32xf32, #tpu.memory_space<vmem>>
          %dma_wait3A_1259 = tpu.memref_squeeze %dma_wait3A_1258 : memref<1x1x128x32xf32, #tpu.memory_space<vmem>> -> memref<128x32xf32, #tpu.memory_space<vmem>>
          tpu.wait_dma2 semaphore(%dma_wait3A_1252 : memref<!tpu.dma_semaphore, #tpu.memory_space<semaphore_mem>>) src(%dma_wait3A_1259 : memref<128x32xf32, #tpu.memory_space<vmem>>) dst(%dma_wait3A_1255 : memref<128x32xf32, #tpu.memory_space<hbm>>)
          %dma_wait3A_1260 = arith.constant 1 : i32
          %dma_wait3A_1261 = arith.constant 3 : i32
          %dma_wait3A_1262 = arith.constant 1 : i32
          %dma_wait3A_1263 = arith.constant 0 : i32
          %dma_wait3A_1264 = arith.constant 0 : i32
          %dma_wait3A_1265 = tpu.memref_slice %arg13[%dma_wait3A_1260, %dma_wait3A_1261, %dma_wait3A_1263, %dma_wait3A_1264] : memref<2x8x128x32xf32, #tpu.memory_space<vmem>> -> memref<1x1x128x32xf32, #tpu.memory_space<vmem>>
          %dma_wait3A_1266 = tpu.memref_squeeze %dma_wait3A_1265 : memref<1x1x128x32xf32, #tpu.memory_space<vmem>> -> memref<128x32xf32, #tpu.memory_space<vmem>>
          %dma_wait3A_1267 = arith.constant 96 : i32
          %dma_wait3A_1268 = tpu.memref_slice %arg11[%sub3A_1202, %mul3A_2, %dma_wait3A_1267] : memref<50x4096x256xf32, #tpu.memory_space<hbm>> -> memref<1x128x32xf32, #tpu.memory_space<hbm>>
          %dma_wait3A_1269 = tpu.memref_squeeze %dma_wait3A_1268 : memref<1x128x32xf32, #tpu.memory_space<hbm>> -> memref<128x32xf32, #tpu.memory_space<hbm>>
          %dma_wait3A_1270 = tpu.memref_slice %arg15[%dma_wait3A_1262] : memref<2x!tpu.dma_semaphore, #tpu.memory_space<semaphore_mem>> -> memref<1x!tpu.dma_semaphore, #tpu.memory_space<semaphore_mem>>
          %dma_wait3A_1271 = tpu.memref_squeeze %dma_wait3A_1270 : memref<1x!tpu.dma_semaphore, #tpu.memory_space<semaphore_mem>> -> memref<!tpu.dma_semaphore, #tpu.memory_space<semaphore_mem>>
          %dma_wait3A_1272 = arith.constant 96 : i32
          %dma_wait3A_1273 = tpu.memref_slice %arg11[%sub3A_1202, %mul3A_2, %dma_wait3A_1272] : memref<50x4096x256xf32, #tpu.memory_space<hbm>> -> memref<1x128x32xf32, #tpu.memory_space<hbm>>
          %dma_wait3A_1274 = tpu.memref_squeeze %dma_wait3A_1273 : memref<1x128x32xf32, #tpu.memory_space<hbm>> -> memref<128x32xf32, #tpu.memory_space<hbm>>
          %dma_wait3A_1275 = arith.constant 0 : i32
          %dma_wait3A_1276 = arith.constant 0 : i32
          %dma_wait3A_1277 = tpu.memref_slice %arg13[%dma_wait3A_1260, %dma_wait3A_1261, %dma_wait3A_1275, %dma_wait3A_1276] : memref<2x8x128x32xf32, #tpu.memory_space<vmem>> -> memref<1x1x128x32xf32, #tpu.memory_space<vmem>>
          %dma_wait3A_1278 = tpu.memref_squeeze %dma_wait3A_1277 : memref<1x1x128x32xf32, #tpu.memory_space<vmem>> -> memref<128x32xf32, #tpu.memory_space<vmem>>
          tpu.wait_dma2 semaphore(%dma_wait3A_1271 : memref<!tpu.dma_semaphore, #tpu.memory_space<semaphore_mem>>) src(%dma_wait3A_1278 : memref<128x32xf32, #tpu.memory_space<vmem>>) dst(%dma_wait3A_1274 : memref<128x32xf32, #tpu.memory_space<hbm>>)
          %dma_wait3A_1279 = arith.constant 1 : i32
          %dma_wait3A_1280 = arith.constant 4 : i32
          %dma_wait3A_1281 = arith.constant 1 : i32
          %dma_wait3A_1282 = arith.constant 0 : i32
          %dma_wait3A_1283 = arith.constant 0 : i32
          %dma_wait3A_1284 = tpu.memref_slice %arg13[%dma_wait3A_1279, %dma_wait3A_1280, %dma_wait3A_1282, %dma_wait3A_1283] : memref<2x8x128x32xf32, #tpu.memory_space<vmem>> -> memref<1x1x128x32xf32, #tpu.memory_space<vmem>>
          %dma_wait3A_1285 = tpu.memref_squeeze %dma_wait3A_1284 : memref<1x1x128x32xf32, #tpu.memory_space<vmem>> -> memref<128x32xf32, #tpu.memory_space<vmem>>
          %dma_wait3A_1286 = arith.constant 128 : i32
          %dma_wait3A_1287 = tpu.memref_slice %arg11[%sub3A_1202, %mul3A_2, %dma_wait3A_1286] : memref<50x4096x256xf32, #tpu.memory_space<hbm>> -> memref<1x128x32xf32, #tpu.memory_space<hbm>>
          %dma_wait3A_1288 = tpu.memref_squeeze %dma_wait3A_1287 : memref<1x128x32xf32, #tpu.memory_space<hbm>> -> memref<128x32xf32, #tpu.memory_space<hbm>>
          %dma_wait3A_1289 = tpu.memref_slice %arg15[%dma_wait3A_1281] : memref<2x!tpu.dma_semaphore, #tpu.memory_space<semaphore_mem>> -> memref<1x!tpu.dma_semaphore, #tpu.memory_space<semaphore_mem>>
          %dma_wait3A_1290 = tpu.memref_squeeze %dma_wait3A_1289 : memref<1x!tpu.dma_semaphore, #tpu.memory_space<semaphore_mem>> -> memref<!tpu.dma_semaphore, #tpu.memory_space<semaphore_mem>>
          %dma_wait3A_1291 = arith.constant 128 : i32
          %dma_wait3A_1292 = tpu.memref_slice %arg11[%sub3A_1202, %mul3A_2, %dma_wait3A_1291] : memref<50x4096x256xf32, #tpu.memory_space<hbm>> -> memref<1x128x32xf32, #tpu.memory_space<hbm>>
          %dma_wait3A_1293 = tpu.memref_squeeze %dma_wait3A_1292 : memref<1x128x32xf32, #tpu.memory_space<hbm>> -> memref<128x32xf32, #tpu.memory_space<hbm>>
          %dma_wait3A_1294 = arith.constant 0 : i32
          %dma_wait3A_1295 = arith.constant 0 : i32
          %dma_wait3A_1296 = tpu.memref_slice %arg13[%dma_wait3A_1279, %dma_wait3A_1280, %dma_wait3A_1294, %dma_wait3A_1295] : memref<2x8x128x32xf32, #tpu.memory_space<vmem>> -> memref<1x1x128x32xf32, #tpu.memory_space<vmem>>
          %dma_wait3A_1297 = tpu.memref_squeeze %dma_wait3A_1296 : memref<1x1x128x32xf32, #tpu.memory_space<vmem>> -> memref<128x32xf32, #tpu.memory_space<vmem>>
          tpu.wait_dma2 semaphore(%dma_wait3A_1290 : memref<!tpu.dma_semaphore, #tpu.memory_space<semaphore_mem>>) src(%dma_wait3A_1297 : memref<128x32xf32, #tpu.memory_space<vmem>>) dst(%dma_wait3A_1293 : memref<128x32xf32, #tpu.memory_space<hbm>>)
          %dma_wait3A_1298 = arith.constant 1 : i32
          %dma_wait3A_1299 = arith.constant 5 : i32
          %dma_wait3A_1300 = arith.constant 1 : i32
          %dma_wait3A_1301 = arith.constant 0 : i32
          %dma_wait3A_1302 = arith.constant 0 : i32
          %dma_wait3A_1303 = tpu.memref_slice %arg13[%dma_wait3A_1298, %dma_wait3A_1299, %dma_wait3A_1301, %dma_wait3A_1302] : memref<2x8x128x32xf32, #tpu.memory_space<vmem>> -> memref<1x1x128x32xf32, #tpu.memory_space<vmem>>
          %dma_wait3A_1304 = tpu.memref_squeeze %dma_wait3A_1303 : memref<1x1x128x32xf32, #tpu.memory_space<vmem>> -> memref<128x32xf32, #tpu.memory_space<vmem>>
          %dma_wait3A_1305 = arith.constant 160 : i32
          %dma_wait3A_1306 = tpu.memref_slice %arg11[%sub3A_1202, %mul3A_2, %dma_wait3A_1305] : memref<50x4096x256xf32, #tpu.memory_space<hbm>> -> memref<1x128x32xf32, #tpu.memory_space<hbm>>
          %dma_wait3A_1307 = tpu.memref_squeeze %dma_wait3A_1306 : memref<1x128x32xf32, #tpu.memory_space<hbm>> -> memref<128x32xf32, #tpu.memory_space<hbm>>
          %dma_wait3A_1308 = tpu.memref_slice %arg15[%dma_wait3A_1300] : memref<2x!tpu.dma_semaphore, #tpu.memory_space<semaphore_mem>> -> memref<1x!tpu.dma_semaphore, #tpu.memory_space<semaphore_mem>>
          %dma_wait3A_1309 = tpu.memref_squeeze %dma_wait3A_1308 : memref<1x!tpu.dma_semaphore, #tpu.memory_space<semaphore_mem>> -> memref<!tpu.dma_semaphore, #tpu.memory_space<semaphore_mem>>
          %dma_wait3A_1310 = arith.constant 160 : i32
          %dma_wait3A_1311 = tpu.memref_slice %arg11[%sub3A_1202, %mul3A_2, %dma_wait3A_1310] : memref<50x4096x256xf32, #tpu.memory_space<hbm>> -> memref<1x128x32xf32, #tpu.memory_space<hbm>>
          %dma_wait3A_1312 = tpu.memref_squeeze %dma_wait3A_1311 : memref<1x128x32xf32, #tpu.memory_space<hbm>> -> memref<128x32xf32, #tpu.memory_space<hbm>>
          %dma_wait3A_1313 = arith.constant 0 : i32
          %dma_wait3A_1314 = arith.constant 0 : i32
          %dma_wait3A_1315 = tpu.memref_slice %arg13[%dma_wait3A_1298, %dma_wait3A_1299, %dma_wait3A_1313, %dma_wait3A_1314] : memref<2x8x128x32xf32, #tpu.memory_space<vmem>> -> memref<1x1x128x32xf32, #tpu.memory_space<vmem>>
          %dma_wait3A_1316 = tpu.memref_squeeze %dma_wait3A_1315 : memref<1x1x128x32xf32, #tpu.memory_space<vmem>> -> memref<128x32xf32, #tpu.memory_space<vmem>>
          tpu.wait_dma2 semaphore(%dma_wait3A_1309 : memref<!tpu.dma_semaphore, #tpu.memory_space<semaphore_mem>>) src(%dma_wait3A_1316 : memref<128x32xf32, #tpu.memory_space<vmem>>) dst(%dma_wait3A_1312 : memref<128x32xf32, #tpu.memory_space<hbm>>)
          %dma_wait3A_1317 = arith.constant 1 : i32
          %dma_wait3A_1318 = arith.constant 6 : i32
          %dma_wait3A_1319 = arith.constant 1 : i32
          %dma_wait3A_1320 = arith.constant 0 : i32
          %dma_wait3A_1321 = arith.constant 0 : i32
          %dma_wait3A_1322 = tpu.memref_slice %arg13[%dma_wait3A_1317, %dma_wait3A_1318, %dma_wait3A_1320, %dma_wait3A_1321] : memref<2x8x128x32xf32, #tpu.memory_space<vmem>> -> memref<1x1x128x32xf32, #tpu.memory_space<vmem>>
          %dma_wait3A_1323 = tpu.memref_squeeze %dma_wait3A_1322 : memref<1x1x128x32xf32, #tpu.memory_space<vmem>> -> memref<128x32xf32, #tpu.memory_space<vmem>>
          %dma_wait3A_1324 = arith.constant 192 : i32
          %dma_wait3A_1325 = tpu.memref_slice %arg11[%sub3A_1202, %mul3A_2, %dma_wait3A_1324] : memref<50x4096x256xf32, #tpu.memory_space<hbm>> -> memref<1x128x32xf32, #tpu.memory_space<hbm>>
          %dma_wait3A_1326 = tpu.memref_squeeze %dma_wait3A_1325 : memref<1x128x32xf32, #tpu.memory_space<hbm>> -> memref<128x32xf32, #tpu.memory_space<hbm>>
          %dma_wait3A_1327 = tpu.memref_slice %arg15[%dma_wait3A_1319] : memref<2x!tpu.dma_semaphore, #tpu.memory_space<semaphore_mem>> -> memref<1x!tpu.dma_semaphore, #tpu.memory_space<semaphore_mem>>
          %dma_wait3A_1328 = tpu.memref_squeeze %dma_wait3A_1327 : memref<1x!tpu.dma_semaphore, #tpu.memory_space<semaphore_mem>> -> memref<!tpu.dma_semaphore, #tpu.memory_space<semaphore_mem>>
          %dma_wait3A_1329 = arith.constant 192 : i32
          %dma_wait3A_1330 = tpu.memref_slice %arg11[%sub3A_1202, %mul3A_2, %dma_wait3A_1329] : memref<50x4096x256xf32, #tpu.memory_space<hbm>> -> memref<1x128x32xf32, #tpu.memory_space<hbm>>
          %dma_wait3A_1331 = tpu.memref_squeeze %dma_wait3A_1330 : memref<1x128x32xf32, #tpu.memory_space<hbm>> -> memref<128x32xf32, #tpu.memory_space<hbm>>
          %dma_wait3A_1332 = arith.constant 0 : i32
          %dma_wait3A_1333 = arith.constant 0 : i32
          %dma_wait3A_1334 = tpu.memref_slice %arg13[%dma_wait3A_1317, %dma_wait3A_1318, %dma_wait3A_1332, %dma_wait3A_1333] : memref<2x8x128x32xf32, #tpu.memory_space<vmem>> -> memref<1x1x128x32xf32, #tpu.memory_space<vmem>>
          %dma_wait3A_1335 = tpu.memref_squeeze %dma_wait3A_1334 : memref<1x1x128x32xf32, #tpu.memory_space<vmem>> -> memref<128x32xf32, #tpu.memory_space<vmem>>
          tpu.wait_dma2 semaphore(%dma_wait3A_1328 : memref<!tpu.dma_semaphore, #tpu.memory_space<semaphore_mem>>) src(%dma_wait3A_1335 : memref<128x32xf32, #tpu.memory_space<vmem>>) dst(%dma_wait3A_1331 : memref<128x32xf32, #tpu.memory_space<hbm>>)
          %dma_wait3A_1336 = arith.constant 1 : i32
          %dma_wait3A_1337 = arith.constant 7 : i32
          %dma_wait3A_1338 = arith.constant 1 : i32
          %dma_wait3A_1339 = arith.constant 0 : i32
          %dma_wait3A_1340 = arith.constant 0 : i32
          %dma_wait3A_1341 = tpu.memref_slice %arg13[%dma_wait3A_1336, %dma_wait3A_1337, %dma_wait3A_1339, %dma_wait3A_1340] : memref<2x8x128x32xf32, #tpu.memory_space<vmem>> -> memref<1x1x128x32xf32, #tpu.memory_space<vmem>>
          %dma_wait3A_1342 = tpu.memref_squeeze %dma_wait3A_1341 : memref<1x1x128x32xf32, #tpu.memory_space<vmem>> -> memref<128x32xf32, #tpu.memory_space<vmem>>
          %dma_wait3A_1343 = arith.constant 224 : i32
          %dma_wait3A_1344 = tpu.memref_slice %arg11[%sub3A_1202, %mul3A_2, %dma_wait3A_1343] : memref<50x4096x256xf32, #tpu.memory_space<hbm>> -> memref<1x128x32xf32, #tpu.memory_space<hbm>>
          %dma_wait3A_1345 = tpu.memref_squeeze %dma_wait3A_1344 : memref<1x128x32xf32, #tpu.memory_space<hbm>> -> memref<128x32xf32, #tpu.memory_space<hbm>>
          %dma_wait3A_1346 = tpu.memref_slice %arg15[%dma_wait3A_1338] : memref<2x!tpu.dma_semaphore, #tpu.memory_space<semaphore_mem>> -> memref<1x!tpu.dma_semaphore, #tpu.memory_space<semaphore_mem>>
          %dma_wait3A_1347 = tpu.memref_squeeze %dma_wait3A_1346 : memref<1x!tpu.dma_semaphore, #tpu.memory_space<semaphore_mem>> -> memref<!tpu.dma_semaphore, #tpu.memory_space<semaphore_mem>>
          %dma_wait3A_1348 = arith.constant 224 : i32
          %dma_wait3A_1349 = tpu.memref_slice %arg11[%sub3A_1202, %mul3A_2, %dma_wait3A_1348] : memref<50x4096x256xf32, #tpu.memory_space<hbm>> -> memref<1x128x32xf32, #tpu.memory_space<hbm>>
          %dma_wait3A_1350 = tpu.memref_squeeze %dma_wait3A_1349 : memref<1x128x32xf32, #tpu.memory_space<hbm>> -> memref<128x32xf32, #tpu.memory_space<hbm>>
          %dma_wait3A_1351 = arith.constant 0 : i32
          %dma_wait3A_1352 = arith.constant 0 : i32
          %dma_wait3A_1353 = tpu.memref_slice %arg13[%dma_wait3A_1336, %dma_wait3A_1337, %dma_wait3A_1351, %dma_wait3A_1352] : memref<2x8x128x32xf32, #tpu.memory_space<vmem>> -> memref<1x1x128x32xf32, #tpu.memory_space<vmem>>
          %dma_wait3A_1354 = tpu.memref_squeeze %dma_wait3A_1353 : memref<1x1x128x32xf32, #tpu.memory_space<vmem>> -> memref<128x32xf32, #tpu.memory_space<vmem>>
          tpu.wait_dma2 semaphore(%dma_wait3A_1347 : memref<!tpu.dma_semaphore, #tpu.memory_space<semaphore_mem>>) src(%dma_wait3A_1354 : memref<128x32xf32, #tpu.memory_space<vmem>>) dst(%dma_wait3A_1350 : memref<128x32xf32, #tpu.memory_space<hbm>>)
        } else {
        }
        %add3A_1063 = arith.constant 1 : i32
        %add3A_1064 = arith.addi %add3A_467, %add3A_1063 : i32
        %run_scoped3A_1065 = arith.constant 1 : i32
        "tpu.region"() ({
          %run_scoped3A_1202 = tpu.sem_alloc : memref<!tpu.dma_semaphore, #tpu.memory_space<semaphore_mem>>
          %dma_start3A_1203 = arith.constant 0 : i32
          %dma_start3A_1204 = arith.constant 0 : i32
          %dma_start3A_1205 = tpu.memref_slice %arg12[%run_scoped3A_1065, %dma_start3A_1203, %dma_start3A_1204] : memref<2x8x128xi32, #tpu.memory_space<vmem>> -> memref<1x8x128xi32, #tpu.memory_space<vmem>>
          %dma_start3A_1206 = tpu.memref_squeeze %dma_start3A_1205 : memref<1x8x128xi32, #tpu.memory_space<vmem>> -> memref<8x128xi32, #tpu.memory_space<vmem>>
          %dma_start3A_1207 = arith.constant 0 : i32
          %dma_start3A_1208 = arith.constant 0 : i32
          %dma_start3A_1209 = tpu.memref_slice %arg2[%add3A_1064, %add3A, %dma_start3A_1207, %dma_start3A_1208] : memref<50x32x8x128xi32, #tpu.memory_space<hbm>> -> memref<1x1x8x128xi32, #tpu.memory_space<hbm>>
          %dma_start3A_1210 = tpu.memref_squeeze %dma_start3A_1209 : memref<1x1x8x128xi32, #tpu.memory_space<hbm>> -> memref<8x128xi32, #tpu.memory_space<hbm>>
          %dma_start3A_1211 = arith.constant 0 : i32
          %dma_start3A_1212 = arith.constant 0 : i32
          %dma_start3A_1213 = tpu.memref_slice %arg12[%run_scoped3A_1065, %dma_start3A_1211, %dma_start3A_1212] : memref<2x8x128xi32, #tpu.memory_space<vmem>> -> memref<1x8x128xi32, #tpu.memory_space<vmem>>
          %dma_start3A_1214 = tpu.memref_squeeze %dma_start3A_1213 : memref<1x8x128xi32, #tpu.memory_space<vmem>> -> memref<8x128xi32, #tpu.memory_space<vmem>>
          %dma_start3A_1215 = arith.constant 0 : i32
          %dma_start3A_1216 = arith.constant 0 : i32
          %dma_start3A_1217 = tpu.memref_slice %arg2[%add3A_1064, %add3A, %dma_start3A_1215, %dma_start3A_1216] : memref<50x32x8x128xi32, #tpu.memory_space<hbm>> -> memref<1x1x8x128xi32, #tpu.memory_space<hbm>>
          %dma_start3A_1218 = tpu.memref_squeeze %dma_start3A_1217 : memref<1x1x8x128xi32, #tpu.memory_space<hbm>> -> memref<8x128xi32, #tpu.memory_space<hbm>>
          tpu.enqueue_dma source(%dma_start3A_1218 : memref<8x128xi32, #tpu.memory_space<hbm>>) target(%dma_start3A_1214 : memref<8x128xi32, #tpu.memory_space<vmem>>) target_semaphore(%run_scoped3A_1202 : memref<!tpu.dma_semaphore, #tpu.memory_space<semaphore_mem>>)
          %dma_wait3A_1219 = arith.constant 0 : i32
          %dma_wait3A_1220 = arith.constant 0 : i32
          %dma_wait3A_1221 = tpu.memref_slice %arg12[%run_scoped3A_1065, %dma_wait3A_1219, %dma_wait3A_1220] : memref<2x8x128xi32, #tpu.memory_space<vmem>> -> memref<1x8x128xi32, #tpu.memory_space<vmem>>
          %dma_wait3A_1222 = tpu.memref_squeeze %dma_wait3A_1221 : memref<1x8x128xi32, #tpu.memory_space<vmem>> -> memref<8x128xi32, #tpu.memory_space<vmem>>
          %dma_wait3A_1223 = arith.constant 0 : i32
          %dma_wait3A_1224 = arith.constant 0 : i32
          %dma_wait3A_1225 = tpu.memref_slice %arg2[%add3A_1064, %add3A, %dma_wait3A_1223, %dma_wait3A_1224] : memref<50x32x8x128xi32, #tpu.memory_space<hbm>> -> memref<1x1x8x128xi32, #tpu.memory_space<hbm>>
          %dma_wait3A_1226 = tpu.memref_squeeze %dma_wait3A_1225 : memref<1x1x8x128xi32, #tpu.memory_space<hbm>> -> memref<8x128xi32, #tpu.memory_space<hbm>>
          %dma_wait3A_1227 = arith.constant 0 : i32
          %dma_wait3A_1228 = arith.constant 0 : i32
          %dma_wait3A_1229 = tpu.memref_slice %arg12[%run_scoped3A_1065, %dma_wait3A_1227, %dma_wait3A_1228] : memref<2x8x128xi32, #tpu.memory_space<vmem>> -> memref<1x8x128xi32, #tpu.memory_space<vmem>>
          %dma_wait3A_1230 = tpu.memref_squeeze %dma_wait3A_1229 : memref<1x8x128xi32, #tpu.memory_space<vmem>> -> memref<8x128xi32, #tpu.memory_space<vmem>>
          %dma_wait3A_1231 = arith.constant 0 : i32
          %dma_wait3A_1232 = arith.constant 0 : i32
          %dma_wait3A_1233 = tpu.memref_slice %arg2[%add3A_1064, %add3A, %dma_wait3A_1231, %dma_wait3A_1232] : memref<50x32x8x128xi32, #tpu.memory_space<hbm>> -> memref<1x1x8x128xi32, #tpu.memory_space<hbm>>
          %dma_wait3A_1234 = tpu.memref_squeeze %dma_wait3A_1233 : memref<1x1x8x128xi32, #tpu.memory_space<hbm>> -> memref<8x128xi32, #tpu.memory_space<hbm>>
          tpu.wait_dma2 semaphore(%run_scoped3A_1202 : memref<!tpu.dma_semaphore, #tpu.memory_space<semaphore_mem>>) src(%dma_wait3A_1234 : memref<8x128xi32, #tpu.memory_space<hbm>>) dst(%dma_wait3A_1230 : memref<8x128xi32, #tpu.memory_space<vmem>>)
          tpu.yield
        }) : () -> ()
        %dma_start3A_1066 = arith.constant 1 : i32
        %dma_start3A_1067 = arith.constant 0 : i32
        %dma_start3A_1068 = arith.constant 1 : i32
        %dma_start3A_1069 = arith.constant 0 : i32
        %dma_start3A_1070 = arith.constant 1 : i32
        %dma_start3A_1071 = arith.constant 0 : i32
        %dma_start3A_1072 = arith.constant 0 : i32
        %dma_start3A_1073 = tpu.memref_slice %arg13[%dma_start3A_1068, %dma_start3A_1069, %dma_start3A_1071, %dma_start3A_1072] : memref<2x8x128x32xf32, #tpu.memory_space<vmem>> -> memref<1x1x128x32xf32, #tpu.memory_space<vmem>>
        %dma_start3A_1074 = tpu.memref_squeeze %dma_start3A_1073 : memref<1x1x128x32xf32, #tpu.memory_space<vmem>> -> memref<128x32xf32, #tpu.memory_space<vmem>>
        %dma_start3A_1075 = arith.constant 0 : i32
        %dma_start3A_1076 = tpu.memref_slice %arg12[%dma_start3A_1066, %dma_start3A_1067, %dma_start3A_1075] : memref<2x8x128xi32, #tpu.memory_space<vmem>> -> memref<1x1x128xi32, #tpu.memory_space<vmem>>
        %dma_start3A_1077 = tpu.memref_squeeze %dma_start3A_1076 : memref<1x1x128xi32, #tpu.memory_space<vmem>> -> memref<128xi32, #tpu.memory_space<vmem>>
        %dma_start3A_1078 = arith.constant 0 : i32
        %dma_start3A_1079 = arith.constant 0 : i32
        %dma_start3A_1080 = tpu.memref_slice %arg3[%dma_start3A_1078, %dma_start3A_1079] : memref<100003x32xf32, #tpu.memory_space<hbm>> -> memref<100003x32xf32, #tpu.memory_space<hbm>>
        %dma_start3A_1081 = tpu.memref_slice %arg14[%dma_start3A_1070] : memref<2x!tpu.dma_semaphore, #tpu.memory_space<semaphore_mem>> -> memref<1x!tpu.dma_semaphore, #tpu.memory_space<semaphore_mem>>
        %dma_start3A_1082 = tpu.memref_squeeze %dma_start3A_1081 : memref<1x!tpu.dma_semaphore, #tpu.memory_space<semaphore_mem>> -> memref<!tpu.dma_semaphore, #tpu.memory_space<semaphore_mem>>
        tpu.enqueue_indirect_dma source(%dma_start3A_1080 : memref<100003x32xf32, #tpu.memory_space<hbm>>) target(%dma_start3A_1074 : memref<128x32xf32, #tpu.memory_space<vmem>>) offsets(%dma_start3A_1077 : memref<128xi32, #tpu.memory_space<vmem>>) semaphore(%dma_start3A_1082 : memref<!tpu.dma_semaphore, #tpu.memory_space<semaphore_mem>>)
        %dma_start3A_1083 = arith.constant 1 : i32
        %dma_start3A_1084 = arith.constant 1 : i32
        %dma_start3A_1085 = arith.constant 1 : i32
        %dma_start3A_1086 = arith.constant 1 : i32
        %dma_start3A_1087 = arith.constant 1 : i32
        %dma_start3A_1088 = arith.constant 0 : i32
        %dma_start3A_1089 = arith.constant 0 : i32
        %dma_start3A_1090 = tpu.memref_slice %arg13[%dma_start3A_1085, %dma_start3A_1086, %dma_start3A_1088, %dma_start3A_1089] : memref<2x8x128x32xf32, #tpu.memory_space<vmem>> -> memref<1x1x128x32xf32, #tpu.memory_space<vmem>>
        %dma_start3A_1091 = tpu.memref_squeeze %dma_start3A_1090 : memref<1x1x128x32xf32, #tpu.memory_space<vmem>> -> memref<128x32xf32, #tpu.memory_space<vmem>>
        %dma_start3A_1092 = arith.constant 0 : i32
        %dma_start3A_1093 = tpu.memref_slice %arg12[%dma_start3A_1083, %dma_start3A_1084, %dma_start3A_1092] : memref<2x8x128xi32, #tpu.memory_space<vmem>> -> memref<1x1x128xi32, #tpu.memory_space<vmem>>
        %dma_start3A_1094 = tpu.memref_squeeze %dma_start3A_1093 : memref<1x1x128xi32, #tpu.memory_space<vmem>> -> memref<128xi32, #tpu.memory_space<vmem>>
        %dma_start3A_1095 = arith.constant 0 : i32
        %dma_start3A_1096 = arith.constant 0 : i32
        %dma_start3A_1097 = tpu.memref_slice %arg4[%dma_start3A_1095, %dma_start3A_1096] : memref<100019x32xf32, #tpu.memory_space<hbm>> -> memref<100019x32xf32, #tpu.memory_space<hbm>>
        %dma_start3A_1098 = tpu.memref_slice %arg14[%dma_start3A_1087] : memref<2x!tpu.dma_semaphore, #tpu.memory_space<semaphore_mem>> -> memref<1x!tpu.dma_semaphore, #tpu.memory_space<semaphore_mem>>
        %dma_start3A_1099 = tpu.memref_squeeze %dma_start3A_1098 : memref<1x!tpu.dma_semaphore, #tpu.memory_space<semaphore_mem>> -> memref<!tpu.dma_semaphore, #tpu.memory_space<semaphore_mem>>
        tpu.enqueue_indirect_dma source(%dma_start3A_1097 : memref<100019x32xf32, #tpu.memory_space<hbm>>) target(%dma_start3A_1091 : memref<128x32xf32, #tpu.memory_space<vmem>>) offsets(%dma_start3A_1094 : memref<128xi32, #tpu.memory_space<vmem>>) semaphore(%dma_start3A_1099 : memref<!tpu.dma_semaphore, #tpu.memory_space<semaphore_mem>>)
        %dma_start3A_1100 = arith.constant 1 : i32
        %dma_start3A_1101 = arith.constant 2 : i32
        %dma_start3A_1102 = arith.constant 1 : i32
        %dma_start3A_1103 = arith.constant 2 : i32
        %dma_start3A_1104 = arith.constant 1 : i32
        %dma_start3A_1105 = arith.constant 0 : i32
        %dma_start3A_1106 = arith.constant 0 : i32
        %dma_start3A_1107 = tpu.memref_slice %arg13[%dma_start3A_1102, %dma_start3A_1103, %dma_start3A_1105, %dma_start3A_1106] : memref<2x8x128x32xf32, #tpu.memory_space<vmem>> -> memref<1x1x128x32xf32, #tpu.memory_space<vmem>>
        %dma_start3A_1108 = tpu.memref_squeeze %dma_start3A_1107 : memref<1x1x128x32xf32, #tpu.memory_space<vmem>> -> memref<128x32xf32, #tpu.memory_space<vmem>>
        %dma_start3A_1109 = arith.constant 0 : i32
        %dma_start3A_1110 = tpu.memref_slice %arg12[%dma_start3A_1100, %dma_start3A_1101, %dma_start3A_1109] : memref<2x8x128xi32, #tpu.memory_space<vmem>> -> memref<1x1x128xi32, #tpu.memory_space<vmem>>
        %dma_start3A_1111 = tpu.memref_squeeze %dma_start3A_1110 : memref<1x1x128xi32, #tpu.memory_space<vmem>> -> memref<128xi32, #tpu.memory_space<vmem>>
        %dma_start3A_1112 = arith.constant 0 : i32
        %dma_start3A_1113 = arith.constant 0 : i32
        %dma_start3A_1114 = tpu.memref_slice %arg5[%dma_start3A_1112, %dma_start3A_1113] : memref<100043x32xf32, #tpu.memory_space<hbm>> -> memref<100043x32xf32, #tpu.memory_space<hbm>>
        %dma_start3A_1115 = tpu.memref_slice %arg14[%dma_start3A_1104] : memref<2x!tpu.dma_semaphore, #tpu.memory_space<semaphore_mem>> -> memref<1x!tpu.dma_semaphore, #tpu.memory_space<semaphore_mem>>
        %dma_start3A_1116 = tpu.memref_squeeze %dma_start3A_1115 : memref<1x!tpu.dma_semaphore, #tpu.memory_space<semaphore_mem>> -> memref<!tpu.dma_semaphore, #tpu.memory_space<semaphore_mem>>
        tpu.enqueue_indirect_dma source(%dma_start3A_1114 : memref<100043x32xf32, #tpu.memory_space<hbm>>) target(%dma_start3A_1108 : memref<128x32xf32, #tpu.memory_space<vmem>>) offsets(%dma_start3A_1111 : memref<128xi32, #tpu.memory_space<vmem>>) semaphore(%dma_start3A_1116 : memref<!tpu.dma_semaphore, #tpu.memory_space<semaphore_mem>>)
        %dma_start3A_1117 = arith.constant 1 : i32
        %dma_start3A_1118 = arith.constant 3 : i32
        %dma_start3A_1119 = arith.constant 1 : i32
        %dma_start3A_1120 = arith.constant 3 : i32
        %dma_start3A_1121 = arith.constant 1 : i32
        %dma_start3A_1122 = arith.constant 0 : i32
        %dma_start3A_1123 = arith.constant 0 : i32
        %dma_start3A_1124 = tpu.memref_slice %arg13[%dma_start3A_1119, %dma_start3A_1120, %dma_start3A_1122, %dma_start3A_1123] : memref<2x8x128x32xf32, #tpu.memory_space<vmem>> -> memref<1x1x128x32xf32, #tpu.memory_space<vmem>>
        %dma_start3A_1125 = tpu.memref_squeeze %dma_start3A_1124 : memref<1x1x128x32xf32, #tpu.memory_space<vmem>> -> memref<128x32xf32, #tpu.memory_space<vmem>>
        %dma_start3A_1126 = arith.constant 0 : i32
        %dma_start3A_1127 = tpu.memref_slice %arg12[%dma_start3A_1117, %dma_start3A_1118, %dma_start3A_1126] : memref<2x8x128xi32, #tpu.memory_space<vmem>> -> memref<1x1x128xi32, #tpu.memory_space<vmem>>
        %dma_start3A_1128 = tpu.memref_squeeze %dma_start3A_1127 : memref<1x1x128xi32, #tpu.memory_space<vmem>> -> memref<128xi32, #tpu.memory_space<vmem>>
        %dma_start3A_1129 = arith.constant 0 : i32
        %dma_start3A_1130 = arith.constant 0 : i32
        %dma_start3A_1131 = tpu.memref_slice %arg6[%dma_start3A_1129, %dma_start3A_1130] : memref<100057x32xf32, #tpu.memory_space<hbm>> -> memref<100057x32xf32, #tpu.memory_space<hbm>>
        %dma_start3A_1132 = tpu.memref_slice %arg14[%dma_start3A_1121] : memref<2x!tpu.dma_semaphore, #tpu.memory_space<semaphore_mem>> -> memref<1x!tpu.dma_semaphore, #tpu.memory_space<semaphore_mem>>
        %dma_start3A_1133 = tpu.memref_squeeze %dma_start3A_1132 : memref<1x!tpu.dma_semaphore, #tpu.memory_space<semaphore_mem>> -> memref<!tpu.dma_semaphore, #tpu.memory_space<semaphore_mem>>
        tpu.enqueue_indirect_dma source(%dma_start3A_1131 : memref<100057x32xf32, #tpu.memory_space<hbm>>) target(%dma_start3A_1125 : memref<128x32xf32, #tpu.memory_space<vmem>>) offsets(%dma_start3A_1128 : memref<128xi32, #tpu.memory_space<vmem>>) semaphore(%dma_start3A_1133 : memref<!tpu.dma_semaphore, #tpu.memory_space<semaphore_mem>>)
        %dma_start3A_1134 = arith.constant 1 : i32
        %dma_start3A_1135 = arith.constant 4 : i32
        %dma_start3A_1136 = arith.constant 1 : i32
        %dma_start3A_1137 = arith.constant 4 : i32
        %dma_start3A_1138 = arith.constant 1 : i32
        %dma_start3A_1139 = arith.constant 0 : i32
        %dma_start3A_1140 = arith.constant 0 : i32
        %dma_start3A_1141 = tpu.memref_slice %arg13[%dma_start3A_1136, %dma_start3A_1137, %dma_start3A_1139, %dma_start3A_1140] : memref<2x8x128x32xf32, #tpu.memory_space<vmem>> -> memref<1x1x128x32xf32, #tpu.memory_space<vmem>>
        %dma_start3A_1142 = tpu.memref_squeeze %dma_start3A_1141 : memref<1x1x128x32xf32, #tpu.memory_space<vmem>> -> memref<128x32xf32, #tpu.memory_space<vmem>>
        %dma_start3A_1143 = arith.constant 0 : i32
        %dma_start3A_1144 = tpu.memref_slice %arg12[%dma_start3A_1134, %dma_start3A_1135, %dma_start3A_1143] : memref<2x8x128xi32, #tpu.memory_space<vmem>> -> memref<1x1x128xi32, #tpu.memory_space<vmem>>
        %dma_start3A_1145 = tpu.memref_squeeze %dma_start3A_1144 : memref<1x1x128xi32, #tpu.memory_space<vmem>> -> memref<128xi32, #tpu.memory_space<vmem>>
        %dma_start3A_1146 = arith.constant 0 : i32
        %dma_start3A_1147 = arith.constant 0 : i32
        %dma_start3A_1148 = tpu.memref_slice %arg7[%dma_start3A_1146, %dma_start3A_1147] : memref<100069x32xf32, #tpu.memory_space<hbm>> -> memref<100069x32xf32, #tpu.memory_space<hbm>>
        %dma_start3A_1149 = tpu.memref_slice %arg14[%dma_start3A_1138] : memref<2x!tpu.dma_semaphore, #tpu.memory_space<semaphore_mem>> -> memref<1x!tpu.dma_semaphore, #tpu.memory_space<semaphore_mem>>
        %dma_start3A_1150 = tpu.memref_squeeze %dma_start3A_1149 : memref<1x!tpu.dma_semaphore, #tpu.memory_space<semaphore_mem>> -> memref<!tpu.dma_semaphore, #tpu.memory_space<semaphore_mem>>
        tpu.enqueue_indirect_dma source(%dma_start3A_1148 : memref<100069x32xf32, #tpu.memory_space<hbm>>) target(%dma_start3A_1142 : memref<128x32xf32, #tpu.memory_space<vmem>>) offsets(%dma_start3A_1145 : memref<128xi32, #tpu.memory_space<vmem>>) semaphore(%dma_start3A_1150 : memref<!tpu.dma_semaphore, #tpu.memory_space<semaphore_mem>>)
        %dma_start3A_1151 = arith.constant 1 : i32
        %dma_start3A_1152 = arith.constant 5 : i32
        %dma_start3A_1153 = arith.constant 1 : i32
        %dma_start3A_1154 = arith.constant 5 : i32
        %dma_start3A_1155 = arith.constant 1 : i32
        %dma_start3A_1156 = arith.constant 0 : i32
        %dma_start3A_1157 = arith.constant 0 : i32
        %dma_start3A_1158 = tpu.memref_slice %arg13[%dma_start3A_1153, %dma_start3A_1154, %dma_start3A_1156, %dma_start3A_1157] : memref<2x8x128x32xf32, #tpu.memory_space<vmem>> -> memref<1x1x128x32xf32, #tpu.memory_space<vmem>>
        %dma_start3A_1159 = tpu.memref_squeeze %dma_start3A_1158 : memref<1x1x128x32xf32, #tpu.memory_space<vmem>> -> memref<128x32xf32, #tpu.memory_space<vmem>>
        %dma_start3A_1160 = arith.constant 0 : i32
        %dma_start3A_1161 = tpu.memref_slice %arg12[%dma_start3A_1151, %dma_start3A_1152, %dma_start3A_1160] : memref<2x8x128xi32, #tpu.memory_space<vmem>> -> memref<1x1x128xi32, #tpu.memory_space<vmem>>
        %dma_start3A_1162 = tpu.memref_squeeze %dma_start3A_1161 : memref<1x1x128xi32, #tpu.memory_space<vmem>> -> memref<128xi32, #tpu.memory_space<vmem>>
        %dma_start3A_1163 = arith.constant 0 : i32
        %dma_start3A_1164 = arith.constant 0 : i32
        %dma_start3A_1165 = tpu.memref_slice %arg8[%dma_start3A_1163, %dma_start3A_1164] : memref<100103x32xf32, #tpu.memory_space<hbm>> -> memref<100103x32xf32, #tpu.memory_space<hbm>>
        %dma_start3A_1166 = tpu.memref_slice %arg14[%dma_start3A_1155] : memref<2x!tpu.dma_semaphore, #tpu.memory_space<semaphore_mem>> -> memref<1x!tpu.dma_semaphore, #tpu.memory_space<semaphore_mem>>
        %dma_start3A_1167 = tpu.memref_squeeze %dma_start3A_1166 : memref<1x!tpu.dma_semaphore, #tpu.memory_space<semaphore_mem>> -> memref<!tpu.dma_semaphore, #tpu.memory_space<semaphore_mem>>
        tpu.enqueue_indirect_dma source(%dma_start3A_1165 : memref<100103x32xf32, #tpu.memory_space<hbm>>) target(%dma_start3A_1159 : memref<128x32xf32, #tpu.memory_space<vmem>>) offsets(%dma_start3A_1162 : memref<128xi32, #tpu.memory_space<vmem>>) semaphore(%dma_start3A_1167 : memref<!tpu.dma_semaphore, #tpu.memory_space<semaphore_mem>>)
        %dma_start3A_1168 = arith.constant 1 : i32
        %dma_start3A_1169 = arith.constant 6 : i32
        %dma_start3A_1170 = arith.constant 1 : i32
        %dma_start3A_1171 = arith.constant 6 : i32
        %dma_start3A_1172 = arith.constant 1 : i32
        %dma_start3A_1173 = arith.constant 0 : i32
        %dma_start3A_1174 = arith.constant 0 : i32
        %dma_start3A_1175 = tpu.memref_slice %arg13[%dma_start3A_1170, %dma_start3A_1171, %dma_start3A_1173, %dma_start3A_1174] : memref<2x8x128x32xf32, #tpu.memory_space<vmem>> -> memref<1x1x128x32xf32, #tpu.memory_space<vmem>>
        %dma_start3A_1176 = tpu.memref_squeeze %dma_start3A_1175 : memref<1x1x128x32xf32, #tpu.memory_space<vmem>> -> memref<128x32xf32, #tpu.memory_space<vmem>>
        %dma_start3A_1177 = arith.constant 0 : i32
        %dma_start3A_1178 = tpu.memref_slice %arg12[%dma_start3A_1168, %dma_start3A_1169, %dma_start3A_1177] : memref<2x8x128xi32, #tpu.memory_space<vmem>> -> memref<1x1x128xi32, #tpu.memory_space<vmem>>
        %dma_start3A_1179 = tpu.memref_squeeze %dma_start3A_1178 : memref<1x1x128xi32, #tpu.memory_space<vmem>> -> memref<128xi32, #tpu.memory_space<vmem>>
        %dma_start3A_1180 = arith.constant 0 : i32
        %dma_start3A_1181 = arith.constant 0 : i32
        %dma_start3A_1182 = tpu.memref_slice %arg9[%dma_start3A_1180, %dma_start3A_1181] : memref<100109x32xf32, #tpu.memory_space<hbm>> -> memref<100109x32xf32, #tpu.memory_space<hbm>>
        %dma_start3A_1183 = tpu.memref_slice %arg14[%dma_start3A_1172] : memref<2x!tpu.dma_semaphore, #tpu.memory_space<semaphore_mem>> -> memref<1x!tpu.dma_semaphore, #tpu.memory_space<semaphore_mem>>
        %dma_start3A_1184 = tpu.memref_squeeze %dma_start3A_1183 : memref<1x!tpu.dma_semaphore, #tpu.memory_space<semaphore_mem>> -> memref<!tpu.dma_semaphore, #tpu.memory_space<semaphore_mem>>
        tpu.enqueue_indirect_dma source(%dma_start3A_1182 : memref<100109x32xf32, #tpu.memory_space<hbm>>) target(%dma_start3A_1176 : memref<128x32xf32, #tpu.memory_space<vmem>>) offsets(%dma_start3A_1179 : memref<128xi32, #tpu.memory_space<vmem>>) semaphore(%dma_start3A_1184 : memref<!tpu.dma_semaphore, #tpu.memory_space<semaphore_mem>>)
        %dma_start3A_1185 = arith.constant 1 : i32
        %dma_start3A_1186 = arith.constant 7 : i32
        %dma_start3A_1187 = arith.constant 1 : i32
        %dma_start3A_1188 = arith.constant 7 : i32
        %dma_start3A_1189 = arith.constant 1 : i32
        %dma_start3A_1190 = arith.constant 0 : i32
        %dma_start3A_1191 = arith.constant 0 : i32
        %dma_start3A_1192 = tpu.memref_slice %arg13[%dma_start3A_1187, %dma_start3A_1188, %dma_start3A_1190, %dma_start3A_1191] : memref<2x8x128x32xf32, #tpu.memory_space<vmem>> -> memref<1x1x128x32xf32, #tpu.memory_space<vmem>>
        %dma_start3A_1193 = tpu.memref_squeeze %dma_start3A_1192 : memref<1x1x128x32xf32, #tpu.memory_space<vmem>> -> memref<128x32xf32, #tpu.memory_space<vmem>>
        %dma_start3A_1194 = arith.constant 0 : i32
        %dma_start3A_1195 = tpu.memref_slice %arg12[%dma_start3A_1185, %dma_start3A_1186, %dma_start3A_1194] : memref<2x8x128xi32, #tpu.memory_space<vmem>> -> memref<1x1x128xi32, #tpu.memory_space<vmem>>
        %dma_start3A_1196 = tpu.memref_squeeze %dma_start3A_1195 : memref<1x1x128xi32, #tpu.memory_space<vmem>> -> memref<128xi32, #tpu.memory_space<vmem>>
        %dma_start3A_1197 = arith.constant 0 : i32
        %dma_start3A_1198 = arith.constant 0 : i32
        %dma_start3A_1199 = tpu.memref_slice %arg10[%dma_start3A_1197, %dma_start3A_1198] : memref<100129x32xf32, #tpu.memory_space<hbm>> -> memref<100129x32xf32, #tpu.memory_space<hbm>>
        %dma_start3A_1200 = tpu.memref_slice %arg14[%dma_start3A_1189] : memref<2x!tpu.dma_semaphore, #tpu.memory_space<semaphore_mem>> -> memref<1x!tpu.dma_semaphore, #tpu.memory_space<semaphore_mem>>
        %dma_start3A_1201 = tpu.memref_squeeze %dma_start3A_1200 : memref<1x!tpu.dma_semaphore, #tpu.memory_space<semaphore_mem>> -> memref<!tpu.dma_semaphore, #tpu.memory_space<semaphore_mem>>
        tpu.enqueue_indirect_dma source(%dma_start3A_1199 : memref<100129x32xf32, #tpu.memory_space<hbm>>) target(%dma_start3A_1193 : memref<128x32xf32, #tpu.memory_space<vmem>>) offsets(%dma_start3A_1196 : memref<128xi32, #tpu.memory_space<vmem>>) semaphore(%dma_start3A_1201 : memref<!tpu.dma_semaphore, #tpu.memory_space<semaphore_mem>>)
      } else {
      }
      %dma_wait3A_472 = arith.constant 0 : i32
      %dma_wait3A_473 = arith.constant 0 : i32
      %dma_wait3A_474 = arith.constant 0 : i32
      %dma_wait3A_475 = arith.constant 0 : i32
      %dma_wait3A_476 = arith.constant 0 : i32
      %dma_wait3A_477 = arith.constant 0 : i32
      %dma_wait3A_478 = arith.constant 0 : i32
      %dma_wait3A_479 = tpu.memref_slice %arg13[%dma_wait3A_474, %dma_wait3A_475, %dma_wait3A_477, %dma_wait3A_478] : memref<2x8x128x32xf32, #tpu.memory_space<vmem>> -> memref<1x1x128x32xf32, #tpu.memory_space<vmem>>
      %dma_wait3A_480 = tpu.memref_squeeze %dma_wait3A_479 : memref<1x1x128x32xf32, #tpu.memory_space<vmem>> -> memref<128x32xf32, #tpu.memory_space<vmem>>
      %dma_wait3A_481 = arith.constant 0 : i32
      %dma_wait3A_482 = tpu.memref_slice %arg12[%dma_wait3A_472, %dma_wait3A_473, %dma_wait3A_481] : memref<2x8x128xi32, #tpu.memory_space<vmem>> -> memref<1x1x128xi32, #tpu.memory_space<vmem>>
      %dma_wait3A_483 = tpu.memref_squeeze %dma_wait3A_482 : memref<1x1x128xi32, #tpu.memory_space<vmem>> -> memref<128xi32, #tpu.memory_space<vmem>>
      %dma_wait3A_484 = arith.constant 0 : i32
      %dma_wait3A_485 = arith.constant 0 : i32
      %dma_wait3A_486 = tpu.memref_slice %arg3[%dma_wait3A_484, %dma_wait3A_485] : memref<100003x32xf32, #tpu.memory_space<hbm>> -> memref<100003x32xf32, #tpu.memory_space<hbm>>
      %dma_wait3A_487 = tpu.memref_slice %arg14[%dma_wait3A_476] : memref<2x!tpu.dma_semaphore, #tpu.memory_space<semaphore_mem>> -> memref<1x!tpu.dma_semaphore, #tpu.memory_space<semaphore_mem>>
      %dma_wait3A_488 = tpu.memref_squeeze %dma_wait3A_487 : memref<1x!tpu.dma_semaphore, #tpu.memory_space<semaphore_mem>> -> memref<!tpu.dma_semaphore, #tpu.memory_space<semaphore_mem>>
      tpu.wait_indirect_dma semaphore(%dma_wait3A_488 : memref<!tpu.dma_semaphore, #tpu.memory_space<semaphore_mem>>) src(%dma_wait3A_486 : memref<100003x32xf32, #tpu.memory_space<hbm>>) dst(%dma_wait3A_480 : memref<128x32xf32, #tpu.memory_space<vmem>>)
      %dma_wait3A_489 = arith.constant 0 : i32
      %dma_wait3A_490 = arith.constant 1 : i32
      %dma_wait3A_491 = arith.constant 0 : i32
      %dma_wait3A_492 = arith.constant 1 : i32
      %dma_wait3A_493 = arith.constant 0 : i32
      %dma_wait3A_494 = arith.constant 0 : i32
      %dma_wait3A_495 = arith.constant 0 : i32
      %dma_wait3A_496 = tpu.memref_slice %arg13[%dma_wait3A_491, %dma_wait3A_492, %dma_wait3A_494, %dma_wait3A_495] : memref<2x8x128x32xf32, #tpu.memory_space<vmem>> -> memref<1x1x128x32xf32, #tpu.memory_space<vmem>>
      %dma_wait3A_497 = tpu.memref_squeeze %dma_wait3A_496 : memref<1x1x128x32xf32, #tpu.memory_space<vmem>> -> memref<128x32xf32, #tpu.memory_space<vmem>>
      %dma_wait3A_498 = arith.constant 0 : i32
      %dma_wait3A_499 = tpu.memref_slice %arg12[%dma_wait3A_489, %dma_wait3A_490, %dma_wait3A_498] : memref<2x8x128xi32, #tpu.memory_space<vmem>> -> memref<1x1x128xi32, #tpu.memory_space<vmem>>
      %dma_wait3A_500 = tpu.memref_squeeze %dma_wait3A_499 : memref<1x1x128xi32, #tpu.memory_space<vmem>> -> memref<128xi32, #tpu.memory_space<vmem>>
      %dma_wait3A_501 = arith.constant 0 : i32
      %dma_wait3A_502 = arith.constant 0 : i32
      %dma_wait3A_503 = tpu.memref_slice %arg4[%dma_wait3A_501, %dma_wait3A_502] : memref<100019x32xf32, #tpu.memory_space<hbm>> -> memref<100019x32xf32, #tpu.memory_space<hbm>>
      %dma_wait3A_504 = tpu.memref_slice %arg14[%dma_wait3A_493] : memref<2x!tpu.dma_semaphore, #tpu.memory_space<semaphore_mem>> -> memref<1x!tpu.dma_semaphore, #tpu.memory_space<semaphore_mem>>
      %dma_wait3A_505 = tpu.memref_squeeze %dma_wait3A_504 : memref<1x!tpu.dma_semaphore, #tpu.memory_space<semaphore_mem>> -> memref<!tpu.dma_semaphore, #tpu.memory_space<semaphore_mem>>
      tpu.wait_indirect_dma semaphore(%dma_wait3A_505 : memref<!tpu.dma_semaphore, #tpu.memory_space<semaphore_mem>>) src(%dma_wait3A_503 : memref<100019x32xf32, #tpu.memory_space<hbm>>) dst(%dma_wait3A_497 : memref<128x32xf32, #tpu.memory_space<vmem>>)
      %dma_wait3A_506 = arith.constant 0 : i32
      %dma_wait3A_507 = arith.constant 2 : i32
      %dma_wait3A_508 = arith.constant 0 : i32
      %dma_wait3A_509 = arith.constant 2 : i32
      %dma_wait3A_510 = arith.constant 0 : i32
      %dma_wait3A_511 = arith.constant 0 : i32
      %dma_wait3A_512 = arith.constant 0 : i32
      %dma_wait3A_513 = tpu.memref_slice %arg13[%dma_wait3A_508, %dma_wait3A_509, %dma_wait3A_511, %dma_wait3A_512] : memref<2x8x128x32xf32, #tpu.memory_space<vmem>> -> memref<1x1x128x32xf32, #tpu.memory_space<vmem>>
      %dma_wait3A_514 = tpu.memref_squeeze %dma_wait3A_513 : memref<1x1x128x32xf32, #tpu.memory_space<vmem>> -> memref<128x32xf32, #tpu.memory_space<vmem>>
      %dma_wait3A_515 = arith.constant 0 : i32
      %dma_wait3A_516 = tpu.memref_slice %arg12[%dma_wait3A_506, %dma_wait3A_507, %dma_wait3A_515] : memref<2x8x128xi32, #tpu.memory_space<vmem>> -> memref<1x1x128xi32, #tpu.memory_space<vmem>>
      %dma_wait3A_517 = tpu.memref_squeeze %dma_wait3A_516 : memref<1x1x128xi32, #tpu.memory_space<vmem>> -> memref<128xi32, #tpu.memory_space<vmem>>
      %dma_wait3A_518 = arith.constant 0 : i32
      %dma_wait3A_519 = arith.constant 0 : i32
      %dma_wait3A_520 = tpu.memref_slice %arg5[%dma_wait3A_518, %dma_wait3A_519] : memref<100043x32xf32, #tpu.memory_space<hbm>> -> memref<100043x32xf32, #tpu.memory_space<hbm>>
      %dma_wait3A_521 = tpu.memref_slice %arg14[%dma_wait3A_510] : memref<2x!tpu.dma_semaphore, #tpu.memory_space<semaphore_mem>> -> memref<1x!tpu.dma_semaphore, #tpu.memory_space<semaphore_mem>>
      %dma_wait3A_522 = tpu.memref_squeeze %dma_wait3A_521 : memref<1x!tpu.dma_semaphore, #tpu.memory_space<semaphore_mem>> -> memref<!tpu.dma_semaphore, #tpu.memory_space<semaphore_mem>>
      tpu.wait_indirect_dma semaphore(%dma_wait3A_522 : memref<!tpu.dma_semaphore, #tpu.memory_space<semaphore_mem>>) src(%dma_wait3A_520 : memref<100043x32xf32, #tpu.memory_space<hbm>>) dst(%dma_wait3A_514 : memref<128x32xf32, #tpu.memory_space<vmem>>)
      %dma_wait3A_523 = arith.constant 0 : i32
      %dma_wait3A_524 = arith.constant 3 : i32
      %dma_wait3A_525 = arith.constant 0 : i32
      %dma_wait3A_526 = arith.constant 3 : i32
      %dma_wait3A_527 = arith.constant 0 : i32
      %dma_wait3A_528 = arith.constant 0 : i32
      %dma_wait3A_529 = arith.constant 0 : i32
      %dma_wait3A_530 = tpu.memref_slice %arg13[%dma_wait3A_525, %dma_wait3A_526, %dma_wait3A_528, %dma_wait3A_529] : memref<2x8x128x32xf32, #tpu.memory_space<vmem>> -> memref<1x1x128x32xf32, #tpu.memory_space<vmem>>
      %dma_wait3A_531 = tpu.memref_squeeze %dma_wait3A_530 : memref<1x1x128x32xf32, #tpu.memory_space<vmem>> -> memref<128x32xf32, #tpu.memory_space<vmem>>
      %dma_wait3A_532 = arith.constant 0 : i32
      %dma_wait3A_533 = tpu.memref_slice %arg12[%dma_wait3A_523, %dma_wait3A_524, %dma_wait3A_532] : memref<2x8x128xi32, #tpu.memory_space<vmem>> -> memref<1x1x128xi32, #tpu.memory_space<vmem>>
      %dma_wait3A_534 = tpu.memref_squeeze %dma_wait3A_533 : memref<1x1x128xi32, #tpu.memory_space<vmem>> -> memref<128xi32, #tpu.memory_space<vmem>>
      %dma_wait3A_535 = arith.constant 0 : i32
      %dma_wait3A_536 = arith.constant 0 : i32
      %dma_wait3A_537 = tpu.memref_slice %arg6[%dma_wait3A_535, %dma_wait3A_536] : memref<100057x32xf32, #tpu.memory_space<hbm>> -> memref<100057x32xf32, #tpu.memory_space<hbm>>
      %dma_wait3A_538 = tpu.memref_slice %arg14[%dma_wait3A_527] : memref<2x!tpu.dma_semaphore, #tpu.memory_space<semaphore_mem>> -> memref<1x!tpu.dma_semaphore, #tpu.memory_space<semaphore_mem>>
      %dma_wait3A_539 = tpu.memref_squeeze %dma_wait3A_538 : memref<1x!tpu.dma_semaphore, #tpu.memory_space<semaphore_mem>> -> memref<!tpu.dma_semaphore, #tpu.memory_space<semaphore_mem>>
      tpu.wait_indirect_dma semaphore(%dma_wait3A_539 : memref<!tpu.dma_semaphore, #tpu.memory_space<semaphore_mem>>) src(%dma_wait3A_537 : memref<100057x32xf32, #tpu.memory_space<hbm>>) dst(%dma_wait3A_531 : memref<128x32xf32, #tpu.memory_space<vmem>>)
      %dma_wait3A_540 = arith.constant 0 : i32
      %dma_wait3A_541 = arith.constant 4 : i32
      %dma_wait3A_542 = arith.constant 0 : i32
      %dma_wait3A_543 = arith.constant 4 : i32
      %dma_wait3A_544 = arith.constant 0 : i32
      %dma_wait3A_545 = arith.constant 0 : i32
      %dma_wait3A_546 = arith.constant 0 : i32
      %dma_wait3A_547 = tpu.memref_slice %arg13[%dma_wait3A_542, %dma_wait3A_543, %dma_wait3A_545, %dma_wait3A_546] : memref<2x8x128x32xf32, #tpu.memory_space<vmem>> -> memref<1x1x128x32xf32, #tpu.memory_space<vmem>>
      %dma_wait3A_548 = tpu.memref_squeeze %dma_wait3A_547 : memref<1x1x128x32xf32, #tpu.memory_space<vmem>> -> memref<128x32xf32, #tpu.memory_space<vmem>>
      %dma_wait3A_549 = arith.constant 0 : i32
      %dma_wait3A_550 = tpu.memref_slice %arg12[%dma_wait3A_540, %dma_wait3A_541, %dma_wait3A_549] : memref<2x8x128xi32, #tpu.memory_space<vmem>> -> memref<1x1x128xi32, #tpu.memory_space<vmem>>
      %dma_wait3A_551 = tpu.memref_squeeze %dma_wait3A_550 : memref<1x1x128xi32, #tpu.memory_space<vmem>> -> memref<128xi32, #tpu.memory_space<vmem>>
      %dma_wait3A_552 = arith.constant 0 : i32
      %dma_wait3A_553 = arith.constant 0 : i32
      %dma_wait3A_554 = tpu.memref_slice %arg7[%dma_wait3A_552, %dma_wait3A_553] : memref<100069x32xf32, #tpu.memory_space<hbm>> -> memref<100069x32xf32, #tpu.memory_space<hbm>>
      %dma_wait3A_555 = tpu.memref_slice %arg14[%dma_wait3A_544] : memref<2x!tpu.dma_semaphore, #tpu.memory_space<semaphore_mem>> -> memref<1x!tpu.dma_semaphore, #tpu.memory_space<semaphore_mem>>
      %dma_wait3A_556 = tpu.memref_squeeze %dma_wait3A_555 : memref<1x!tpu.dma_semaphore, #tpu.memory_space<semaphore_mem>> -> memref<!tpu.dma_semaphore, #tpu.memory_space<semaphore_mem>>
      tpu.wait_indirect_dma semaphore(%dma_wait3A_556 : memref<!tpu.dma_semaphore, #tpu.memory_space<semaphore_mem>>) src(%dma_wait3A_554 : memref<100069x32xf32, #tpu.memory_space<hbm>>) dst(%dma_wait3A_548 : memref<128x32xf32, #tpu.memory_space<vmem>>)
      %dma_wait3A_557 = arith.constant 0 : i32
      %dma_wait3A_558 = arith.constant 5 : i32
      %dma_wait3A_559 = arith.constant 0 : i32
      %dma_wait3A_560 = arith.constant 5 : i32
      %dma_wait3A_561 = arith.constant 0 : i32
      %dma_wait3A_562 = arith.constant 0 : i32
      %dma_wait3A_563 = arith.constant 0 : i32
      %dma_wait3A_564 = tpu.memref_slice %arg13[%dma_wait3A_559, %dma_wait3A_560, %dma_wait3A_562, %dma_wait3A_563] : memref<2x8x128x32xf32, #tpu.memory_space<vmem>> -> memref<1x1x128x32xf32, #tpu.memory_space<vmem>>
      %dma_wait3A_565 = tpu.memref_squeeze %dma_wait3A_564 : memref<1x1x128x32xf32, #tpu.memory_space<vmem>> -> memref<128x32xf32, #tpu.memory_space<vmem>>
      %dma_wait3A_566 = arith.constant 0 : i32
      %dma_wait3A_567 = tpu.memref_slice %arg12[%dma_wait3A_557, %dma_wait3A_558, %dma_wait3A_566] : memref<2x8x128xi32, #tpu.memory_space<vmem>> -> memref<1x1x128xi32, #tpu.memory_space<vmem>>
      %dma_wait3A_568 = tpu.memref_squeeze %dma_wait3A_567 : memref<1x1x128xi32, #tpu.memory_space<vmem>> -> memref<128xi32, #tpu.memory_space<vmem>>
      %dma_wait3A_569 = arith.constant 0 : i32
      %dma_wait3A_570 = arith.constant 0 : i32
      %dma_wait3A_571 = tpu.memref_slice %arg8[%dma_wait3A_569, %dma_wait3A_570] : memref<100103x32xf32, #tpu.memory_space<hbm>> -> memref<100103x32xf32, #tpu.memory_space<hbm>>
      %dma_wait3A_572 = tpu.memref_slice %arg14[%dma_wait3A_561] : memref<2x!tpu.dma_semaphore, #tpu.memory_space<semaphore_mem>> -> memref<1x!tpu.dma_semaphore, #tpu.memory_space<semaphore_mem>>
      %dma_wait3A_573 = tpu.memref_squeeze %dma_wait3A_572 : memref<1x!tpu.dma_semaphore, #tpu.memory_space<semaphore_mem>> -> memref<!tpu.dma_semaphore, #tpu.memory_space<semaphore_mem>>
      tpu.wait_indirect_dma semaphore(%dma_wait3A_573 : memref<!tpu.dma_semaphore, #tpu.memory_space<semaphore_mem>>) src(%dma_wait3A_571 : memref<100103x32xf32, #tpu.memory_space<hbm>>) dst(%dma_wait3A_565 : memref<128x32xf32, #tpu.memory_space<vmem>>)
      %dma_wait3A_574 = arith.constant 0 : i32
      %dma_wait3A_575 = arith.constant 6 : i32
      %dma_wait3A_576 = arith.constant 0 : i32
      %dma_wait3A_577 = arith.constant 6 : i32
      %dma_wait3A_578 = arith.constant 0 : i32
      %dma_wait3A_579 = arith.constant 0 : i32
      %dma_wait3A_580 = arith.constant 0 : i32
      %dma_wait3A_581 = tpu.memref_slice %arg13[%dma_wait3A_576, %dma_wait3A_577, %dma_wait3A_579, %dma_wait3A_580] : memref<2x8x128x32xf32, #tpu.memory_space<vmem>> -> memref<1x1x128x32xf32, #tpu.memory_space<vmem>>
      %dma_wait3A_582 = tpu.memref_squeeze %dma_wait3A_581 : memref<1x1x128x32xf32, #tpu.memory_space<vmem>> -> memref<128x32xf32, #tpu.memory_space<vmem>>
      %dma_wait3A_583 = arith.constant 0 : i32
      %dma_wait3A_584 = tpu.memref_slice %arg12[%dma_wait3A_574, %dma_wait3A_575, %dma_wait3A_583] : memref<2x8x128xi32, #tpu.memory_space<vmem>> -> memref<1x1x128xi32, #tpu.memory_space<vmem>>
      %dma_wait3A_585 = tpu.memref_squeeze %dma_wait3A_584 : memref<1x1x128xi32, #tpu.memory_space<vmem>> -> memref<128xi32, #tpu.memory_space<vmem>>
      %dma_wait3A_586 = arith.constant 0 : i32
      %dma_wait3A_587 = arith.constant 0 : i32
      %dma_wait3A_588 = tpu.memref_slice %arg9[%dma_wait3A_586, %dma_wait3A_587] : memref<100109x32xf32, #tpu.memory_space<hbm>> -> memref<100109x32xf32, #tpu.memory_space<hbm>>
      %dma_wait3A_589 = tpu.memref_slice %arg14[%dma_wait3A_578] : memref<2x!tpu.dma_semaphore, #tpu.memory_space<semaphore_mem>> -> memref<1x!tpu.dma_semaphore, #tpu.memory_space<semaphore_mem>>
      %dma_wait3A_590 = tpu.memref_squeeze %dma_wait3A_589 : memref<1x!tpu.dma_semaphore, #tpu.memory_space<semaphore_mem>> -> memref<!tpu.dma_semaphore, #tpu.memory_space<semaphore_mem>>
      tpu.wait_indirect_dma semaphore(%dma_wait3A_590 : memref<!tpu.dma_semaphore, #tpu.memory_space<semaphore_mem>>) src(%dma_wait3A_588 : memref<100109x32xf32, #tpu.memory_space<hbm>>) dst(%dma_wait3A_582 : memref<128x32xf32, #tpu.memory_space<vmem>>)
      %dma_wait3A_591 = arith.constant 0 : i32
      %dma_wait3A_592 = arith.constant 7 : i32
      %dma_wait3A_593 = arith.constant 0 : i32
      %dma_wait3A_594 = arith.constant 7 : i32
      %dma_wait3A_595 = arith.constant 0 : i32
      %dma_wait3A_596 = arith.constant 0 : i32
      %dma_wait3A_597 = arith.constant 0 : i32
      %dma_wait3A_598 = tpu.memref_slice %arg13[%dma_wait3A_593, %dma_wait3A_594, %dma_wait3A_596, %dma_wait3A_597] : memref<2x8x128x32xf32, #tpu.memory_space<vmem>> -> memref<1x1x128x32xf32, #tpu.memory_space<vmem>>
      %dma_wait3A_599 = tpu.memref_squeeze %dma_wait3A_598 : memref<1x1x128x32xf32, #tpu.memory_space<vmem>> -> memref<128x32xf32, #tpu.memory_space<vmem>>
      %dma_wait3A_600 = arith.constant 0 : i32
      %dma_wait3A_601 = tpu.memref_slice %arg12[%dma_wait3A_591, %dma_wait3A_592, %dma_wait3A_600] : memref<2x8x128xi32, #tpu.memory_space<vmem>> -> memref<1x1x128xi32, #tpu.memory_space<vmem>>
      %dma_wait3A_602 = tpu.memref_squeeze %dma_wait3A_601 : memref<1x1x128xi32, #tpu.memory_space<vmem>> -> memref<128xi32, #tpu.memory_space<vmem>>
      %dma_wait3A_603 = arith.constant 0 : i32
      %dma_wait3A_604 = arith.constant 0 : i32
      %dma_wait3A_605 = tpu.memref_slice %arg10[%dma_wait3A_603, %dma_wait3A_604] : memref<100129x32xf32, #tpu.memory_space<hbm>> -> memref<100129x32xf32, #tpu.memory_space<hbm>>
      %dma_wait3A_606 = tpu.memref_slice %arg14[%dma_wait3A_595] : memref<2x!tpu.dma_semaphore, #tpu.memory_space<semaphore_mem>> -> memref<1x!tpu.dma_semaphore, #tpu.memory_space<semaphore_mem>>
      %dma_wait3A_607 = tpu.memref_squeeze %dma_wait3A_606 : memref<1x!tpu.dma_semaphore, #tpu.memory_space<semaphore_mem>> -> memref<!tpu.dma_semaphore, #tpu.memory_space<semaphore_mem>>
      tpu.wait_indirect_dma semaphore(%dma_wait3A_607 : memref<!tpu.dma_semaphore, #tpu.memory_space<semaphore_mem>>) src(%dma_wait3A_605 : memref<100129x32xf32, #tpu.memory_space<hbm>>) dst(%dma_wait3A_599 : memref<128x32xf32, #tpu.memory_space<vmem>>)
      %dma_start3A_608 = arith.constant 0 : i32
      %dma_start3A_609 = arith.constant 0 : i32
      %dma_start3A_610 = arith.constant 0 : i32
      %dma_start3A_611 = arith.constant 0 : i32
      %dma_start3A_612 = arith.constant 0 : i32
      %dma_start3A_613 = tpu.memref_slice %arg13[%dma_start3A_608, %dma_start3A_609, %dma_start3A_611, %dma_start3A_612] : memref<2x8x128x32xf32, #tpu.memory_space<vmem>> -> memref<1x1x128x32xf32, #tpu.memory_space<vmem>>
      %dma_start3A_614 = tpu.memref_squeeze %dma_start3A_613 : memref<1x1x128x32xf32, #tpu.memory_space<vmem>> -> memref<128x32xf32, #tpu.memory_space<vmem>>
      %dma_start3A_615 = arith.constant 0 : i32
      %dma_start3A_616 = tpu.memref_slice %arg11[%add3A_467, %mul3A_2, %dma_start3A_615] : memref<50x4096x256xf32, #tpu.memory_space<hbm>> -> memref<1x128x32xf32, #tpu.memory_space<hbm>>
      %dma_start3A_617 = tpu.memref_squeeze %dma_start3A_616 : memref<1x128x32xf32, #tpu.memory_space<hbm>> -> memref<128x32xf32, #tpu.memory_space<hbm>>
      %dma_start3A_618 = tpu.memref_slice %arg15[%dma_start3A_610] : memref<2x!tpu.dma_semaphore, #tpu.memory_space<semaphore_mem>> -> memref<1x!tpu.dma_semaphore, #tpu.memory_space<semaphore_mem>>
      %dma_start3A_619 = tpu.memref_squeeze %dma_start3A_618 : memref<1x!tpu.dma_semaphore, #tpu.memory_space<semaphore_mem>> -> memref<!tpu.dma_semaphore, #tpu.memory_space<semaphore_mem>>
      %dma_start3A_620 = arith.constant 0 : i32
      %dma_start3A_621 = tpu.memref_slice %arg11[%add3A_467, %mul3A_2, %dma_start3A_620] : memref<50x4096x256xf32, #tpu.memory_space<hbm>> -> memref<1x128x32xf32, #tpu.memory_space<hbm>>
      %dma_start3A_622 = tpu.memref_squeeze %dma_start3A_621 : memref<1x128x32xf32, #tpu.memory_space<hbm>> -> memref<128x32xf32, #tpu.memory_space<hbm>>
      %dma_start3A_623 = arith.constant 0 : i32
      %dma_start3A_624 = arith.constant 0 : i32
      %dma_start3A_625 = tpu.memref_slice %arg13[%dma_start3A_608, %dma_start3A_609, %dma_start3A_623, %dma_start3A_624] : memref<2x8x128x32xf32, #tpu.memory_space<vmem>> -> memref<1x1x128x32xf32, #tpu.memory_space<vmem>>
      %dma_start3A_626 = tpu.memref_squeeze %dma_start3A_625 : memref<1x1x128x32xf32, #tpu.memory_space<vmem>> -> memref<128x32xf32, #tpu.memory_space<vmem>>
      tpu.enqueue_dma source(%dma_start3A_626 : memref<128x32xf32, #tpu.memory_space<vmem>>) target(%dma_start3A_622 : memref<128x32xf32, #tpu.memory_space<hbm>>) target_semaphore(%dma_start3A_619 : memref<!tpu.dma_semaphore, #tpu.memory_space<semaphore_mem>>)
      %dma_start3A_627 = arith.constant 0 : i32
      %dma_start3A_628 = arith.constant 1 : i32
      %dma_start3A_629 = arith.constant 0 : i32
      %dma_start3A_630 = arith.constant 0 : i32
      %dma_start3A_631 = arith.constant 0 : i32
      %dma_start3A_632 = tpu.memref_slice %arg13[%dma_start3A_627, %dma_start3A_628, %dma_start3A_630, %dma_start3A_631] : memref<2x8x128x32xf32, #tpu.memory_space<vmem>> -> memref<1x1x128x32xf32, #tpu.memory_space<vmem>>
      %dma_start3A_633 = tpu.memref_squeeze %dma_start3A_632 : memref<1x1x128x32xf32, #tpu.memory_space<vmem>> -> memref<128x32xf32, #tpu.memory_space<vmem>>
      %dma_start3A_634 = arith.constant 32 : i32
      %dma_start3A_635 = tpu.memref_slice %arg11[%add3A_467, %mul3A_2, %dma_start3A_634] : memref<50x4096x256xf32, #tpu.memory_space<hbm>> -> memref<1x128x32xf32, #tpu.memory_space<hbm>>
      %dma_start3A_636 = tpu.memref_squeeze %dma_start3A_635 : memref<1x128x32xf32, #tpu.memory_space<hbm>> -> memref<128x32xf32, #tpu.memory_space<hbm>>
      %dma_start3A_637 = tpu.memref_slice %arg15[%dma_start3A_629] : memref<2x!tpu.dma_semaphore, #tpu.memory_space<semaphore_mem>> -> memref<1x!tpu.dma_semaphore, #tpu.memory_space<semaphore_mem>>
      %dma_start3A_638 = tpu.memref_squeeze %dma_start3A_637 : memref<1x!tpu.dma_semaphore, #tpu.memory_space<semaphore_mem>> -> memref<!tpu.dma_semaphore, #tpu.memory_space<semaphore_mem>>
      %dma_start3A_639 = arith.constant 32 : i32
      %dma_start3A_640 = tpu.memref_slice %arg11[%add3A_467, %mul3A_2, %dma_start3A_639] : memref<50x4096x256xf32, #tpu.memory_space<hbm>> -> memref<1x128x32xf32, #tpu.memory_space<hbm>>
      %dma_start3A_641 = tpu.memref_squeeze %dma_start3A_640 : memref<1x128x32xf32, #tpu.memory_space<hbm>> -> memref<128x32xf32, #tpu.memory_space<hbm>>
      %dma_start3A_642 = arith.constant 0 : i32
      %dma_start3A_643 = arith.constant 0 : i32
      %dma_start3A_644 = tpu.memref_slice %arg13[%dma_start3A_627, %dma_start3A_628, %dma_start3A_642, %dma_start3A_643] : memref<2x8x128x32xf32, #tpu.memory_space<vmem>> -> memref<1x1x128x32xf32, #tpu.memory_space<vmem>>
      %dma_start3A_645 = tpu.memref_squeeze %dma_start3A_644 : memref<1x1x128x32xf32, #tpu.memory_space<vmem>> -> memref<128x32xf32, #tpu.memory_space<vmem>>
      tpu.enqueue_dma source(%dma_start3A_645 : memref<128x32xf32, #tpu.memory_space<vmem>>) target(%dma_start3A_641 : memref<128x32xf32, #tpu.memory_space<hbm>>) target_semaphore(%dma_start3A_638 : memref<!tpu.dma_semaphore, #tpu.memory_space<semaphore_mem>>)
      %dma_start3A_646 = arith.constant 0 : i32
      %dma_start3A_647 = arith.constant 2 : i32
      %dma_start3A_648 = arith.constant 0 : i32
      %dma_start3A_649 = arith.constant 0 : i32
      %dma_start3A_650 = arith.constant 0 : i32
      %dma_start3A_651 = tpu.memref_slice %arg13[%dma_start3A_646, %dma_start3A_647, %dma_start3A_649, %dma_start3A_650] : memref<2x8x128x32xf32, #tpu.memory_space<vmem>> -> memref<1x1x128x32xf32, #tpu.memory_space<vmem>>
      %dma_start3A_652 = tpu.memref_squeeze %dma_start3A_651 : memref<1x1x128x32xf32, #tpu.memory_space<vmem>> -> memref<128x32xf32, #tpu.memory_space<vmem>>
      %dma_start3A_653 = arith.constant 64 : i32
      %dma_start3A_654 = tpu.memref_slice %arg11[%add3A_467, %mul3A_2, %dma_start3A_653] : memref<50x4096x256xf32, #tpu.memory_space<hbm>> -> memref<1x128x32xf32, #tpu.memory_space<hbm>>
      %dma_start3A_655 = tpu.memref_squeeze %dma_start3A_654 : memref<1x128x32xf32, #tpu.memory_space<hbm>> -> memref<128x32xf32, #tpu.memory_space<hbm>>
      %dma_start3A_656 = tpu.memref_slice %arg15[%dma_start3A_648] : memref<2x!tpu.dma_semaphore, #tpu.memory_space<semaphore_mem>> -> memref<1x!tpu.dma_semaphore, #tpu.memory_space<semaphore_mem>>
      %dma_start3A_657 = tpu.memref_squeeze %dma_start3A_656 : memref<1x!tpu.dma_semaphore, #tpu.memory_space<semaphore_mem>> -> memref<!tpu.dma_semaphore, #tpu.memory_space<semaphore_mem>>
      %dma_start3A_658 = arith.constant 64 : i32
      %dma_start3A_659 = tpu.memref_slice %arg11[%add3A_467, %mul3A_2, %dma_start3A_658] : memref<50x4096x256xf32, #tpu.memory_space<hbm>> -> memref<1x128x32xf32, #tpu.memory_space<hbm>>
      %dma_start3A_660 = tpu.memref_squeeze %dma_start3A_659 : memref<1x128x32xf32, #tpu.memory_space<hbm>> -> memref<128x32xf32, #tpu.memory_space<hbm>>
      %dma_start3A_661 = arith.constant 0 : i32
      %dma_start3A_662 = arith.constant 0 : i32
      %dma_start3A_663 = tpu.memref_slice %arg13[%dma_start3A_646, %dma_start3A_647, %dma_start3A_661, %dma_start3A_662] : memref<2x8x128x32xf32, #tpu.memory_space<vmem>> -> memref<1x1x128x32xf32, #tpu.memory_space<vmem>>
      %dma_start3A_664 = tpu.memref_squeeze %dma_start3A_663 : memref<1x1x128x32xf32, #tpu.memory_space<vmem>> -> memref<128x32xf32, #tpu.memory_space<vmem>>
      tpu.enqueue_dma source(%dma_start3A_664 : memref<128x32xf32, #tpu.memory_space<vmem>>) target(%dma_start3A_660 : memref<128x32xf32, #tpu.memory_space<hbm>>) target_semaphore(%dma_start3A_657 : memref<!tpu.dma_semaphore, #tpu.memory_space<semaphore_mem>>)
      %dma_start3A_665 = arith.constant 0 : i32
      %dma_start3A_666 = arith.constant 3 : i32
      %dma_start3A_667 = arith.constant 0 : i32
      %dma_start3A_668 = arith.constant 0 : i32
      %dma_start3A_669 = arith.constant 0 : i32
      %dma_start3A_670 = tpu.memref_slice %arg13[%dma_start3A_665, %dma_start3A_666, %dma_start3A_668, %dma_start3A_669] : memref<2x8x128x32xf32, #tpu.memory_space<vmem>> -> memref<1x1x128x32xf32, #tpu.memory_space<vmem>>
      %dma_start3A_671 = tpu.memref_squeeze %dma_start3A_670 : memref<1x1x128x32xf32, #tpu.memory_space<vmem>> -> memref<128x32xf32, #tpu.memory_space<vmem>>
      %dma_start3A_672 = arith.constant 96 : i32
      %dma_start3A_673 = tpu.memref_slice %arg11[%add3A_467, %mul3A_2, %dma_start3A_672] : memref<50x4096x256xf32, #tpu.memory_space<hbm>> -> memref<1x128x32xf32, #tpu.memory_space<hbm>>
      %dma_start3A_674 = tpu.memref_squeeze %dma_start3A_673 : memref<1x128x32xf32, #tpu.memory_space<hbm>> -> memref<128x32xf32, #tpu.memory_space<hbm>>
      %dma_start3A_675 = tpu.memref_slice %arg15[%dma_start3A_667] : memref<2x!tpu.dma_semaphore, #tpu.memory_space<semaphore_mem>> -> memref<1x!tpu.dma_semaphore, #tpu.memory_space<semaphore_mem>>
      %dma_start3A_676 = tpu.memref_squeeze %dma_start3A_675 : memref<1x!tpu.dma_semaphore, #tpu.memory_space<semaphore_mem>> -> memref<!tpu.dma_semaphore, #tpu.memory_space<semaphore_mem>>
      %dma_start3A_677 = arith.constant 96 : i32
      %dma_start3A_678 = tpu.memref_slice %arg11[%add3A_467, %mul3A_2, %dma_start3A_677] : memref<50x4096x256xf32, #tpu.memory_space<hbm>> -> memref<1x128x32xf32, #tpu.memory_space<hbm>>
      %dma_start3A_679 = tpu.memref_squeeze %dma_start3A_678 : memref<1x128x32xf32, #tpu.memory_space<hbm>> -> memref<128x32xf32, #tpu.memory_space<hbm>>
      %dma_start3A_680 = arith.constant 0 : i32
      %dma_start3A_681 = arith.constant 0 : i32
      %dma_start3A_682 = tpu.memref_slice %arg13[%dma_start3A_665, %dma_start3A_666, %dma_start3A_680, %dma_start3A_681] : memref<2x8x128x32xf32, #tpu.memory_space<vmem>> -> memref<1x1x128x32xf32, #tpu.memory_space<vmem>>
      %dma_start3A_683 = tpu.memref_squeeze %dma_start3A_682 : memref<1x1x128x32xf32, #tpu.memory_space<vmem>> -> memref<128x32xf32, #tpu.memory_space<vmem>>
      tpu.enqueue_dma source(%dma_start3A_683 : memref<128x32xf32, #tpu.memory_space<vmem>>) target(%dma_start3A_679 : memref<128x32xf32, #tpu.memory_space<hbm>>) target_semaphore(%dma_start3A_676 : memref<!tpu.dma_semaphore, #tpu.memory_space<semaphore_mem>>)
      %dma_start3A_684 = arith.constant 0 : i32
      %dma_start3A_685 = arith.constant 4 : i32
      %dma_start3A_686 = arith.constant 0 : i32
      %dma_start3A_687 = arith.constant 0 : i32
      %dma_start3A_688 = arith.constant 0 : i32
      %dma_start3A_689 = tpu.memref_slice %arg13[%dma_start3A_684, %dma_start3A_685, %dma_start3A_687, %dma_start3A_688] : memref<2x8x128x32xf32, #tpu.memory_space<vmem>> -> memref<1x1x128x32xf32, #tpu.memory_space<vmem>>
      %dma_start3A_690 = tpu.memref_squeeze %dma_start3A_689 : memref<1x1x128x32xf32, #tpu.memory_space<vmem>> -> memref<128x32xf32, #tpu.memory_space<vmem>>
      %dma_start3A_691 = arith.constant 128 : i32
      %dma_start3A_692 = tpu.memref_slice %arg11[%add3A_467, %mul3A_2, %dma_start3A_691] : memref<50x4096x256xf32, #tpu.memory_space<hbm>> -> memref<1x128x32xf32, #tpu.memory_space<hbm>>
      %dma_start3A_693 = tpu.memref_squeeze %dma_start3A_692 : memref<1x128x32xf32, #tpu.memory_space<hbm>> -> memref<128x32xf32, #tpu.memory_space<hbm>>
      %dma_start3A_694 = tpu.memref_slice %arg15[%dma_start3A_686] : memref<2x!tpu.dma_semaphore, #tpu.memory_space<semaphore_mem>> -> memref<1x!tpu.dma_semaphore, #tpu.memory_space<semaphore_mem>>
      %dma_start3A_695 = tpu.memref_squeeze %dma_start3A_694 : memref<1x!tpu.dma_semaphore, #tpu.memory_space<semaphore_mem>> -> memref<!tpu.dma_semaphore, #tpu.memory_space<semaphore_mem>>
      %dma_start3A_696 = arith.constant 128 : i32
      %dma_start3A_697 = tpu.memref_slice %arg11[%add3A_467, %mul3A_2, %dma_start3A_696] : memref<50x4096x256xf32, #tpu.memory_space<hbm>> -> memref<1x128x32xf32, #tpu.memory_space<hbm>>
      %dma_start3A_698 = tpu.memref_squeeze %dma_start3A_697 : memref<1x128x32xf32, #tpu.memory_space<hbm>> -> memref<128x32xf32, #tpu.memory_space<hbm>>
      %dma_start3A_699 = arith.constant 0 : i32
      %dma_start3A_700 = arith.constant 0 : i32
      %dma_start3A_701 = tpu.memref_slice %arg13[%dma_start3A_684, %dma_start3A_685, %dma_start3A_699, %dma_start3A_700] : memref<2x8x128x32xf32, #tpu.memory_space<vmem>> -> memref<1x1x128x32xf32, #tpu.memory_space<vmem>>
      %dma_start3A_702 = tpu.memref_squeeze %dma_start3A_701 : memref<1x1x128x32xf32, #tpu.memory_space<vmem>> -> memref<128x32xf32, #tpu.memory_space<vmem>>
      tpu.enqueue_dma source(%dma_start3A_702 : memref<128x32xf32, #tpu.memory_space<vmem>>) target(%dma_start3A_698 : memref<128x32xf32, #tpu.memory_space<hbm>>) target_semaphore(%dma_start3A_695 : memref<!tpu.dma_semaphore, #tpu.memory_space<semaphore_mem>>)
      %dma_start3A_703 = arith.constant 0 : i32
      %dma_start3A_704 = arith.constant 5 : i32
      %dma_start3A_705 = arith.constant 0 : i32
      %dma_start3A_706 = arith.constant 0 : i32
      %dma_start3A_707 = arith.constant 0 : i32
      %dma_start3A_708 = tpu.memref_slice %arg13[%dma_start3A_703, %dma_start3A_704, %dma_start3A_706, %dma_start3A_707] : memref<2x8x128x32xf32, #tpu.memory_space<vmem>> -> memref<1x1x128x32xf32, #tpu.memory_space<vmem>>
      %dma_start3A_709 = tpu.memref_squeeze %dma_start3A_708 : memref<1x1x128x32xf32, #tpu.memory_space<vmem>> -> memref<128x32xf32, #tpu.memory_space<vmem>>
      %dma_start3A_710 = arith.constant 160 : i32
      %dma_start3A_711 = tpu.memref_slice %arg11[%add3A_467, %mul3A_2, %dma_start3A_710] : memref<50x4096x256xf32, #tpu.memory_space<hbm>> -> memref<1x128x32xf32, #tpu.memory_space<hbm>>
      %dma_start3A_712 = tpu.memref_squeeze %dma_start3A_711 : memref<1x128x32xf32, #tpu.memory_space<hbm>> -> memref<128x32xf32, #tpu.memory_space<hbm>>
      %dma_start3A_713 = tpu.memref_slice %arg15[%dma_start3A_705] : memref<2x!tpu.dma_semaphore, #tpu.memory_space<semaphore_mem>> -> memref<1x!tpu.dma_semaphore, #tpu.memory_space<semaphore_mem>>
      %dma_start3A_714 = tpu.memref_squeeze %dma_start3A_713 : memref<1x!tpu.dma_semaphore, #tpu.memory_space<semaphore_mem>> -> memref<!tpu.dma_semaphore, #tpu.memory_space<semaphore_mem>>
      %dma_start3A_715 = arith.constant 160 : i32
      %dma_start3A_716 = tpu.memref_slice %arg11[%add3A_467, %mul3A_2, %dma_start3A_715] : memref<50x4096x256xf32, #tpu.memory_space<hbm>> -> memref<1x128x32xf32, #tpu.memory_space<hbm>>
      %dma_start3A_717 = tpu.memref_squeeze %dma_start3A_716 : memref<1x128x32xf32, #tpu.memory_space<hbm>> -> memref<128x32xf32, #tpu.memory_space<hbm>>
      %dma_start3A_718 = arith.constant 0 : i32
      %dma_start3A_719 = arith.constant 0 : i32
      %dma_start3A_720 = tpu.memref_slice %arg13[%dma_start3A_703, %dma_start3A_704, %dma_start3A_718, %dma_start3A_719] : memref<2x8x128x32xf32, #tpu.memory_space<vmem>> -> memref<1x1x128x32xf32, #tpu.memory_space<vmem>>
      %dma_start3A_721 = tpu.memref_squeeze %dma_start3A_720 : memref<1x1x128x32xf32, #tpu.memory_space<vmem>> -> memref<128x32xf32, #tpu.memory_space<vmem>>
      tpu.enqueue_dma source(%dma_start3A_721 : memref<128x32xf32, #tpu.memory_space<vmem>>) target(%dma_start3A_717 : memref<128x32xf32, #tpu.memory_space<hbm>>) target_semaphore(%dma_start3A_714 : memref<!tpu.dma_semaphore, #tpu.memory_space<semaphore_mem>>)
      %dma_start3A_722 = arith.constant 0 : i32
      %dma_start3A_723 = arith.constant 6 : i32
      %dma_start3A_724 = arith.constant 0 : i32
      %dma_start3A_725 = arith.constant 0 : i32
      %dma_start3A_726 = arith.constant 0 : i32
      %dma_start3A_727 = tpu.memref_slice %arg13[%dma_start3A_722, %dma_start3A_723, %dma_start3A_725, %dma_start3A_726] : memref<2x8x128x32xf32, #tpu.memory_space<vmem>> -> memref<1x1x128x32xf32, #tpu.memory_space<vmem>>
      %dma_start3A_728 = tpu.memref_squeeze %dma_start3A_727 : memref<1x1x128x32xf32, #tpu.memory_space<vmem>> -> memref<128x32xf32, #tpu.memory_space<vmem>>
      %dma_start3A_729 = arith.constant 192 : i32
      %dma_start3A_730 = tpu.memref_slice %arg11[%add3A_467, %mul3A_2, %dma_start3A_729] : memref<50x4096x256xf32, #tpu.memory_space<hbm>> -> memref<1x128x32xf32, #tpu.memory_space<hbm>>
      %dma_start3A_731 = tpu.memref_squeeze %dma_start3A_730 : memref<1x128x32xf32, #tpu.memory_space<hbm>> -> memref<128x32xf32, #tpu.memory_space<hbm>>
      %dma_start3A_732 = tpu.memref_slice %arg15[%dma_start3A_724] : memref<2x!tpu.dma_semaphore, #tpu.memory_space<semaphore_mem>> -> memref<1x!tpu.dma_semaphore, #tpu.memory_space<semaphore_mem>>
      %dma_start3A_733 = tpu.memref_squeeze %dma_start3A_732 : memref<1x!tpu.dma_semaphore, #tpu.memory_space<semaphore_mem>> -> memref<!tpu.dma_semaphore, #tpu.memory_space<semaphore_mem>>
      %dma_start3A_734 = arith.constant 192 : i32
      %dma_start3A_735 = tpu.memref_slice %arg11[%add3A_467, %mul3A_2, %dma_start3A_734] : memref<50x4096x256xf32, #tpu.memory_space<hbm>> -> memref<1x128x32xf32, #tpu.memory_space<hbm>>
      %dma_start3A_736 = tpu.memref_squeeze %dma_start3A_735 : memref<1x128x32xf32, #tpu.memory_space<hbm>> -> memref<128x32xf32, #tpu.memory_space<hbm>>
      %dma_start3A_737 = arith.constant 0 : i32
      %dma_start3A_738 = arith.constant 0 : i32
      %dma_start3A_739 = tpu.memref_slice %arg13[%dma_start3A_722, %dma_start3A_723, %dma_start3A_737, %dma_start3A_738] : memref<2x8x128x32xf32, #tpu.memory_space<vmem>> -> memref<1x1x128x32xf32, #tpu.memory_space<vmem>>
      %dma_start3A_740 = tpu.memref_squeeze %dma_start3A_739 : memref<1x1x128x32xf32, #tpu.memory_space<vmem>> -> memref<128x32xf32, #tpu.memory_space<vmem>>
      tpu.enqueue_dma source(%dma_start3A_740 : memref<128x32xf32, #tpu.memory_space<vmem>>) target(%dma_start3A_736 : memref<128x32xf32, #tpu.memory_space<hbm>>) target_semaphore(%dma_start3A_733 : memref<!tpu.dma_semaphore, #tpu.memory_space<semaphore_mem>>)
      %dma_start3A_741 = arith.constant 0 : i32
      %dma_start3A_742 = arith.constant 7 : i32
      %dma_start3A_743 = arith.constant 0 : i32
      %dma_start3A_744 = arith.constant 0 : i32
      %dma_start3A_745 = arith.constant 0 : i32
      %dma_start3A_746 = tpu.memref_slice %arg13[%dma_start3A_741, %dma_start3A_742, %dma_start3A_744, %dma_start3A_745] : memref<2x8x128x32xf32, #tpu.memory_space<vmem>> -> memref<1x1x128x32xf32, #tpu.memory_space<vmem>>
      %dma_start3A_747 = tpu.memref_squeeze %dma_start3A_746 : memref<1x1x128x32xf32, #tpu.memory_space<vmem>> -> memref<128x32xf32, #tpu.memory_space<vmem>>
      %dma_start3A_748 = arith.constant 224 : i32
      %dma_start3A_749 = tpu.memref_slice %arg11[%add3A_467, %mul3A_2, %dma_start3A_748] : memref<50x4096x256xf32, #tpu.memory_space<hbm>> -> memref<1x128x32xf32, #tpu.memory_space<hbm>>
      %dma_start3A_750 = tpu.memref_squeeze %dma_start3A_749 : memref<1x128x32xf32, #tpu.memory_space<hbm>> -> memref<128x32xf32, #tpu.memory_space<hbm>>
      %dma_start3A_751 = tpu.memref_slice %arg15[%dma_start3A_743] : memref<2x!tpu.dma_semaphore, #tpu.memory_space<semaphore_mem>> -> memref<1x!tpu.dma_semaphore, #tpu.memory_space<semaphore_mem>>
      %dma_start3A_752 = tpu.memref_squeeze %dma_start3A_751 : memref<1x!tpu.dma_semaphore, #tpu.memory_space<semaphore_mem>> -> memref<!tpu.dma_semaphore, #tpu.memory_space<semaphore_mem>>
      %dma_start3A_753 = arith.constant 224 : i32
      %dma_start3A_754 = tpu.memref_slice %arg11[%add3A_467, %mul3A_2, %dma_start3A_753] : memref<50x4096x256xf32, #tpu.memory_space<hbm>> -> memref<1x128x32xf32, #tpu.memory_space<hbm>>
      %dma_start3A_755 = tpu.memref_squeeze %dma_start3A_754 : memref<1x128x32xf32, #tpu.memory_space<hbm>> -> memref<128x32xf32, #tpu.memory_space<hbm>>
      %dma_start3A_756 = arith.constant 0 : i32
      %dma_start3A_757 = arith.constant 0 : i32
      %dma_start3A_758 = tpu.memref_slice %arg13[%dma_start3A_741, %dma_start3A_742, %dma_start3A_756, %dma_start3A_757] : memref<2x8x128x32xf32, #tpu.memory_space<vmem>> -> memref<1x1x128x32xf32, #tpu.memory_space<vmem>>
      %dma_start3A_759 = tpu.memref_squeeze %dma_start3A_758 : memref<1x1x128x32xf32, #tpu.memory_space<vmem>> -> memref<128x32xf32, #tpu.memory_space<vmem>>
      tpu.enqueue_dma source(%dma_start3A_759 : memref<128x32xf32, #tpu.memory_space<vmem>>) target(%dma_start3A_755 : memref<128x32xf32, #tpu.memory_space<hbm>>) target_semaphore(%dma_start3A_752 : memref<!tpu.dma_semaphore, #tpu.memory_space<semaphore_mem>>)
      %mul3A_760 = arith.constant 2 : i32
      %mul3A_761 = arith.muli %scan3A_463, %mul3A_760 : i32
      %add3A_762 = arith.constant 1 : i32
      %add3A_763 = arith.addi %mul3A_761, %add3A_762 : i32
      %add3A_764 = arith.constant 1 : i32
      %add3A_765 = arith.addi %add3A_763, %add3A_764 : i32
      %lt3A_766 = arith.constant 50 : i32
      %lt3A_767 = arith.cmpi slt, %add3A_765, %lt3A_766 : i32
      %convert_element_type3A_768 = arith.extui %lt3A_767 : i1 to i32
      %cond3A_769 = arith.constant 0 : i32
      %cond3A_770 = arith.cmpi ne, %convert_element_type3A_768, %cond3A_769 : i32
      scf.if %cond3A_770 {
        %ge3A = arith.constant 1 : i32
        %ge3A_1059 = arith.cmpi sge, %add3A_763, %ge3A : i32
        %convert_element_type3A_1060 = arith.extui %ge3A_1059 : i1 to i32
        %cond3A_1061 = arith.constant 0 : i32
        %cond3A_1062 = arith.cmpi ne, %convert_element_type3A_1060, %cond3A_1061 : i32
        scf.if %cond3A_1062 {
          %sub3A = arith.constant 1 : i32
          %sub3A_1202 = arith.subi %add3A_763, %sub3A : i32
          %dma_wait3A_1203 = arith.constant 0 : i32
          %dma_wait3A_1204 = arith.constant 0 : i32
          %dma_wait3A_1205 = arith.constant 0 : i32
          %dma_wait3A_1206 = arith.constant 0 : i32
          %dma_wait3A_1207 = arith.constant 0 : i32
          %dma_wait3A_1208 = tpu.memref_slice %arg13[%dma_wait3A_1203, %dma_wait3A_1204, %dma_wait3A_1206, %dma_wait3A_1207] : memref<2x8x128x32xf32, #tpu.memory_space<vmem>> -> memref<1x1x128x32xf32, #tpu.memory_space<vmem>>
          %dma_wait3A_1209 = tpu.memref_squeeze %dma_wait3A_1208 : memref<1x1x128x32xf32, #tpu.memory_space<vmem>> -> memref<128x32xf32, #tpu.memory_space<vmem>>
          %dma_wait3A_1210 = arith.constant 0 : i32
          %dma_wait3A_1211 = tpu.memref_slice %arg11[%sub3A_1202, %mul3A_2, %dma_wait3A_1210] : memref<50x4096x256xf32, #tpu.memory_space<hbm>> -> memref<1x128x32xf32, #tpu.memory_space<hbm>>
          %dma_wait3A_1212 = tpu.memref_squeeze %dma_wait3A_1211 : memref<1x128x32xf32, #tpu.memory_space<hbm>> -> memref<128x32xf32, #tpu.memory_space<hbm>>
          %dma_wait3A_1213 = tpu.memref_slice %arg15[%dma_wait3A_1205] : memref<2x!tpu.dma_semaphore, #tpu.memory_space<semaphore_mem>> -> memref<1x!tpu.dma_semaphore, #tpu.memory_space<semaphore_mem>>
          %dma_wait3A_1214 = tpu.memref_squeeze %dma_wait3A_1213 : memref<1x!tpu.dma_semaphore, #tpu.memory_space<semaphore_mem>> -> memref<!tpu.dma_semaphore, #tpu.memory_space<semaphore_mem>>
          %dma_wait3A_1215 = arith.constant 0 : i32
          %dma_wait3A_1216 = tpu.memref_slice %arg11[%sub3A_1202, %mul3A_2, %dma_wait3A_1215] : memref<50x4096x256xf32, #tpu.memory_space<hbm>> -> memref<1x128x32xf32, #tpu.memory_space<hbm>>
          %dma_wait3A_1217 = tpu.memref_squeeze %dma_wait3A_1216 : memref<1x128x32xf32, #tpu.memory_space<hbm>> -> memref<128x32xf32, #tpu.memory_space<hbm>>
          %dma_wait3A_1218 = arith.constant 0 : i32
          %dma_wait3A_1219 = arith.constant 0 : i32
          %dma_wait3A_1220 = tpu.memref_slice %arg13[%dma_wait3A_1203, %dma_wait3A_1204, %dma_wait3A_1218, %dma_wait3A_1219] : memref<2x8x128x32xf32, #tpu.memory_space<vmem>> -> memref<1x1x128x32xf32, #tpu.memory_space<vmem>>
          %dma_wait3A_1221 = tpu.memref_squeeze %dma_wait3A_1220 : memref<1x1x128x32xf32, #tpu.memory_space<vmem>> -> memref<128x32xf32, #tpu.memory_space<vmem>>
          tpu.wait_dma2 semaphore(%dma_wait3A_1214 : memref<!tpu.dma_semaphore, #tpu.memory_space<semaphore_mem>>) src(%dma_wait3A_1221 : memref<128x32xf32, #tpu.memory_space<vmem>>) dst(%dma_wait3A_1217 : memref<128x32xf32, #tpu.memory_space<hbm>>)
          %dma_wait3A_1222 = arith.constant 0 : i32
          %dma_wait3A_1223 = arith.constant 1 : i32
          %dma_wait3A_1224 = arith.constant 0 : i32
          %dma_wait3A_1225 = arith.constant 0 : i32
          %dma_wait3A_1226 = arith.constant 0 : i32
          %dma_wait3A_1227 = tpu.memref_slice %arg13[%dma_wait3A_1222, %dma_wait3A_1223, %dma_wait3A_1225, %dma_wait3A_1226] : memref<2x8x128x32xf32, #tpu.memory_space<vmem>> -> memref<1x1x128x32xf32, #tpu.memory_space<vmem>>
          %dma_wait3A_1228 = tpu.memref_squeeze %dma_wait3A_1227 : memref<1x1x128x32xf32, #tpu.memory_space<vmem>> -> memref<128x32xf32, #tpu.memory_space<vmem>>
          %dma_wait3A_1229 = arith.constant 32 : i32
          %dma_wait3A_1230 = tpu.memref_slice %arg11[%sub3A_1202, %mul3A_2, %dma_wait3A_1229] : memref<50x4096x256xf32, #tpu.memory_space<hbm>> -> memref<1x128x32xf32, #tpu.memory_space<hbm>>
          %dma_wait3A_1231 = tpu.memref_squeeze %dma_wait3A_1230 : memref<1x128x32xf32, #tpu.memory_space<hbm>> -> memref<128x32xf32, #tpu.memory_space<hbm>>
          %dma_wait3A_1232 = tpu.memref_slice %arg15[%dma_wait3A_1224] : memref<2x!tpu.dma_semaphore, #tpu.memory_space<semaphore_mem>> -> memref<1x!tpu.dma_semaphore, #tpu.memory_space<semaphore_mem>>
          %dma_wait3A_1233 = tpu.memref_squeeze %dma_wait3A_1232 : memref<1x!tpu.dma_semaphore, #tpu.memory_space<semaphore_mem>> -> memref<!tpu.dma_semaphore, #tpu.memory_space<semaphore_mem>>
          %dma_wait3A_1234 = arith.constant 32 : i32
          %dma_wait3A_1235 = tpu.memref_slice %arg11[%sub3A_1202, %mul3A_2, %dma_wait3A_1234] : memref<50x4096x256xf32, #tpu.memory_space<hbm>> -> memref<1x128x32xf32, #tpu.memory_space<hbm>>
          %dma_wait3A_1236 = tpu.memref_squeeze %dma_wait3A_1235 : memref<1x128x32xf32, #tpu.memory_space<hbm>> -> memref<128x32xf32, #tpu.memory_space<hbm>>
          %dma_wait3A_1237 = arith.constant 0 : i32
          %dma_wait3A_1238 = arith.constant 0 : i32
          %dma_wait3A_1239 = tpu.memref_slice %arg13[%dma_wait3A_1222, %dma_wait3A_1223, %dma_wait3A_1237, %dma_wait3A_1238] : memref<2x8x128x32xf32, #tpu.memory_space<vmem>> -> memref<1x1x128x32xf32, #tpu.memory_space<vmem>>
          %dma_wait3A_1240 = tpu.memref_squeeze %dma_wait3A_1239 : memref<1x1x128x32xf32, #tpu.memory_space<vmem>> -> memref<128x32xf32, #tpu.memory_space<vmem>>
          tpu.wait_dma2 semaphore(%dma_wait3A_1233 : memref<!tpu.dma_semaphore, #tpu.memory_space<semaphore_mem>>) src(%dma_wait3A_1240 : memref<128x32xf32, #tpu.memory_space<vmem>>) dst(%dma_wait3A_1236 : memref<128x32xf32, #tpu.memory_space<hbm>>)
          %dma_wait3A_1241 = arith.constant 0 : i32
          %dma_wait3A_1242 = arith.constant 2 : i32
          %dma_wait3A_1243 = arith.constant 0 : i32
          %dma_wait3A_1244 = arith.constant 0 : i32
          %dma_wait3A_1245 = arith.constant 0 : i32
          %dma_wait3A_1246 = tpu.memref_slice %arg13[%dma_wait3A_1241, %dma_wait3A_1242, %dma_wait3A_1244, %dma_wait3A_1245] : memref<2x8x128x32xf32, #tpu.memory_space<vmem>> -> memref<1x1x128x32xf32, #tpu.memory_space<vmem>>
          %dma_wait3A_1247 = tpu.memref_squeeze %dma_wait3A_1246 : memref<1x1x128x32xf32, #tpu.memory_space<vmem>> -> memref<128x32xf32, #tpu.memory_space<vmem>>
          %dma_wait3A_1248 = arith.constant 64 : i32
          %dma_wait3A_1249 = tpu.memref_slice %arg11[%sub3A_1202, %mul3A_2, %dma_wait3A_1248] : memref<50x4096x256xf32, #tpu.memory_space<hbm>> -> memref<1x128x32xf32, #tpu.memory_space<hbm>>
          %dma_wait3A_1250 = tpu.memref_squeeze %dma_wait3A_1249 : memref<1x128x32xf32, #tpu.memory_space<hbm>> -> memref<128x32xf32, #tpu.memory_space<hbm>>
          %dma_wait3A_1251 = tpu.memref_slice %arg15[%dma_wait3A_1243] : memref<2x!tpu.dma_semaphore, #tpu.memory_space<semaphore_mem>> -> memref<1x!tpu.dma_semaphore, #tpu.memory_space<semaphore_mem>>
          %dma_wait3A_1252 = tpu.memref_squeeze %dma_wait3A_1251 : memref<1x!tpu.dma_semaphore, #tpu.memory_space<semaphore_mem>> -> memref<!tpu.dma_semaphore, #tpu.memory_space<semaphore_mem>>
          %dma_wait3A_1253 = arith.constant 64 : i32
          %dma_wait3A_1254 = tpu.memref_slice %arg11[%sub3A_1202, %mul3A_2, %dma_wait3A_1253] : memref<50x4096x256xf32, #tpu.memory_space<hbm>> -> memref<1x128x32xf32, #tpu.memory_space<hbm>>
          %dma_wait3A_1255 = tpu.memref_squeeze %dma_wait3A_1254 : memref<1x128x32xf32, #tpu.memory_space<hbm>> -> memref<128x32xf32, #tpu.memory_space<hbm>>
          %dma_wait3A_1256 = arith.constant 0 : i32
          %dma_wait3A_1257 = arith.constant 0 : i32
          %dma_wait3A_1258 = tpu.memref_slice %arg13[%dma_wait3A_1241, %dma_wait3A_1242, %dma_wait3A_1256, %dma_wait3A_1257] : memref<2x8x128x32xf32, #tpu.memory_space<vmem>> -> memref<1x1x128x32xf32, #tpu.memory_space<vmem>>
          %dma_wait3A_1259 = tpu.memref_squeeze %dma_wait3A_1258 : memref<1x1x128x32xf32, #tpu.memory_space<vmem>> -> memref<128x32xf32, #tpu.memory_space<vmem>>
          tpu.wait_dma2 semaphore(%dma_wait3A_1252 : memref<!tpu.dma_semaphore, #tpu.memory_space<semaphore_mem>>) src(%dma_wait3A_1259 : memref<128x32xf32, #tpu.memory_space<vmem>>) dst(%dma_wait3A_1255 : memref<128x32xf32, #tpu.memory_space<hbm>>)
          %dma_wait3A_1260 = arith.constant 0 : i32
          %dma_wait3A_1261 = arith.constant 3 : i32
          %dma_wait3A_1262 = arith.constant 0 : i32
          %dma_wait3A_1263 = arith.constant 0 : i32
          %dma_wait3A_1264 = arith.constant 0 : i32
          %dma_wait3A_1265 = tpu.memref_slice %arg13[%dma_wait3A_1260, %dma_wait3A_1261, %dma_wait3A_1263, %dma_wait3A_1264] : memref<2x8x128x32xf32, #tpu.memory_space<vmem>> -> memref<1x1x128x32xf32, #tpu.memory_space<vmem>>
          %dma_wait3A_1266 = tpu.memref_squeeze %dma_wait3A_1265 : memref<1x1x128x32xf32, #tpu.memory_space<vmem>> -> memref<128x32xf32, #tpu.memory_space<vmem>>
          %dma_wait3A_1267 = arith.constant 96 : i32
          %dma_wait3A_1268 = tpu.memref_slice %arg11[%sub3A_1202, %mul3A_2, %dma_wait3A_1267] : memref<50x4096x256xf32, #tpu.memory_space<hbm>> -> memref<1x128x32xf32, #tpu.memory_space<hbm>>
          %dma_wait3A_1269 = tpu.memref_squeeze %dma_wait3A_1268 : memref<1x128x32xf32, #tpu.memory_space<hbm>> -> memref<128x32xf32, #tpu.memory_space<hbm>>
          %dma_wait3A_1270 = tpu.memref_slice %arg15[%dma_wait3A_1262] : memref<2x!tpu.dma_semaphore, #tpu.memory_space<semaphore_mem>> -> memref<1x!tpu.dma_semaphore, #tpu.memory_space<semaphore_mem>>
          %dma_wait3A_1271 = tpu.memref_squeeze %dma_wait3A_1270 : memref<1x!tpu.dma_semaphore, #tpu.memory_space<semaphore_mem>> -> memref<!tpu.dma_semaphore, #tpu.memory_space<semaphore_mem>>
          %dma_wait3A_1272 = arith.constant 96 : i32
          %dma_wait3A_1273 = tpu.memref_slice %arg11[%sub3A_1202, %mul3A_2, %dma_wait3A_1272] : memref<50x4096x256xf32, #tpu.memory_space<hbm>> -> memref<1x128x32xf32, #tpu.memory_space<hbm>>
          %dma_wait3A_1274 = tpu.memref_squeeze %dma_wait3A_1273 : memref<1x128x32xf32, #tpu.memory_space<hbm>> -> memref<128x32xf32, #tpu.memory_space<hbm>>
          %dma_wait3A_1275 = arith.constant 0 : i32
          %dma_wait3A_1276 = arith.constant 0 : i32
          %dma_wait3A_1277 = tpu.memref_slice %arg13[%dma_wait3A_1260, %dma_wait3A_1261, %dma_wait3A_1275, %dma_wait3A_1276] : memref<2x8x128x32xf32, #tpu.memory_space<vmem>> -> memref<1x1x128x32xf32, #tpu.memory_space<vmem>>
          %dma_wait3A_1278 = tpu.memref_squeeze %dma_wait3A_1277 : memref<1x1x128x32xf32, #tpu.memory_space<vmem>> -> memref<128x32xf32, #tpu.memory_space<vmem>>
          tpu.wait_dma2 semaphore(%dma_wait3A_1271 : memref<!tpu.dma_semaphore, #tpu.memory_space<semaphore_mem>>) src(%dma_wait3A_1278 : memref<128x32xf32, #tpu.memory_space<vmem>>) dst(%dma_wait3A_1274 : memref<128x32xf32, #tpu.memory_space<hbm>>)
          %dma_wait3A_1279 = arith.constant 0 : i32
          %dma_wait3A_1280 = arith.constant 4 : i32
          %dma_wait3A_1281 = arith.constant 0 : i32
          %dma_wait3A_1282 = arith.constant 0 : i32
          %dma_wait3A_1283 = arith.constant 0 : i32
          %dma_wait3A_1284 = tpu.memref_slice %arg13[%dma_wait3A_1279, %dma_wait3A_1280, %dma_wait3A_1282, %dma_wait3A_1283] : memref<2x8x128x32xf32, #tpu.memory_space<vmem>> -> memref<1x1x128x32xf32, #tpu.memory_space<vmem>>
          %dma_wait3A_1285 = tpu.memref_squeeze %dma_wait3A_1284 : memref<1x1x128x32xf32, #tpu.memory_space<vmem>> -> memref<128x32xf32, #tpu.memory_space<vmem>>
          %dma_wait3A_1286 = arith.constant 128 : i32
          %dma_wait3A_1287 = tpu.memref_slice %arg11[%sub3A_1202, %mul3A_2, %dma_wait3A_1286] : memref<50x4096x256xf32, #tpu.memory_space<hbm>> -> memref<1x128x32xf32, #tpu.memory_space<hbm>>
          %dma_wait3A_1288 = tpu.memref_squeeze %dma_wait3A_1287 : memref<1x128x32xf32, #tpu.memory_space<hbm>> -> memref<128x32xf32, #tpu.memory_space<hbm>>
          %dma_wait3A_1289 = tpu.memref_slice %arg15[%dma_wait3A_1281] : memref<2x!tpu.dma_semaphore, #tpu.memory_space<semaphore_mem>> -> memref<1x!tpu.dma_semaphore, #tpu.memory_space<semaphore_mem>>
          %dma_wait3A_1290 = tpu.memref_squeeze %dma_wait3A_1289 : memref<1x!tpu.dma_semaphore, #tpu.memory_space<semaphore_mem>> -> memref<!tpu.dma_semaphore, #tpu.memory_space<semaphore_mem>>
          %dma_wait3A_1291 = arith.constant 128 : i32
          %dma_wait3A_1292 = tpu.memref_slice %arg11[%sub3A_1202, %mul3A_2, %dma_wait3A_1291] : memref<50x4096x256xf32, #tpu.memory_space<hbm>> -> memref<1x128x32xf32, #tpu.memory_space<hbm>>
          %dma_wait3A_1293 = tpu.memref_squeeze %dma_wait3A_1292 : memref<1x128x32xf32, #tpu.memory_space<hbm>> -> memref<128x32xf32, #tpu.memory_space<hbm>>
          %dma_wait3A_1294 = arith.constant 0 : i32
          %dma_wait3A_1295 = arith.constant 0 : i32
          %dma_wait3A_1296 = tpu.memref_slice %arg13[%dma_wait3A_1279, %dma_wait3A_1280, %dma_wait3A_1294, %dma_wait3A_1295] : memref<2x8x128x32xf32, #tpu.memory_space<vmem>> -> memref<1x1x128x32xf32, #tpu.memory_space<vmem>>
          %dma_wait3A_1297 = tpu.memref_squeeze %dma_wait3A_1296 : memref<1x1x128x32xf32, #tpu.memory_space<vmem>> -> memref<128x32xf32, #tpu.memory_space<vmem>>
          tpu.wait_dma2 semaphore(%dma_wait3A_1290 : memref<!tpu.dma_semaphore, #tpu.memory_space<semaphore_mem>>) src(%dma_wait3A_1297 : memref<128x32xf32, #tpu.memory_space<vmem>>) dst(%dma_wait3A_1293 : memref<128x32xf32, #tpu.memory_space<hbm>>)
          %dma_wait3A_1298 = arith.constant 0 : i32
          %dma_wait3A_1299 = arith.constant 5 : i32
          %dma_wait3A_1300 = arith.constant 0 : i32
          %dma_wait3A_1301 = arith.constant 0 : i32
          %dma_wait3A_1302 = arith.constant 0 : i32
          %dma_wait3A_1303 = tpu.memref_slice %arg13[%dma_wait3A_1298, %dma_wait3A_1299, %dma_wait3A_1301, %dma_wait3A_1302] : memref<2x8x128x32xf32, #tpu.memory_space<vmem>> -> memref<1x1x128x32xf32, #tpu.memory_space<vmem>>
          %dma_wait3A_1304 = tpu.memref_squeeze %dma_wait3A_1303 : memref<1x1x128x32xf32, #tpu.memory_space<vmem>> -> memref<128x32xf32, #tpu.memory_space<vmem>>
          %dma_wait3A_1305 = arith.constant 160 : i32
          %dma_wait3A_1306 = tpu.memref_slice %arg11[%sub3A_1202, %mul3A_2, %dma_wait3A_1305] : memref<50x4096x256xf32, #tpu.memory_space<hbm>> -> memref<1x128x32xf32, #tpu.memory_space<hbm>>
          %dma_wait3A_1307 = tpu.memref_squeeze %dma_wait3A_1306 : memref<1x128x32xf32, #tpu.memory_space<hbm>> -> memref<128x32xf32, #tpu.memory_space<hbm>>
          %dma_wait3A_1308 = tpu.memref_slice %arg15[%dma_wait3A_1300] : memref<2x!tpu.dma_semaphore, #tpu.memory_space<semaphore_mem>> -> memref<1x!tpu.dma_semaphore, #tpu.memory_space<semaphore_mem>>
          %dma_wait3A_1309 = tpu.memref_squeeze %dma_wait3A_1308 : memref<1x!tpu.dma_semaphore, #tpu.memory_space<semaphore_mem>> -> memref<!tpu.dma_semaphore, #tpu.memory_space<semaphore_mem>>
          %dma_wait3A_1310 = arith.constant 160 : i32
          %dma_wait3A_1311 = tpu.memref_slice %arg11[%sub3A_1202, %mul3A_2, %dma_wait3A_1310] : memref<50x4096x256xf32, #tpu.memory_space<hbm>> -> memref<1x128x32xf32, #tpu.memory_space<hbm>>
          %dma_wait3A_1312 = tpu.memref_squeeze %dma_wait3A_1311 : memref<1x128x32xf32, #tpu.memory_space<hbm>> -> memref<128x32xf32, #tpu.memory_space<hbm>>
          %dma_wait3A_1313 = arith.constant 0 : i32
          %dma_wait3A_1314 = arith.constant 0 : i32
          %dma_wait3A_1315 = tpu.memref_slice %arg13[%dma_wait3A_1298, %dma_wait3A_1299, %dma_wait3A_1313, %dma_wait3A_1314] : memref<2x8x128x32xf32, #tpu.memory_space<vmem>> -> memref<1x1x128x32xf32, #tpu.memory_space<vmem>>
          %dma_wait3A_1316 = tpu.memref_squeeze %dma_wait3A_1315 : memref<1x1x128x32xf32, #tpu.memory_space<vmem>> -> memref<128x32xf32, #tpu.memory_space<vmem>>
          tpu.wait_dma2 semaphore(%dma_wait3A_1309 : memref<!tpu.dma_semaphore, #tpu.memory_space<semaphore_mem>>) src(%dma_wait3A_1316 : memref<128x32xf32, #tpu.memory_space<vmem>>) dst(%dma_wait3A_1312 : memref<128x32xf32, #tpu.memory_space<hbm>>)
          %dma_wait3A_1317 = arith.constant 0 : i32
          %dma_wait3A_1318 = arith.constant 6 : i32
          %dma_wait3A_1319 = arith.constant 0 : i32
          %dma_wait3A_1320 = arith.constant 0 : i32
          %dma_wait3A_1321 = arith.constant 0 : i32
          %dma_wait3A_1322 = tpu.memref_slice %arg13[%dma_wait3A_1317, %dma_wait3A_1318, %dma_wait3A_1320, %dma_wait3A_1321] : memref<2x8x128x32xf32, #tpu.memory_space<vmem>> -> memref<1x1x128x32xf32, #tpu.memory_space<vmem>>
          %dma_wait3A_1323 = tpu.memref_squeeze %dma_wait3A_1322 : memref<1x1x128x32xf32, #tpu.memory_space<vmem>> -> memref<128x32xf32, #tpu.memory_space<vmem>>
          %dma_wait3A_1324 = arith.constant 192 : i32
          %dma_wait3A_1325 = tpu.memref_slice %arg11[%sub3A_1202, %mul3A_2, %dma_wait3A_1324] : memref<50x4096x256xf32, #tpu.memory_space<hbm>> -> memref<1x128x32xf32, #tpu.memory_space<hbm>>
          %dma_wait3A_1326 = tpu.memref_squeeze %dma_wait3A_1325 : memref<1x128x32xf32, #tpu.memory_space<hbm>> -> memref<128x32xf32, #tpu.memory_space<hbm>>
          %dma_wait3A_1327 = tpu.memref_slice %arg15[%dma_wait3A_1319] : memref<2x!tpu.dma_semaphore, #tpu.memory_space<semaphore_mem>> -> memref<1x!tpu.dma_semaphore, #tpu.memory_space<semaphore_mem>>
          %dma_wait3A_1328 = tpu.memref_squeeze %dma_wait3A_1327 : memref<1x!tpu.dma_semaphore, #tpu.memory_space<semaphore_mem>> -> memref<!tpu.dma_semaphore, #tpu.memory_space<semaphore_mem>>
          %dma_wait3A_1329 = arith.constant 192 : i32
          %dma_wait3A_1330 = tpu.memref_slice %arg11[%sub3A_1202, %mul3A_2, %dma_wait3A_1329] : memref<50x4096x256xf32, #tpu.memory_space<hbm>> -> memref<1x128x32xf32, #tpu.memory_space<hbm>>
          %dma_wait3A_1331 = tpu.memref_squeeze %dma_wait3A_1330 : memref<1x128x32xf32, #tpu.memory_space<hbm>> -> memref<128x32xf32, #tpu.memory_space<hbm>>
          %dma_wait3A_1332 = arith.constant 0 : i32
          %dma_wait3A_1333 = arith.constant 0 : i32
          %dma_wait3A_1334 = tpu.memref_slice %arg13[%dma_wait3A_1317, %dma_wait3A_1318, %dma_wait3A_1332, %dma_wait3A_1333] : memref<2x8x128x32xf32, #tpu.memory_space<vmem>> -> memref<1x1x128x32xf32, #tpu.memory_space<vmem>>
          %dma_wait3A_1335 = tpu.memref_squeeze %dma_wait3A_1334 : memref<1x1x128x32xf32, #tpu.memory_space<vmem>> -> memref<128x32xf32, #tpu.memory_space<vmem>>
          tpu.wait_dma2 semaphore(%dma_wait3A_1328 : memref<!tpu.dma_semaphore, #tpu.memory_space<semaphore_mem>>) src(%dma_wait3A_1335 : memref<128x32xf32, #tpu.memory_space<vmem>>) dst(%dma_wait3A_1331 : memref<128x32xf32, #tpu.memory_space<hbm>>)
          %dma_wait3A_1336 = arith.constant 0 : i32
          %dma_wait3A_1337 = arith.constant 7 : i32
          %dma_wait3A_1338 = arith.constant 0 : i32
          %dma_wait3A_1339 = arith.constant 0 : i32
          %dma_wait3A_1340 = arith.constant 0 : i32
          %dma_wait3A_1341 = tpu.memref_slice %arg13[%dma_wait3A_1336, %dma_wait3A_1337, %dma_wait3A_1339, %dma_wait3A_1340] : memref<2x8x128x32xf32, #tpu.memory_space<vmem>> -> memref<1x1x128x32xf32, #tpu.memory_space<vmem>>
          %dma_wait3A_1342 = tpu.memref_squeeze %dma_wait3A_1341 : memref<1x1x128x32xf32, #tpu.memory_space<vmem>> -> memref<128x32xf32, #tpu.memory_space<vmem>>
          %dma_wait3A_1343 = arith.constant 224 : i32
          %dma_wait3A_1344 = tpu.memref_slice %arg11[%sub3A_1202, %mul3A_2, %dma_wait3A_1343] : memref<50x4096x256xf32, #tpu.memory_space<hbm>> -> memref<1x128x32xf32, #tpu.memory_space<hbm>>
          %dma_wait3A_1345 = tpu.memref_squeeze %dma_wait3A_1344 : memref<1x128x32xf32, #tpu.memory_space<hbm>> -> memref<128x32xf32, #tpu.memory_space<hbm>>
          %dma_wait3A_1346 = tpu.memref_slice %arg15[%dma_wait3A_1338] : memref<2x!tpu.dma_semaphore, #tpu.memory_space<semaphore_mem>> -> memref<1x!tpu.dma_semaphore, #tpu.memory_space<semaphore_mem>>
          %dma_wait3A_1347 = tpu.memref_squeeze %dma_wait3A_1346 : memref<1x!tpu.dma_semaphore, #tpu.memory_space<semaphore_mem>> -> memref<!tpu.dma_semaphore, #tpu.memory_space<semaphore_mem>>
          %dma_wait3A_1348 = arith.constant 224 : i32
          %dma_wait3A_1349 = tpu.memref_slice %arg11[%sub3A_1202, %mul3A_2, %dma_wait3A_1348] : memref<50x4096x256xf32, #tpu.memory_space<hbm>> -> memref<1x128x32xf32, #tpu.memory_space<hbm>>
          %dma_wait3A_1350 = tpu.memref_squeeze %dma_wait3A_1349 : memref<1x128x32xf32, #tpu.memory_space<hbm>> -> memref<128x32xf32, #tpu.memory_space<hbm>>
          %dma_wait3A_1351 = arith.constant 0 : i32
          %dma_wait3A_1352 = arith.constant 0 : i32
          %dma_wait3A_1353 = tpu.memref_slice %arg13[%dma_wait3A_1336, %dma_wait3A_1337, %dma_wait3A_1351, %dma_wait3A_1352] : memref<2x8x128x32xf32, #tpu.memory_space<vmem>> -> memref<1x1x128x32xf32, #tpu.memory_space<vmem>>
          %dma_wait3A_1354 = tpu.memref_squeeze %dma_wait3A_1353 : memref<1x1x128x32xf32, #tpu.memory_space<vmem>> -> memref<128x32xf32, #tpu.memory_space<vmem>>
          tpu.wait_dma2 semaphore(%dma_wait3A_1347 : memref<!tpu.dma_semaphore, #tpu.memory_space<semaphore_mem>>) src(%dma_wait3A_1354 : memref<128x32xf32, #tpu.memory_space<vmem>>) dst(%dma_wait3A_1350 : memref<128x32xf32, #tpu.memory_space<hbm>>)
        } else {
        }
        %add3A_1063 = arith.constant 1 : i32
        %add3A_1064 = arith.addi %add3A_763, %add3A_1063 : i32
        %run_scoped3A_1065 = arith.constant 0 : i32
        "tpu.region"() ({
          %run_scoped3A_1202 = tpu.sem_alloc : memref<!tpu.dma_semaphore, #tpu.memory_space<semaphore_mem>>
          %dma_start3A_1203 = arith.constant 0 : i32
          %dma_start3A_1204 = arith.constant 0 : i32
          %dma_start3A_1205 = tpu.memref_slice %arg12[%run_scoped3A_1065, %dma_start3A_1203, %dma_start3A_1204] : memref<2x8x128xi32, #tpu.memory_space<vmem>> -> memref<1x8x128xi32, #tpu.memory_space<vmem>>
          %dma_start3A_1206 = tpu.memref_squeeze %dma_start3A_1205 : memref<1x8x128xi32, #tpu.memory_space<vmem>> -> memref<8x128xi32, #tpu.memory_space<vmem>>
          %dma_start3A_1207 = arith.constant 0 : i32
          %dma_start3A_1208 = arith.constant 0 : i32
          %dma_start3A_1209 = tpu.memref_slice %arg2[%add3A_1064, %add3A, %dma_start3A_1207, %dma_start3A_1208] : memref<50x32x8x128xi32, #tpu.memory_space<hbm>> -> memref<1x1x8x128xi32, #tpu.memory_space<hbm>>
          %dma_start3A_1210 = tpu.memref_squeeze %dma_start3A_1209 : memref<1x1x8x128xi32, #tpu.memory_space<hbm>> -> memref<8x128xi32, #tpu.memory_space<hbm>>
          %dma_start3A_1211 = arith.constant 0 : i32
          %dma_start3A_1212 = arith.constant 0 : i32
          %dma_start3A_1213 = tpu.memref_slice %arg12[%run_scoped3A_1065, %dma_start3A_1211, %dma_start3A_1212] : memref<2x8x128xi32, #tpu.memory_space<vmem>> -> memref<1x8x128xi32, #tpu.memory_space<vmem>>
          %dma_start3A_1214 = tpu.memref_squeeze %dma_start3A_1213 : memref<1x8x128xi32, #tpu.memory_space<vmem>> -> memref<8x128xi32, #tpu.memory_space<vmem>>
          %dma_start3A_1215 = arith.constant 0 : i32
          %dma_start3A_1216 = arith.constant 0 : i32
          %dma_start3A_1217 = tpu.memref_slice %arg2[%add3A_1064, %add3A, %dma_start3A_1215, %dma_start3A_1216] : memref<50x32x8x128xi32, #tpu.memory_space<hbm>> -> memref<1x1x8x128xi32, #tpu.memory_space<hbm>>
          %dma_start3A_1218 = tpu.memref_squeeze %dma_start3A_1217 : memref<1x1x8x128xi32, #tpu.memory_space<hbm>> -> memref<8x128xi32, #tpu.memory_space<hbm>>
          tpu.enqueue_dma source(%dma_start3A_1218 : memref<8x128xi32, #tpu.memory_space<hbm>>) target(%dma_start3A_1214 : memref<8x128xi32, #tpu.memory_space<vmem>>) target_semaphore(%run_scoped3A_1202 : memref<!tpu.dma_semaphore, #tpu.memory_space<semaphore_mem>>)
          %dma_wait3A_1219 = arith.constant 0 : i32
          %dma_wait3A_1220 = arith.constant 0 : i32
          %dma_wait3A_1221 = tpu.memref_slice %arg12[%run_scoped3A_1065, %dma_wait3A_1219, %dma_wait3A_1220] : memref<2x8x128xi32, #tpu.memory_space<vmem>> -> memref<1x8x128xi32, #tpu.memory_space<vmem>>
          %dma_wait3A_1222 = tpu.memref_squeeze %dma_wait3A_1221 : memref<1x8x128xi32, #tpu.memory_space<vmem>> -> memref<8x128xi32, #tpu.memory_space<vmem>>
          %dma_wait3A_1223 = arith.constant 0 : i32
          %dma_wait3A_1224 = arith.constant 0 : i32
          %dma_wait3A_1225 = tpu.memref_slice %arg2[%add3A_1064, %add3A, %dma_wait3A_1223, %dma_wait3A_1224] : memref<50x32x8x128xi32, #tpu.memory_space<hbm>> -> memref<1x1x8x128xi32, #tpu.memory_space<hbm>>
          %dma_wait3A_1226 = tpu.memref_squeeze %dma_wait3A_1225 : memref<1x1x8x128xi32, #tpu.memory_space<hbm>> -> memref<8x128xi32, #tpu.memory_space<hbm>>
          %dma_wait3A_1227 = arith.constant 0 : i32
          %dma_wait3A_1228 = arith.constant 0 : i32
          %dma_wait3A_1229 = tpu.memref_slice %arg12[%run_scoped3A_1065, %dma_wait3A_1227, %dma_wait3A_1228] : memref<2x8x128xi32, #tpu.memory_space<vmem>> -> memref<1x8x128xi32, #tpu.memory_space<vmem>>
          %dma_wait3A_1230 = tpu.memref_squeeze %dma_wait3A_1229 : memref<1x8x128xi32, #tpu.memory_space<vmem>> -> memref<8x128xi32, #tpu.memory_space<vmem>>
          %dma_wait3A_1231 = arith.constant 0 : i32
          %dma_wait3A_1232 = arith.constant 0 : i32
          %dma_wait3A_1233 = tpu.memref_slice %arg2[%add3A_1064, %add3A, %dma_wait3A_1231, %dma_wait3A_1232] : memref<50x32x8x128xi32, #tpu.memory_space<hbm>> -> memref<1x1x8x128xi32, #tpu.memory_space<hbm>>
          %dma_wait3A_1234 = tpu.memref_squeeze %dma_wait3A_1233 : memref<1x1x8x128xi32, #tpu.memory_space<hbm>> -> memref<8x128xi32, #tpu.memory_space<hbm>>
          tpu.wait_dma2 semaphore(%run_scoped3A_1202 : memref<!tpu.dma_semaphore, #tpu.memory_space<semaphore_mem>>) src(%dma_wait3A_1234 : memref<8x128xi32, #tpu.memory_space<hbm>>) dst(%dma_wait3A_1230 : memref<8x128xi32, #tpu.memory_space<vmem>>)
          tpu.yield
        }) : () -> ()
        %dma_start3A_1066 = arith.constant 0 : i32
        %dma_start3A_1067 = arith.constant 0 : i32
        %dma_start3A_1068 = arith.constant 0 : i32
        %dma_start3A_1069 = arith.constant 0 : i32
        %dma_start3A_1070 = arith.constant 0 : i32
        %dma_start3A_1071 = arith.constant 0 : i32
        %dma_start3A_1072 = arith.constant 0 : i32
        %dma_start3A_1073 = tpu.memref_slice %arg13[%dma_start3A_1068, %dma_start3A_1069, %dma_start3A_1071, %dma_start3A_1072] : memref<2x8x128x32xf32, #tpu.memory_space<vmem>> -> memref<1x1x128x32xf32, #tpu.memory_space<vmem>>
        %dma_start3A_1074 = tpu.memref_squeeze %dma_start3A_1073 : memref<1x1x128x32xf32, #tpu.memory_space<vmem>> -> memref<128x32xf32, #tpu.memory_space<vmem>>
        %dma_start3A_1075 = arith.constant 0 : i32
        %dma_start3A_1076 = tpu.memref_slice %arg12[%dma_start3A_1066, %dma_start3A_1067, %dma_start3A_1075] : memref<2x8x128xi32, #tpu.memory_space<vmem>> -> memref<1x1x128xi32, #tpu.memory_space<vmem>>
        %dma_start3A_1077 = tpu.memref_squeeze %dma_start3A_1076 : memref<1x1x128xi32, #tpu.memory_space<vmem>> -> memref<128xi32, #tpu.memory_space<vmem>>
        %dma_start3A_1078 = arith.constant 0 : i32
        %dma_start3A_1079 = arith.constant 0 : i32
        %dma_start3A_1080 = tpu.memref_slice %arg3[%dma_start3A_1078, %dma_start3A_1079] : memref<100003x32xf32, #tpu.memory_space<hbm>> -> memref<100003x32xf32, #tpu.memory_space<hbm>>
        %dma_start3A_1081 = tpu.memref_slice %arg14[%dma_start3A_1070] : memref<2x!tpu.dma_semaphore, #tpu.memory_space<semaphore_mem>> -> memref<1x!tpu.dma_semaphore, #tpu.memory_space<semaphore_mem>>
        %dma_start3A_1082 = tpu.memref_squeeze %dma_start3A_1081 : memref<1x!tpu.dma_semaphore, #tpu.memory_space<semaphore_mem>> -> memref<!tpu.dma_semaphore, #tpu.memory_space<semaphore_mem>>
        tpu.enqueue_indirect_dma source(%dma_start3A_1080 : memref<100003x32xf32, #tpu.memory_space<hbm>>) target(%dma_start3A_1074 : memref<128x32xf32, #tpu.memory_space<vmem>>) offsets(%dma_start3A_1077 : memref<128xi32, #tpu.memory_space<vmem>>) semaphore(%dma_start3A_1082 : memref<!tpu.dma_semaphore, #tpu.memory_space<semaphore_mem>>)
        %dma_start3A_1083 = arith.constant 0 : i32
        %dma_start3A_1084 = arith.constant 1 : i32
        %dma_start3A_1085 = arith.constant 0 : i32
        %dma_start3A_1086 = arith.constant 1 : i32
        %dma_start3A_1087 = arith.constant 0 : i32
        %dma_start3A_1088 = arith.constant 0 : i32
        %dma_start3A_1089 = arith.constant 0 : i32
        %dma_start3A_1090 = tpu.memref_slice %arg13[%dma_start3A_1085, %dma_start3A_1086, %dma_start3A_1088, %dma_start3A_1089] : memref<2x8x128x32xf32, #tpu.memory_space<vmem>> -> memref<1x1x128x32xf32, #tpu.memory_space<vmem>>
        %dma_start3A_1091 = tpu.memref_squeeze %dma_start3A_1090 : memref<1x1x128x32xf32, #tpu.memory_space<vmem>> -> memref<128x32xf32, #tpu.memory_space<vmem>>
        %dma_start3A_1092 = arith.constant 0 : i32
        %dma_start3A_1093 = tpu.memref_slice %arg12[%dma_start3A_1083, %dma_start3A_1084, %dma_start3A_1092] : memref<2x8x128xi32, #tpu.memory_space<vmem>> -> memref<1x1x128xi32, #tpu.memory_space<vmem>>
        %dma_start3A_1094 = tpu.memref_squeeze %dma_start3A_1093 : memref<1x1x128xi32, #tpu.memory_space<vmem>> -> memref<128xi32, #tpu.memory_space<vmem>>
        %dma_start3A_1095 = arith.constant 0 : i32
        %dma_start3A_1096 = arith.constant 0 : i32
        %dma_start3A_1097 = tpu.memref_slice %arg4[%dma_start3A_1095, %dma_start3A_1096] : memref<100019x32xf32, #tpu.memory_space<hbm>> -> memref<100019x32xf32, #tpu.memory_space<hbm>>
        %dma_start3A_1098 = tpu.memref_slice %arg14[%dma_start3A_1087] : memref<2x!tpu.dma_semaphore, #tpu.memory_space<semaphore_mem>> -> memref<1x!tpu.dma_semaphore, #tpu.memory_space<semaphore_mem>>
        %dma_start3A_1099 = tpu.memref_squeeze %dma_start3A_1098 : memref<1x!tpu.dma_semaphore, #tpu.memory_space<semaphore_mem>> -> memref<!tpu.dma_semaphore, #tpu.memory_space<semaphore_mem>>
        tpu.enqueue_indirect_dma source(%dma_start3A_1097 : memref<100019x32xf32, #tpu.memory_space<hbm>>) target(%dma_start3A_1091 : memref<128x32xf32, #tpu.memory_space<vmem>>) offsets(%dma_start3A_1094 : memref<128xi32, #tpu.memory_space<vmem>>) semaphore(%dma_start3A_1099 : memref<!tpu.dma_semaphore, #tpu.memory_space<semaphore_mem>>)
        %dma_start3A_1100 = arith.constant 0 : i32
        %dma_start3A_1101 = arith.constant 2 : i32
        %dma_start3A_1102 = arith.constant 0 : i32
        %dma_start3A_1103 = arith.constant 2 : i32
        %dma_start3A_1104 = arith.constant 0 : i32
        %dma_start3A_1105 = arith.constant 0 : i32
        %dma_start3A_1106 = arith.constant 0 : i32
        %dma_start3A_1107 = tpu.memref_slice %arg13[%dma_start3A_1102, %dma_start3A_1103, %dma_start3A_1105, %dma_start3A_1106] : memref<2x8x128x32xf32, #tpu.memory_space<vmem>> -> memref<1x1x128x32xf32, #tpu.memory_space<vmem>>
        %dma_start3A_1108 = tpu.memref_squeeze %dma_start3A_1107 : memref<1x1x128x32xf32, #tpu.memory_space<vmem>> -> memref<128x32xf32, #tpu.memory_space<vmem>>
        %dma_start3A_1109 = arith.constant 0 : i32
        %dma_start3A_1110 = tpu.memref_slice %arg12[%dma_start3A_1100, %dma_start3A_1101, %dma_start3A_1109] : memref<2x8x128xi32, #tpu.memory_space<vmem>> -> memref<1x1x128xi32, #tpu.memory_space<vmem>>
        %dma_start3A_1111 = tpu.memref_squeeze %dma_start3A_1110 : memref<1x1x128xi32, #tpu.memory_space<vmem>> -> memref<128xi32, #tpu.memory_space<vmem>>
        %dma_start3A_1112 = arith.constant 0 : i32
        %dma_start3A_1113 = arith.constant 0 : i32
        %dma_start3A_1114 = tpu.memref_slice %arg5[%dma_start3A_1112, %dma_start3A_1113] : memref<100043x32xf32, #tpu.memory_space<hbm>> -> memref<100043x32xf32, #tpu.memory_space<hbm>>
        %dma_start3A_1115 = tpu.memref_slice %arg14[%dma_start3A_1104] : memref<2x!tpu.dma_semaphore, #tpu.memory_space<semaphore_mem>> -> memref<1x!tpu.dma_semaphore, #tpu.memory_space<semaphore_mem>>
        %dma_start3A_1116 = tpu.memref_squeeze %dma_start3A_1115 : memref<1x!tpu.dma_semaphore, #tpu.memory_space<semaphore_mem>> -> memref<!tpu.dma_semaphore, #tpu.memory_space<semaphore_mem>>
        tpu.enqueue_indirect_dma source(%dma_start3A_1114 : memref<100043x32xf32, #tpu.memory_space<hbm>>) target(%dma_start3A_1108 : memref<128x32xf32, #tpu.memory_space<vmem>>) offsets(%dma_start3A_1111 : memref<128xi32, #tpu.memory_space<vmem>>) semaphore(%dma_start3A_1116 : memref<!tpu.dma_semaphore, #tpu.memory_space<semaphore_mem>>)
        %dma_start3A_1117 = arith.constant 0 : i32
        %dma_start3A_1118 = arith.constant 3 : i32
        %dma_start3A_1119 = arith.constant 0 : i32
        %dma_start3A_1120 = arith.constant 3 : i32
        %dma_start3A_1121 = arith.constant 0 : i32
        %dma_start3A_1122 = arith.constant 0 : i32
        %dma_start3A_1123 = arith.constant 0 : i32
        %dma_start3A_1124 = tpu.memref_slice %arg13[%dma_start3A_1119, %dma_start3A_1120, %dma_start3A_1122, %dma_start3A_1123] : memref<2x8x128x32xf32, #tpu.memory_space<vmem>> -> memref<1x1x128x32xf32, #tpu.memory_space<vmem>>
        %dma_start3A_1125 = tpu.memref_squeeze %dma_start3A_1124 : memref<1x1x128x32xf32, #tpu.memory_space<vmem>> -> memref<128x32xf32, #tpu.memory_space<vmem>>
        %dma_start3A_1126 = arith.constant 0 : i32
        %dma_start3A_1127 = tpu.memref_slice %arg12[%dma_start3A_1117, %dma_start3A_1118, %dma_start3A_1126] : memref<2x8x128xi32, #tpu.memory_space<vmem>> -> memref<1x1x128xi32, #tpu.memory_space<vmem>>
        %dma_start3A_1128 = tpu.memref_squeeze %dma_start3A_1127 : memref<1x1x128xi32, #tpu.memory_space<vmem>> -> memref<128xi32, #tpu.memory_space<vmem>>
        %dma_start3A_1129 = arith.constant 0 : i32
        %dma_start3A_1130 = arith.constant 0 : i32
        %dma_start3A_1131 = tpu.memref_slice %arg6[%dma_start3A_1129, %dma_start3A_1130] : memref<100057x32xf32, #tpu.memory_space<hbm>> -> memref<100057x32xf32, #tpu.memory_space<hbm>>
        %dma_start3A_1132 = tpu.memref_slice %arg14[%dma_start3A_1121] : memref<2x!tpu.dma_semaphore, #tpu.memory_space<semaphore_mem>> -> memref<1x!tpu.dma_semaphore, #tpu.memory_space<semaphore_mem>>
        %dma_start3A_1133 = tpu.memref_squeeze %dma_start3A_1132 : memref<1x!tpu.dma_semaphore, #tpu.memory_space<semaphore_mem>> -> memref<!tpu.dma_semaphore, #tpu.memory_space<semaphore_mem>>
        tpu.enqueue_indirect_dma source(%dma_start3A_1131 : memref<100057x32xf32, #tpu.memory_space<hbm>>) target(%dma_start3A_1125 : memref<128x32xf32, #tpu.memory_space<vmem>>) offsets(%dma_start3A_1128 : memref<128xi32, #tpu.memory_space<vmem>>) semaphore(%dma_start3A_1133 : memref<!tpu.dma_semaphore, #tpu.memory_space<semaphore_mem>>)
        %dma_start3A_1134 = arith.constant 0 : i32
        %dma_start3A_1135 = arith.constant 4 : i32
        %dma_start3A_1136 = arith.constant 0 : i32
        %dma_start3A_1137 = arith.constant 4 : i32
        %dma_start3A_1138 = arith.constant 0 : i32
        %dma_start3A_1139 = arith.constant 0 : i32
        %dma_start3A_1140 = arith.constant 0 : i32
        %dma_start3A_1141 = tpu.memref_slice %arg13[%dma_start3A_1136, %dma_start3A_1137, %dma_start3A_1139, %dma_start3A_1140] : memref<2x8x128x32xf32, #tpu.memory_space<vmem>> -> memref<1x1x128x32xf32, #tpu.memory_space<vmem>>
        %dma_start3A_1142 = tpu.memref_squeeze %dma_start3A_1141 : memref<1x1x128x32xf32, #tpu.memory_space<vmem>> -> memref<128x32xf32, #tpu.memory_space<vmem>>
        %dma_start3A_1143 = arith.constant 0 : i32
        %dma_start3A_1144 = tpu.memref_slice %arg12[%dma_start3A_1134, %dma_start3A_1135, %dma_start3A_1143] : memref<2x8x128xi32, #tpu.memory_space<vmem>> -> memref<1x1x128xi32, #tpu.memory_space<vmem>>
        %dma_start3A_1145 = tpu.memref_squeeze %dma_start3A_1144 : memref<1x1x128xi32, #tpu.memory_space<vmem>> -> memref<128xi32, #tpu.memory_space<vmem>>
        %dma_start3A_1146 = arith.constant 0 : i32
        %dma_start3A_1147 = arith.constant 0 : i32
        %dma_start3A_1148 = tpu.memref_slice %arg7[%dma_start3A_1146, %dma_start3A_1147] : memref<100069x32xf32, #tpu.memory_space<hbm>> -> memref<100069x32xf32, #tpu.memory_space<hbm>>
        %dma_start3A_1149 = tpu.memref_slice %arg14[%dma_start3A_1138] : memref<2x!tpu.dma_semaphore, #tpu.memory_space<semaphore_mem>> -> memref<1x!tpu.dma_semaphore, #tpu.memory_space<semaphore_mem>>
        %dma_start3A_1150 = tpu.memref_squeeze %dma_start3A_1149 : memref<1x!tpu.dma_semaphore, #tpu.memory_space<semaphore_mem>> -> memref<!tpu.dma_semaphore, #tpu.memory_space<semaphore_mem>>
        tpu.enqueue_indirect_dma source(%dma_start3A_1148 : memref<100069x32xf32, #tpu.memory_space<hbm>>) target(%dma_start3A_1142 : memref<128x32xf32, #tpu.memory_space<vmem>>) offsets(%dma_start3A_1145 : memref<128xi32, #tpu.memory_space<vmem>>) semaphore(%dma_start3A_1150 : memref<!tpu.dma_semaphore, #tpu.memory_space<semaphore_mem>>)
        %dma_start3A_1151 = arith.constant 0 : i32
        %dma_start3A_1152 = arith.constant 5 : i32
        %dma_start3A_1153 = arith.constant 0 : i32
        %dma_start3A_1154 = arith.constant 5 : i32
        %dma_start3A_1155 = arith.constant 0 : i32
        %dma_start3A_1156 = arith.constant 0 : i32
        %dma_start3A_1157 = arith.constant 0 : i32
        %dma_start3A_1158 = tpu.memref_slice %arg13[%dma_start3A_1153, %dma_start3A_1154, %dma_start3A_1156, %dma_start3A_1157] : memref<2x8x128x32xf32, #tpu.memory_space<vmem>> -> memref<1x1x128x32xf32, #tpu.memory_space<vmem>>
        %dma_start3A_1159 = tpu.memref_squeeze %dma_start3A_1158 : memref<1x1x128x32xf32, #tpu.memory_space<vmem>> -> memref<128x32xf32, #tpu.memory_space<vmem>>
        %dma_start3A_1160 = arith.constant 0 : i32
        %dma_start3A_1161 = tpu.memref_slice %arg12[%dma_start3A_1151, %dma_start3A_1152, %dma_start3A_1160] : memref<2x8x128xi32, #tpu.memory_space<vmem>> -> memref<1x1x128xi32, #tpu.memory_space<vmem>>
        %dma_start3A_1162 = tpu.memref_squeeze %dma_start3A_1161 : memref<1x1x128xi32, #tpu.memory_space<vmem>> -> memref<128xi32, #tpu.memory_space<vmem>>
        %dma_start3A_1163 = arith.constant 0 : i32
        %dma_start3A_1164 = arith.constant 0 : i32
        %dma_start3A_1165 = tpu.memref_slice %arg8[%dma_start3A_1163, %dma_start3A_1164] : memref<100103x32xf32, #tpu.memory_space<hbm>> -> memref<100103x32xf32, #tpu.memory_space<hbm>>
        %dma_start3A_1166 = tpu.memref_slice %arg14[%dma_start3A_1155] : memref<2x!tpu.dma_semaphore, #tpu.memory_space<semaphore_mem>> -> memref<1x!tpu.dma_semaphore, #tpu.memory_space<semaphore_mem>>
        %dma_start3A_1167 = tpu.memref_squeeze %dma_start3A_1166 : memref<1x!tpu.dma_semaphore, #tpu.memory_space<semaphore_mem>> -> memref<!tpu.dma_semaphore, #tpu.memory_space<semaphore_mem>>
        tpu.enqueue_indirect_dma source(%dma_start3A_1165 : memref<100103x32xf32, #tpu.memory_space<hbm>>) target(%dma_start3A_1159 : memref<128x32xf32, #tpu.memory_space<vmem>>) offsets(%dma_start3A_1162 : memref<128xi32, #tpu.memory_space<vmem>>) semaphore(%dma_start3A_1167 : memref<!tpu.dma_semaphore, #tpu.memory_space<semaphore_mem>>)
        %dma_start3A_1168 = arith.constant 0 : i32
        %dma_start3A_1169 = arith.constant 6 : i32
        %dma_start3A_1170 = arith.constant 0 : i32
        %dma_start3A_1171 = arith.constant 6 : i32
        %dma_start3A_1172 = arith.constant 0 : i32
        %dma_start3A_1173 = arith.constant 0 : i32
        %dma_start3A_1174 = arith.constant 0 : i32
        %dma_start3A_1175 = tpu.memref_slice %arg13[%dma_start3A_1170, %dma_start3A_1171, %dma_start3A_1173, %dma_start3A_1174] : memref<2x8x128x32xf32, #tpu.memory_space<vmem>> -> memref<1x1x128x32xf32, #tpu.memory_space<vmem>>
        %dma_start3A_1176 = tpu.memref_squeeze %dma_start3A_1175 : memref<1x1x128x32xf32, #tpu.memory_space<vmem>> -> memref<128x32xf32, #tpu.memory_space<vmem>>
        %dma_start3A_1177 = arith.constant 0 : i32
        %dma_start3A_1178 = tpu.memref_slice %arg12[%dma_start3A_1168, %dma_start3A_1169, %dma_start3A_1177] : memref<2x8x128xi32, #tpu.memory_space<vmem>> -> memref<1x1x128xi32, #tpu.memory_space<vmem>>
        %dma_start3A_1179 = tpu.memref_squeeze %dma_start3A_1178 : memref<1x1x128xi32, #tpu.memory_space<vmem>> -> memref<128xi32, #tpu.memory_space<vmem>>
        %dma_start3A_1180 = arith.constant 0 : i32
        %dma_start3A_1181 = arith.constant 0 : i32
        %dma_start3A_1182 = tpu.memref_slice %arg9[%dma_start3A_1180, %dma_start3A_1181] : memref<100109x32xf32, #tpu.memory_space<hbm>> -> memref<100109x32xf32, #tpu.memory_space<hbm>>
        %dma_start3A_1183 = tpu.memref_slice %arg14[%dma_start3A_1172] : memref<2x!tpu.dma_semaphore, #tpu.memory_space<semaphore_mem>> -> memref<1x!tpu.dma_semaphore, #tpu.memory_space<semaphore_mem>>
        %dma_start3A_1184 = tpu.memref_squeeze %dma_start3A_1183 : memref<1x!tpu.dma_semaphore, #tpu.memory_space<semaphore_mem>> -> memref<!tpu.dma_semaphore, #tpu.memory_space<semaphore_mem>>
        tpu.enqueue_indirect_dma source(%dma_start3A_1182 : memref<100109x32xf32, #tpu.memory_space<hbm>>) target(%dma_start3A_1176 : memref<128x32xf32, #tpu.memory_space<vmem>>) offsets(%dma_start3A_1179 : memref<128xi32, #tpu.memory_space<vmem>>) semaphore(%dma_start3A_1184 : memref<!tpu.dma_semaphore, #tpu.memory_space<semaphore_mem>>)
        %dma_start3A_1185 = arith.constant 0 : i32
        %dma_start3A_1186 = arith.constant 7 : i32
        %dma_start3A_1187 = arith.constant 0 : i32
        %dma_start3A_1188 = arith.constant 7 : i32
        %dma_start3A_1189 = arith.constant 0 : i32
        %dma_start3A_1190 = arith.constant 0 : i32
        %dma_start3A_1191 = arith.constant 0 : i32
        %dma_start3A_1192 = tpu.memref_slice %arg13[%dma_start3A_1187, %dma_start3A_1188, %dma_start3A_1190, %dma_start3A_1191] : memref<2x8x128x32xf32, #tpu.memory_space<vmem>> -> memref<1x1x128x32xf32, #tpu.memory_space<vmem>>
        %dma_start3A_1193 = tpu.memref_squeeze %dma_start3A_1192 : memref<1x1x128x32xf32, #tpu.memory_space<vmem>> -> memref<128x32xf32, #tpu.memory_space<vmem>>
        %dma_start3A_1194 = arith.constant 0 : i32
        %dma_start3A_1195 = tpu.memref_slice %arg12[%dma_start3A_1185, %dma_start3A_1186, %dma_start3A_1194] : memref<2x8x128xi32, #tpu.memory_space<vmem>> -> memref<1x1x128xi32, #tpu.memory_space<vmem>>
        %dma_start3A_1196 = tpu.memref_squeeze %dma_start3A_1195 : memref<1x1x128xi32, #tpu.memory_space<vmem>> -> memref<128xi32, #tpu.memory_space<vmem>>
        %dma_start3A_1197 = arith.constant 0 : i32
        %dma_start3A_1198 = arith.constant 0 : i32
        %dma_start3A_1199 = tpu.memref_slice %arg10[%dma_start3A_1197, %dma_start3A_1198] : memref<100129x32xf32, #tpu.memory_space<hbm>> -> memref<100129x32xf32, #tpu.memory_space<hbm>>
        %dma_start3A_1200 = tpu.memref_slice %arg14[%dma_start3A_1189] : memref<2x!tpu.dma_semaphore, #tpu.memory_space<semaphore_mem>> -> memref<1x!tpu.dma_semaphore, #tpu.memory_space<semaphore_mem>>
        %dma_start3A_1201 = tpu.memref_squeeze %dma_start3A_1200 : memref<1x!tpu.dma_semaphore, #tpu.memory_space<semaphore_mem>> -> memref<!tpu.dma_semaphore, #tpu.memory_space<semaphore_mem>>
        tpu.enqueue_indirect_dma source(%dma_start3A_1199 : memref<100129x32xf32, #tpu.memory_space<hbm>>) target(%dma_start3A_1193 : memref<128x32xf32, #tpu.memory_space<vmem>>) offsets(%dma_start3A_1196 : memref<128xi32, #tpu.memory_space<vmem>>) semaphore(%dma_start3A_1201 : memref<!tpu.dma_semaphore, #tpu.memory_space<semaphore_mem>>)
      } else {
      }
      %dma_wait3A_771 = arith.constant 1 : i32
      %dma_wait3A_772 = arith.constant 0 : i32
      %dma_wait3A_773 = arith.constant 1 : i32
      %dma_wait3A_774 = arith.constant 0 : i32
      %dma_wait3A_775 = arith.constant 1 : i32
      %dma_wait3A_776 = arith.constant 0 : i32
      %dma_wait3A_777 = arith.constant 0 : i32
      %dma_wait3A_778 = tpu.memref_slice %arg13[%dma_wait3A_773, %dma_wait3A_774, %dma_wait3A_776, %dma_wait3A_777] : memref<2x8x128x32xf32, #tpu.memory_space<vmem>> -> memref<1x1x128x32xf32, #tpu.memory_space<vmem>>
      %dma_wait3A_779 = tpu.memref_squeeze %dma_wait3A_778 : memref<1x1x128x32xf32, #tpu.memory_space<vmem>> -> memref<128x32xf32, #tpu.memory_space<vmem>>
      %dma_wait3A_780 = arith.constant 0 : i32
      %dma_wait3A_781 = tpu.memref_slice %arg12[%dma_wait3A_771, %dma_wait3A_772, %dma_wait3A_780] : memref<2x8x128xi32, #tpu.memory_space<vmem>> -> memref<1x1x128xi32, #tpu.memory_space<vmem>>
      %dma_wait3A_782 = tpu.memref_squeeze %dma_wait3A_781 : memref<1x1x128xi32, #tpu.memory_space<vmem>> -> memref<128xi32, #tpu.memory_space<vmem>>
      %dma_wait3A_783 = arith.constant 0 : i32
      %dma_wait3A_784 = arith.constant 0 : i32
      %dma_wait3A_785 = tpu.memref_slice %arg3[%dma_wait3A_783, %dma_wait3A_784] : memref<100003x32xf32, #tpu.memory_space<hbm>> -> memref<100003x32xf32, #tpu.memory_space<hbm>>
      %dma_wait3A_786 = tpu.memref_slice %arg14[%dma_wait3A_775] : memref<2x!tpu.dma_semaphore, #tpu.memory_space<semaphore_mem>> -> memref<1x!tpu.dma_semaphore, #tpu.memory_space<semaphore_mem>>
      %dma_wait3A_787 = tpu.memref_squeeze %dma_wait3A_786 : memref<1x!tpu.dma_semaphore, #tpu.memory_space<semaphore_mem>> -> memref<!tpu.dma_semaphore, #tpu.memory_space<semaphore_mem>>
      tpu.wait_indirect_dma semaphore(%dma_wait3A_787 : memref<!tpu.dma_semaphore, #tpu.memory_space<semaphore_mem>>) src(%dma_wait3A_785 : memref<100003x32xf32, #tpu.memory_space<hbm>>) dst(%dma_wait3A_779 : memref<128x32xf32, #tpu.memory_space<vmem>>)
      %dma_wait3A_788 = arith.constant 1 : i32
      %dma_wait3A_789 = arith.constant 1 : i32
      %dma_wait3A_790 = arith.constant 1 : i32
      %dma_wait3A_791 = arith.constant 1 : i32
      %dma_wait3A_792 = arith.constant 1 : i32
      %dma_wait3A_793 = arith.constant 0 : i32
      %dma_wait3A_794 = arith.constant 0 : i32
      %dma_wait3A_795 = tpu.memref_slice %arg13[%dma_wait3A_790, %dma_wait3A_791, %dma_wait3A_793, %dma_wait3A_794] : memref<2x8x128x32xf32, #tpu.memory_space<vmem>> -> memref<1x1x128x32xf32, #tpu.memory_space<vmem>>
      %dma_wait3A_796 = tpu.memref_squeeze %dma_wait3A_795 : memref<1x1x128x32xf32, #tpu.memory_space<vmem>> -> memref<128x32xf32, #tpu.memory_space<vmem>>
      %dma_wait3A_797 = arith.constant 0 : i32
      %dma_wait3A_798 = tpu.memref_slice %arg12[%dma_wait3A_788, %dma_wait3A_789, %dma_wait3A_797] : memref<2x8x128xi32, #tpu.memory_space<vmem>> -> memref<1x1x128xi32, #tpu.memory_space<vmem>>
      %dma_wait3A_799 = tpu.memref_squeeze %dma_wait3A_798 : memref<1x1x128xi32, #tpu.memory_space<vmem>> -> memref<128xi32, #tpu.memory_space<vmem>>
      %dma_wait3A_800 = arith.constant 0 : i32
      %dma_wait3A_801 = arith.constant 0 : i32
      %dma_wait3A_802 = tpu.memref_slice %arg4[%dma_wait3A_800, %dma_wait3A_801] : memref<100019x32xf32, #tpu.memory_space<hbm>> -> memref<100019x32xf32, #tpu.memory_space<hbm>>
      %dma_wait3A_803 = tpu.memref_slice %arg14[%dma_wait3A_792] : memref<2x!tpu.dma_semaphore, #tpu.memory_space<semaphore_mem>> -> memref<1x!tpu.dma_semaphore, #tpu.memory_space<semaphore_mem>>
      %dma_wait3A_804 = tpu.memref_squeeze %dma_wait3A_803 : memref<1x!tpu.dma_semaphore, #tpu.memory_space<semaphore_mem>> -> memref<!tpu.dma_semaphore, #tpu.memory_space<semaphore_mem>>
      tpu.wait_indirect_dma semaphore(%dma_wait3A_804 : memref<!tpu.dma_semaphore, #tpu.memory_space<semaphore_mem>>) src(%dma_wait3A_802 : memref<100019x32xf32, #tpu.memory_space<hbm>>) dst(%dma_wait3A_796 : memref<128x32xf32, #tpu.memory_space<vmem>>)
      %dma_wait3A_805 = arith.constant 1 : i32
      %dma_wait3A_806 = arith.constant 2 : i32
      %dma_wait3A_807 = arith.constant 1 : i32
      %dma_wait3A_808 = arith.constant 2 : i32
      %dma_wait3A_809 = arith.constant 1 : i32
      %dma_wait3A_810 = arith.constant 0 : i32
      %dma_wait3A_811 = arith.constant 0 : i32
      %dma_wait3A_812 = tpu.memref_slice %arg13[%dma_wait3A_807, %dma_wait3A_808, %dma_wait3A_810, %dma_wait3A_811] : memref<2x8x128x32xf32, #tpu.memory_space<vmem>> -> memref<1x1x128x32xf32, #tpu.memory_space<vmem>>
      %dma_wait3A_813 = tpu.memref_squeeze %dma_wait3A_812 : memref<1x1x128x32xf32, #tpu.memory_space<vmem>> -> memref<128x32xf32, #tpu.memory_space<vmem>>
      %dma_wait3A_814 = arith.constant 0 : i32
      %dma_wait3A_815 = tpu.memref_slice %arg12[%dma_wait3A_805, %dma_wait3A_806, %dma_wait3A_814] : memref<2x8x128xi32, #tpu.memory_space<vmem>> -> memref<1x1x128xi32, #tpu.memory_space<vmem>>
      %dma_wait3A_816 = tpu.memref_squeeze %dma_wait3A_815 : memref<1x1x128xi32, #tpu.memory_space<vmem>> -> memref<128xi32, #tpu.memory_space<vmem>>
      %dma_wait3A_817 = arith.constant 0 : i32
      %dma_wait3A_818 = arith.constant 0 : i32
      %dma_wait3A_819 = tpu.memref_slice %arg5[%dma_wait3A_817, %dma_wait3A_818] : memref<100043x32xf32, #tpu.memory_space<hbm>> -> memref<100043x32xf32, #tpu.memory_space<hbm>>
      %dma_wait3A_820 = tpu.memref_slice %arg14[%dma_wait3A_809] : memref<2x!tpu.dma_semaphore, #tpu.memory_space<semaphore_mem>> -> memref<1x!tpu.dma_semaphore, #tpu.memory_space<semaphore_mem>>
      %dma_wait3A_821 = tpu.memref_squeeze %dma_wait3A_820 : memref<1x!tpu.dma_semaphore, #tpu.memory_space<semaphore_mem>> -> memref<!tpu.dma_semaphore, #tpu.memory_space<semaphore_mem>>
      tpu.wait_indirect_dma semaphore(%dma_wait3A_821 : memref<!tpu.dma_semaphore, #tpu.memory_space<semaphore_mem>>) src(%dma_wait3A_819 : memref<100043x32xf32, #tpu.memory_space<hbm>>) dst(%dma_wait3A_813 : memref<128x32xf32, #tpu.memory_space<vmem>>)
      %dma_wait3A_822 = arith.constant 1 : i32
      %dma_wait3A_823 = arith.constant 3 : i32
      %dma_wait3A_824 = arith.constant 1 : i32
      %dma_wait3A_825 = arith.constant 3 : i32
      %dma_wait3A_826 = arith.constant 1 : i32
      %dma_wait3A_827 = arith.constant 0 : i32
      %dma_wait3A_828 = arith.constant 0 : i32
      %dma_wait3A_829 = tpu.memref_slice %arg13[%dma_wait3A_824, %dma_wait3A_825, %dma_wait3A_827, %dma_wait3A_828] : memref<2x8x128x32xf32, #tpu.memory_space<vmem>> -> memref<1x1x128x32xf32, #tpu.memory_space<vmem>>
      %dma_wait3A_830 = tpu.memref_squeeze %dma_wait3A_829 : memref<1x1x128x32xf32, #tpu.memory_space<vmem>> -> memref<128x32xf32, #tpu.memory_space<vmem>>
      %dma_wait3A_831 = arith.constant 0 : i32
      %dma_wait3A_832 = tpu.memref_slice %arg12[%dma_wait3A_822, %dma_wait3A_823, %dma_wait3A_831] : memref<2x8x128xi32, #tpu.memory_space<vmem>> -> memref<1x1x128xi32, #tpu.memory_space<vmem>>
      %dma_wait3A_833 = tpu.memref_squeeze %dma_wait3A_832 : memref<1x1x128xi32, #tpu.memory_space<vmem>> -> memref<128xi32, #tpu.memory_space<vmem>>
      %dma_wait3A_834 = arith.constant 0 : i32
      %dma_wait3A_835 = arith.constant 0 : i32
      %dma_wait3A_836 = tpu.memref_slice %arg6[%dma_wait3A_834, %dma_wait3A_835] : memref<100057x32xf32, #tpu.memory_space<hbm>> -> memref<100057x32xf32, #tpu.memory_space<hbm>>
      %dma_wait3A_837 = tpu.memref_slice %arg14[%dma_wait3A_826] : memref<2x!tpu.dma_semaphore, #tpu.memory_space<semaphore_mem>> -> memref<1x!tpu.dma_semaphore, #tpu.memory_space<semaphore_mem>>
      %dma_wait3A_838 = tpu.memref_squeeze %dma_wait3A_837 : memref<1x!tpu.dma_semaphore, #tpu.memory_space<semaphore_mem>> -> memref<!tpu.dma_semaphore, #tpu.memory_space<semaphore_mem>>
      tpu.wait_indirect_dma semaphore(%dma_wait3A_838 : memref<!tpu.dma_semaphore, #tpu.memory_space<semaphore_mem>>) src(%dma_wait3A_836 : memref<100057x32xf32, #tpu.memory_space<hbm>>) dst(%dma_wait3A_830 : memref<128x32xf32, #tpu.memory_space<vmem>>)
      %dma_wait3A_839 = arith.constant 1 : i32
      %dma_wait3A_840 = arith.constant 4 : i32
      %dma_wait3A_841 = arith.constant 1 : i32
      %dma_wait3A_842 = arith.constant 4 : i32
      %dma_wait3A_843 = arith.constant 1 : i32
      %dma_wait3A_844 = arith.constant 0 : i32
      %dma_wait3A_845 = arith.constant 0 : i32
      %dma_wait3A_846 = tpu.memref_slice %arg13[%dma_wait3A_841, %dma_wait3A_842, %dma_wait3A_844, %dma_wait3A_845] : memref<2x8x128x32xf32, #tpu.memory_space<vmem>> -> memref<1x1x128x32xf32, #tpu.memory_space<vmem>>
      %dma_wait3A_847 = tpu.memref_squeeze %dma_wait3A_846 : memref<1x1x128x32xf32, #tpu.memory_space<vmem>> -> memref<128x32xf32, #tpu.memory_space<vmem>>
      %dma_wait3A_848 = arith.constant 0 : i32
      %dma_wait3A_849 = tpu.memref_slice %arg12[%dma_wait3A_839, %dma_wait3A_840, %dma_wait3A_848] : memref<2x8x128xi32, #tpu.memory_space<vmem>> -> memref<1x1x128xi32, #tpu.memory_space<vmem>>
      %dma_wait3A_850 = tpu.memref_squeeze %dma_wait3A_849 : memref<1x1x128xi32, #tpu.memory_space<vmem>> -> memref<128xi32, #tpu.memory_space<vmem>>
      %dma_wait3A_851 = arith.constant 0 : i32
      %dma_wait3A_852 = arith.constant 0 : i32
      %dma_wait3A_853 = tpu.memref_slice %arg7[%dma_wait3A_851, %dma_wait3A_852] : memref<100069x32xf32, #tpu.memory_space<hbm>> -> memref<100069x32xf32, #tpu.memory_space<hbm>>
      %dma_wait3A_854 = tpu.memref_slice %arg14[%dma_wait3A_843] : memref<2x!tpu.dma_semaphore, #tpu.memory_space<semaphore_mem>> -> memref<1x!tpu.dma_semaphore, #tpu.memory_space<semaphore_mem>>
      %dma_wait3A_855 = tpu.memref_squeeze %dma_wait3A_854 : memref<1x!tpu.dma_semaphore, #tpu.memory_space<semaphore_mem>> -> memref<!tpu.dma_semaphore, #tpu.memory_space<semaphore_mem>>
      tpu.wait_indirect_dma semaphore(%dma_wait3A_855 : memref<!tpu.dma_semaphore, #tpu.memory_space<semaphore_mem>>) src(%dma_wait3A_853 : memref<100069x32xf32, #tpu.memory_space<hbm>>) dst(%dma_wait3A_847 : memref<128x32xf32, #tpu.memory_space<vmem>>)
      %dma_wait3A_856 = arith.constant 1 : i32
      %dma_wait3A_857 = arith.constant 5 : i32
      %dma_wait3A_858 = arith.constant 1 : i32
      %dma_wait3A_859 = arith.constant 5 : i32
      %dma_wait3A_860 = arith.constant 1 : i32
      %dma_wait3A_861 = arith.constant 0 : i32
      %dma_wait3A_862 = arith.constant 0 : i32
      %dma_wait3A_863 = tpu.memref_slice %arg13[%dma_wait3A_858, %dma_wait3A_859, %dma_wait3A_861, %dma_wait3A_862] : memref<2x8x128x32xf32, #tpu.memory_space<vmem>> -> memref<1x1x128x32xf32, #tpu.memory_space<vmem>>
      %dma_wait3A_864 = tpu.memref_squeeze %dma_wait3A_863 : memref<1x1x128x32xf32, #tpu.memory_space<vmem>> -> memref<128x32xf32, #tpu.memory_space<vmem>>
      %dma_wait3A_865 = arith.constant 0 : i32
      %dma_wait3A_866 = tpu.memref_slice %arg12[%dma_wait3A_856, %dma_wait3A_857, %dma_wait3A_865] : memref<2x8x128xi32, #tpu.memory_space<vmem>> -> memref<1x1x128xi32, #tpu.memory_space<vmem>>
      %dma_wait3A_867 = tpu.memref_squeeze %dma_wait3A_866 : memref<1x1x128xi32, #tpu.memory_space<vmem>> -> memref<128xi32, #tpu.memory_space<vmem>>
      %dma_wait3A_868 = arith.constant 0 : i32
      %dma_wait3A_869 = arith.constant 0 : i32
      %dma_wait3A_870 = tpu.memref_slice %arg8[%dma_wait3A_868, %dma_wait3A_869] : memref<100103x32xf32, #tpu.memory_space<hbm>> -> memref<100103x32xf32, #tpu.memory_space<hbm>>
      %dma_wait3A_871 = tpu.memref_slice %arg14[%dma_wait3A_860] : memref<2x!tpu.dma_semaphore, #tpu.memory_space<semaphore_mem>> -> memref<1x!tpu.dma_semaphore, #tpu.memory_space<semaphore_mem>>
      %dma_wait3A_872 = tpu.memref_squeeze %dma_wait3A_871 : memref<1x!tpu.dma_semaphore, #tpu.memory_space<semaphore_mem>> -> memref<!tpu.dma_semaphore, #tpu.memory_space<semaphore_mem>>
      tpu.wait_indirect_dma semaphore(%dma_wait3A_872 : memref<!tpu.dma_semaphore, #tpu.memory_space<semaphore_mem>>) src(%dma_wait3A_870 : memref<100103x32xf32, #tpu.memory_space<hbm>>) dst(%dma_wait3A_864 : memref<128x32xf32, #tpu.memory_space<vmem>>)
      %dma_wait3A_873 = arith.constant 1 : i32
      %dma_wait3A_874 = arith.constant 6 : i32
      %dma_wait3A_875 = arith.constant 1 : i32
      %dma_wait3A_876 = arith.constant 6 : i32
      %dma_wait3A_877 = arith.constant 1 : i32
      %dma_wait3A_878 = arith.constant 0 : i32
      %dma_wait3A_879 = arith.constant 0 : i32
      %dma_wait3A_880 = tpu.memref_slice %arg13[%dma_wait3A_875, %dma_wait3A_876, %dma_wait3A_878, %dma_wait3A_879] : memref<2x8x128x32xf32, #tpu.memory_space<vmem>> -> memref<1x1x128x32xf32, #tpu.memory_space<vmem>>
      %dma_wait3A_881 = tpu.memref_squeeze %dma_wait3A_880 : memref<1x1x128x32xf32, #tpu.memory_space<vmem>> -> memref<128x32xf32, #tpu.memory_space<vmem>>
      %dma_wait3A_882 = arith.constant 0 : i32
      %dma_wait3A_883 = tpu.memref_slice %arg12[%dma_wait3A_873, %dma_wait3A_874, %dma_wait3A_882] : memref<2x8x128xi32, #tpu.memory_space<vmem>> -> memref<1x1x128xi32, #tpu.memory_space<vmem>>
      %dma_wait3A_884 = tpu.memref_squeeze %dma_wait3A_883 : memref<1x1x128xi32, #tpu.memory_space<vmem>> -> memref<128xi32, #tpu.memory_space<vmem>>
      %dma_wait3A_885 = arith.constant 0 : i32
      %dma_wait3A_886 = arith.constant 0 : i32
      %dma_wait3A_887 = tpu.memref_slice %arg9[%dma_wait3A_885, %dma_wait3A_886] : memref<100109x32xf32, #tpu.memory_space<hbm>> -> memref<100109x32xf32, #tpu.memory_space<hbm>>
      %dma_wait3A_888 = tpu.memref_slice %arg14[%dma_wait3A_877] : memref<2x!tpu.dma_semaphore, #tpu.memory_space<semaphore_mem>> -> memref<1x!tpu.dma_semaphore, #tpu.memory_space<semaphore_mem>>
      %dma_wait3A_889 = tpu.memref_squeeze %dma_wait3A_888 : memref<1x!tpu.dma_semaphore, #tpu.memory_space<semaphore_mem>> -> memref<!tpu.dma_semaphore, #tpu.memory_space<semaphore_mem>>
      tpu.wait_indirect_dma semaphore(%dma_wait3A_889 : memref<!tpu.dma_semaphore, #tpu.memory_space<semaphore_mem>>) src(%dma_wait3A_887 : memref<100109x32xf32, #tpu.memory_space<hbm>>) dst(%dma_wait3A_881 : memref<128x32xf32, #tpu.memory_space<vmem>>)
      %dma_wait3A_890 = arith.constant 1 : i32
      %dma_wait3A_891 = arith.constant 7 : i32
      %dma_wait3A_892 = arith.constant 1 : i32
      %dma_wait3A_893 = arith.constant 7 : i32
      %dma_wait3A_894 = arith.constant 1 : i32
      %dma_wait3A_895 = arith.constant 0 : i32
      %dma_wait3A_896 = arith.constant 0 : i32
      %dma_wait3A_897 = tpu.memref_slice %arg13[%dma_wait3A_892, %dma_wait3A_893, %dma_wait3A_895, %dma_wait3A_896] : memref<2x8x128x32xf32, #tpu.memory_space<vmem>> -> memref<1x1x128x32xf32, #tpu.memory_space<vmem>>
      %dma_wait3A_898 = tpu.memref_squeeze %dma_wait3A_897 : memref<1x1x128x32xf32, #tpu.memory_space<vmem>> -> memref<128x32xf32, #tpu.memory_space<vmem>>
      %dma_wait3A_899 = arith.constant 0 : i32
      %dma_wait3A_900 = tpu.memref_slice %arg12[%dma_wait3A_890, %dma_wait3A_891, %dma_wait3A_899] : memref<2x8x128xi32, #tpu.memory_space<vmem>> -> memref<1x1x128xi32, #tpu.memory_space<vmem>>
      %dma_wait3A_901 = tpu.memref_squeeze %dma_wait3A_900 : memref<1x1x128xi32, #tpu.memory_space<vmem>> -> memref<128xi32, #tpu.memory_space<vmem>>
      %dma_wait3A_902 = arith.constant 0 : i32
      %dma_wait3A_903 = arith.constant 0 : i32
      %dma_wait3A_904 = tpu.memref_slice %arg10[%dma_wait3A_902, %dma_wait3A_903] : memref<100129x32xf32, #tpu.memory_space<hbm>> -> memref<100129x32xf32, #tpu.memory_space<hbm>>
      %dma_wait3A_905 = tpu.memref_slice %arg14[%dma_wait3A_894] : memref<2x!tpu.dma_semaphore, #tpu.memory_space<semaphore_mem>> -> memref<1x!tpu.dma_semaphore, #tpu.memory_space<semaphore_mem>>
      %dma_wait3A_906 = tpu.memref_squeeze %dma_wait3A_905 : memref<1x!tpu.dma_semaphore, #tpu.memory_space<semaphore_mem>> -> memref<!tpu.dma_semaphore, #tpu.memory_space<semaphore_mem>>
      tpu.wait_indirect_dma semaphore(%dma_wait3A_906 : memref<!tpu.dma_semaphore, #tpu.memory_space<semaphore_mem>>) src(%dma_wait3A_904 : memref<100129x32xf32, #tpu.memory_space<hbm>>) dst(%dma_wait3A_898 : memref<128x32xf32, #tpu.memory_space<vmem>>)
      %dma_start3A_907 = arith.constant 1 : i32
      %dma_start3A_908 = arith.constant 0 : i32
      %dma_start3A_909 = arith.constant 1 : i32
      %dma_start3A_910 = arith.constant 0 : i32
      %dma_start3A_911 = arith.constant 0 : i32
      %dma_start3A_912 = tpu.memref_slice %arg13[%dma_start3A_907, %dma_start3A_908, %dma_start3A_910, %dma_start3A_911] : memref<2x8x128x32xf32, #tpu.memory_space<vmem>> -> memref<1x1x128x32xf32, #tpu.memory_space<vmem>>
      %dma_start3A_913 = tpu.memref_squeeze %dma_start3A_912 : memref<1x1x128x32xf32, #tpu.memory_space<vmem>> -> memref<128x32xf32, #tpu.memory_space<vmem>>
      %dma_start3A_914 = arith.constant 0 : i32
      %dma_start3A_915 = tpu.memref_slice %arg11[%add3A_763, %mul3A_2, %dma_start3A_914] : memref<50x4096x256xf32, #tpu.memory_space<hbm>> -> memref<1x128x32xf32, #tpu.memory_space<hbm>>
      %dma_start3A_916 = tpu.memref_squeeze %dma_start3A_915 : memref<1x128x32xf32, #tpu.memory_space<hbm>> -> memref<128x32xf32, #tpu.memory_space<hbm>>
      %dma_start3A_917 = tpu.memref_slice %arg15[%dma_start3A_909] : memref<2x!tpu.dma_semaphore, #tpu.memory_space<semaphore_mem>> -> memref<1x!tpu.dma_semaphore, #tpu.memory_space<semaphore_mem>>
      %dma_start3A_918 = tpu.memref_squeeze %dma_start3A_917 : memref<1x!tpu.dma_semaphore, #tpu.memory_space<semaphore_mem>> -> memref<!tpu.dma_semaphore, #tpu.memory_space<semaphore_mem>>
      %dma_start3A_919 = arith.constant 0 : i32
      %dma_start3A_920 = tpu.memref_slice %arg11[%add3A_763, %mul3A_2, %dma_start3A_919] : memref<50x4096x256xf32, #tpu.memory_space<hbm>> -> memref<1x128x32xf32, #tpu.memory_space<hbm>>
      %dma_start3A_921 = tpu.memref_squeeze %dma_start3A_920 : memref<1x128x32xf32, #tpu.memory_space<hbm>> -> memref<128x32xf32, #tpu.memory_space<hbm>>
      %dma_start3A_922 = arith.constant 0 : i32
      %dma_start3A_923 = arith.constant 0 : i32
      %dma_start3A_924 = tpu.memref_slice %arg13[%dma_start3A_907, %dma_start3A_908, %dma_start3A_922, %dma_start3A_923] : memref<2x8x128x32xf32, #tpu.memory_space<vmem>> -> memref<1x1x128x32xf32, #tpu.memory_space<vmem>>
      %dma_start3A_925 = tpu.memref_squeeze %dma_start3A_924 : memref<1x1x128x32xf32, #tpu.memory_space<vmem>> -> memref<128x32xf32, #tpu.memory_space<vmem>>
      tpu.enqueue_dma source(%dma_start3A_925 : memref<128x32xf32, #tpu.memory_space<vmem>>) target(%dma_start3A_921 : memref<128x32xf32, #tpu.memory_space<hbm>>) target_semaphore(%dma_start3A_918 : memref<!tpu.dma_semaphore, #tpu.memory_space<semaphore_mem>>)
      %dma_start3A_926 = arith.constant 1 : i32
      %dma_start3A_927 = arith.constant 1 : i32
      %dma_start3A_928 = arith.constant 1 : i32
      %dma_start3A_929 = arith.constant 0 : i32
      %dma_start3A_930 = arith.constant 0 : i32
      %dma_start3A_931 = tpu.memref_slice %arg13[%dma_start3A_926, %dma_start3A_927, %dma_start3A_929, %dma_start3A_930] : memref<2x8x128x32xf32, #tpu.memory_space<vmem>> -> memref<1x1x128x32xf32, #tpu.memory_space<vmem>>
      %dma_start3A_932 = tpu.memref_squeeze %dma_start3A_931 : memref<1x1x128x32xf32, #tpu.memory_space<vmem>> -> memref<128x32xf32, #tpu.memory_space<vmem>>
      %dma_start3A_933 = arith.constant 32 : i32
      %dma_start3A_934 = tpu.memref_slice %arg11[%add3A_763, %mul3A_2, %dma_start3A_933] : memref<50x4096x256xf32, #tpu.memory_space<hbm>> -> memref<1x128x32xf32, #tpu.memory_space<hbm>>
      %dma_start3A_935 = tpu.memref_squeeze %dma_start3A_934 : memref<1x128x32xf32, #tpu.memory_space<hbm>> -> memref<128x32xf32, #tpu.memory_space<hbm>>
      %dma_start3A_936 = tpu.memref_slice %arg15[%dma_start3A_928] : memref<2x!tpu.dma_semaphore, #tpu.memory_space<semaphore_mem>> -> memref<1x!tpu.dma_semaphore, #tpu.memory_space<semaphore_mem>>
      %dma_start3A_937 = tpu.memref_squeeze %dma_start3A_936 : memref<1x!tpu.dma_semaphore, #tpu.memory_space<semaphore_mem>> -> memref<!tpu.dma_semaphore, #tpu.memory_space<semaphore_mem>>
      %dma_start3A_938 = arith.constant 32 : i32
      %dma_start3A_939 = tpu.memref_slice %arg11[%add3A_763, %mul3A_2, %dma_start3A_938] : memref<50x4096x256xf32, #tpu.memory_space<hbm>> -> memref<1x128x32xf32, #tpu.memory_space<hbm>>
      %dma_start3A_940 = tpu.memref_squeeze %dma_start3A_939 : memref<1x128x32xf32, #tpu.memory_space<hbm>> -> memref<128x32xf32, #tpu.memory_space<hbm>>
      %dma_start3A_941 = arith.constant 0 : i32
      %dma_start3A_942 = arith.constant 0 : i32
      %dma_start3A_943 = tpu.memref_slice %arg13[%dma_start3A_926, %dma_start3A_927, %dma_start3A_941, %dma_start3A_942] : memref<2x8x128x32xf32, #tpu.memory_space<vmem>> -> memref<1x1x128x32xf32, #tpu.memory_space<vmem>>
      %dma_start3A_944 = tpu.memref_squeeze %dma_start3A_943 : memref<1x1x128x32xf32, #tpu.memory_space<vmem>> -> memref<128x32xf32, #tpu.memory_space<vmem>>
      tpu.enqueue_dma source(%dma_start3A_944 : memref<128x32xf32, #tpu.memory_space<vmem>>) target(%dma_start3A_940 : memref<128x32xf32, #tpu.memory_space<hbm>>) target_semaphore(%dma_start3A_937 : memref<!tpu.dma_semaphore, #tpu.memory_space<semaphore_mem>>)
      %dma_start3A_945 = arith.constant 1 : i32
      %dma_start3A_946 = arith.constant 2 : i32
      %dma_start3A_947 = arith.constant 1 : i32
      %dma_start3A_948 = arith.constant 0 : i32
      %dma_start3A_949 = arith.constant 0 : i32
      %dma_start3A_950 = tpu.memref_slice %arg13[%dma_start3A_945, %dma_start3A_946, %dma_start3A_948, %dma_start3A_949] : memref<2x8x128x32xf32, #tpu.memory_space<vmem>> -> memref<1x1x128x32xf32, #tpu.memory_space<vmem>>
      %dma_start3A_951 = tpu.memref_squeeze %dma_start3A_950 : memref<1x1x128x32xf32, #tpu.memory_space<vmem>> -> memref<128x32xf32, #tpu.memory_space<vmem>>
      %dma_start3A_952 = arith.constant 64 : i32
      %dma_start3A_953 = tpu.memref_slice %arg11[%add3A_763, %mul3A_2, %dma_start3A_952] : memref<50x4096x256xf32, #tpu.memory_space<hbm>> -> memref<1x128x32xf32, #tpu.memory_space<hbm>>
      %dma_start3A_954 = tpu.memref_squeeze %dma_start3A_953 : memref<1x128x32xf32, #tpu.memory_space<hbm>> -> memref<128x32xf32, #tpu.memory_space<hbm>>
      %dma_start3A_955 = tpu.memref_slice %arg15[%dma_start3A_947] : memref<2x!tpu.dma_semaphore, #tpu.memory_space<semaphore_mem>> -> memref<1x!tpu.dma_semaphore, #tpu.memory_space<semaphore_mem>>
      %dma_start3A_956 = tpu.memref_squeeze %dma_start3A_955 : memref<1x!tpu.dma_semaphore, #tpu.memory_space<semaphore_mem>> -> memref<!tpu.dma_semaphore, #tpu.memory_space<semaphore_mem>>
      %dma_start3A_957 = arith.constant 64 : i32
      %dma_start3A_958 = tpu.memref_slice %arg11[%add3A_763, %mul3A_2, %dma_start3A_957] : memref<50x4096x256xf32, #tpu.memory_space<hbm>> -> memref<1x128x32xf32, #tpu.memory_space<hbm>>
      %dma_start3A_959 = tpu.memref_squeeze %dma_start3A_958 : memref<1x128x32xf32, #tpu.memory_space<hbm>> -> memref<128x32xf32, #tpu.memory_space<hbm>>
      %dma_start3A_960 = arith.constant 0 : i32
      %dma_start3A_961 = arith.constant 0 : i32
      %dma_start3A_962 = tpu.memref_slice %arg13[%dma_start3A_945, %dma_start3A_946, %dma_start3A_960, %dma_start3A_961] : memref<2x8x128x32xf32, #tpu.memory_space<vmem>> -> memref<1x1x128x32xf32, #tpu.memory_space<vmem>>
      %dma_start3A_963 = tpu.memref_squeeze %dma_start3A_962 : memref<1x1x128x32xf32, #tpu.memory_space<vmem>> -> memref<128x32xf32, #tpu.memory_space<vmem>>
      tpu.enqueue_dma source(%dma_start3A_963 : memref<128x32xf32, #tpu.memory_space<vmem>>) target(%dma_start3A_959 : memref<128x32xf32, #tpu.memory_space<hbm>>) target_semaphore(%dma_start3A_956 : memref<!tpu.dma_semaphore, #tpu.memory_space<semaphore_mem>>)
      %dma_start3A_964 = arith.constant 1 : i32
      %dma_start3A_965 = arith.constant 3 : i32
      %dma_start3A_966 = arith.constant 1 : i32
      %dma_start3A_967 = arith.constant 0 : i32
      %dma_start3A_968 = arith.constant 0 : i32
      %dma_start3A_969 = tpu.memref_slice %arg13[%dma_start3A_964, %dma_start3A_965, %dma_start3A_967, %dma_start3A_968] : memref<2x8x128x32xf32, #tpu.memory_space<vmem>> -> memref<1x1x128x32xf32, #tpu.memory_space<vmem>>
      %dma_start3A_970 = tpu.memref_squeeze %dma_start3A_969 : memref<1x1x128x32xf32, #tpu.memory_space<vmem>> -> memref<128x32xf32, #tpu.memory_space<vmem>>
      %dma_start3A_971 = arith.constant 96 : i32
      %dma_start3A_972 = tpu.memref_slice %arg11[%add3A_763, %mul3A_2, %dma_start3A_971] : memref<50x4096x256xf32, #tpu.memory_space<hbm>> -> memref<1x128x32xf32, #tpu.memory_space<hbm>>
      %dma_start3A_973 = tpu.memref_squeeze %dma_start3A_972 : memref<1x128x32xf32, #tpu.memory_space<hbm>> -> memref<128x32xf32, #tpu.memory_space<hbm>>
      %dma_start3A_974 = tpu.memref_slice %arg15[%dma_start3A_966] : memref<2x!tpu.dma_semaphore, #tpu.memory_space<semaphore_mem>> -> memref<1x!tpu.dma_semaphore, #tpu.memory_space<semaphore_mem>>
      %dma_start3A_975 = tpu.memref_squeeze %dma_start3A_974 : memref<1x!tpu.dma_semaphore, #tpu.memory_space<semaphore_mem>> -> memref<!tpu.dma_semaphore, #tpu.memory_space<semaphore_mem>>
      %dma_start3A_976 = arith.constant 96 : i32
      %dma_start3A_977 = tpu.memref_slice %arg11[%add3A_763, %mul3A_2, %dma_start3A_976] : memref<50x4096x256xf32, #tpu.memory_space<hbm>> -> memref<1x128x32xf32, #tpu.memory_space<hbm>>
      %dma_start3A_978 = tpu.memref_squeeze %dma_start3A_977 : memref<1x128x32xf32, #tpu.memory_space<hbm>> -> memref<128x32xf32, #tpu.memory_space<hbm>>
      %dma_start3A_979 = arith.constant 0 : i32
      %dma_start3A_980 = arith.constant 0 : i32
      %dma_start3A_981 = tpu.memref_slice %arg13[%dma_start3A_964, %dma_start3A_965, %dma_start3A_979, %dma_start3A_980] : memref<2x8x128x32xf32, #tpu.memory_space<vmem>> -> memref<1x1x128x32xf32, #tpu.memory_space<vmem>>
      %dma_start3A_982 = tpu.memref_squeeze %dma_start3A_981 : memref<1x1x128x32xf32, #tpu.memory_space<vmem>> -> memref<128x32xf32, #tpu.memory_space<vmem>>
      tpu.enqueue_dma source(%dma_start3A_982 : memref<128x32xf32, #tpu.memory_space<vmem>>) target(%dma_start3A_978 : memref<128x32xf32, #tpu.memory_space<hbm>>) target_semaphore(%dma_start3A_975 : memref<!tpu.dma_semaphore, #tpu.memory_space<semaphore_mem>>)
      %dma_start3A_983 = arith.constant 1 : i32
      %dma_start3A_984 = arith.constant 4 : i32
      %dma_start3A_985 = arith.constant 1 : i32
      %dma_start3A_986 = arith.constant 0 : i32
      %dma_start3A_987 = arith.constant 0 : i32
      %dma_start3A_988 = tpu.memref_slice %arg13[%dma_start3A_983, %dma_start3A_984, %dma_start3A_986, %dma_start3A_987] : memref<2x8x128x32xf32, #tpu.memory_space<vmem>> -> memref<1x1x128x32xf32, #tpu.memory_space<vmem>>
      %dma_start3A_989 = tpu.memref_squeeze %dma_start3A_988 : memref<1x1x128x32xf32, #tpu.memory_space<vmem>> -> memref<128x32xf32, #tpu.memory_space<vmem>>
      %dma_start3A_990 = arith.constant 128 : i32
      %dma_start3A_991 = tpu.memref_slice %arg11[%add3A_763, %mul3A_2, %dma_start3A_990] : memref<50x4096x256xf32, #tpu.memory_space<hbm>> -> memref<1x128x32xf32, #tpu.memory_space<hbm>>
      %dma_start3A_992 = tpu.memref_squeeze %dma_start3A_991 : memref<1x128x32xf32, #tpu.memory_space<hbm>> -> memref<128x32xf32, #tpu.memory_space<hbm>>
      %dma_start3A_993 = tpu.memref_slice %arg15[%dma_start3A_985] : memref<2x!tpu.dma_semaphore, #tpu.memory_space<semaphore_mem>> -> memref<1x!tpu.dma_semaphore, #tpu.memory_space<semaphore_mem>>
      %dma_start3A_994 = tpu.memref_squeeze %dma_start3A_993 : memref<1x!tpu.dma_semaphore, #tpu.memory_space<semaphore_mem>> -> memref<!tpu.dma_semaphore, #tpu.memory_space<semaphore_mem>>
      %dma_start3A_995 = arith.constant 128 : i32
      %dma_start3A_996 = tpu.memref_slice %arg11[%add3A_763, %mul3A_2, %dma_start3A_995] : memref<50x4096x256xf32, #tpu.memory_space<hbm>> -> memref<1x128x32xf32, #tpu.memory_space<hbm>>
      %dma_start3A_997 = tpu.memref_squeeze %dma_start3A_996 : memref<1x128x32xf32, #tpu.memory_space<hbm>> -> memref<128x32xf32, #tpu.memory_space<hbm>>
      %dma_start3A_998 = arith.constant 0 : i32
      %dma_start3A_999 = arith.constant 0 : i32
      %dma_start3A_1000 = tpu.memref_slice %arg13[%dma_start3A_983, %dma_start3A_984, %dma_start3A_998, %dma_start3A_999] : memref<2x8x128x32xf32, #tpu.memory_space<vmem>> -> memref<1x1x128x32xf32, #tpu.memory_space<vmem>>
      %dma_start3A_1001 = tpu.memref_squeeze %dma_start3A_1000 : memref<1x1x128x32xf32, #tpu.memory_space<vmem>> -> memref<128x32xf32, #tpu.memory_space<vmem>>
      tpu.enqueue_dma source(%dma_start3A_1001 : memref<128x32xf32, #tpu.memory_space<vmem>>) target(%dma_start3A_997 : memref<128x32xf32, #tpu.memory_space<hbm>>) target_semaphore(%dma_start3A_994 : memref<!tpu.dma_semaphore, #tpu.memory_space<semaphore_mem>>)
      %dma_start3A_1002 = arith.constant 1 : i32
      %dma_start3A_1003 = arith.constant 5 : i32
      %dma_start3A_1004 = arith.constant 1 : i32
      %dma_start3A_1005 = arith.constant 0 : i32
      %dma_start3A_1006 = arith.constant 0 : i32
      %dma_start3A_1007 = tpu.memref_slice %arg13[%dma_start3A_1002, %dma_start3A_1003, %dma_start3A_1005, %dma_start3A_1006] : memref<2x8x128x32xf32, #tpu.memory_space<vmem>> -> memref<1x1x128x32xf32, #tpu.memory_space<vmem>>
      %dma_start3A_1008 = tpu.memref_squeeze %dma_start3A_1007 : memref<1x1x128x32xf32, #tpu.memory_space<vmem>> -> memref<128x32xf32, #tpu.memory_space<vmem>>
      %dma_start3A_1009 = arith.constant 160 : i32
      %dma_start3A_1010 = tpu.memref_slice %arg11[%add3A_763, %mul3A_2, %dma_start3A_1009] : memref<50x4096x256xf32, #tpu.memory_space<hbm>> -> memref<1x128x32xf32, #tpu.memory_space<hbm>>
      %dma_start3A_1011 = tpu.memref_squeeze %dma_start3A_1010 : memref<1x128x32xf32, #tpu.memory_space<hbm>> -> memref<128x32xf32, #tpu.memory_space<hbm>>
      %dma_start3A_1012 = tpu.memref_slice %arg15[%dma_start3A_1004] : memref<2x!tpu.dma_semaphore, #tpu.memory_space<semaphore_mem>> -> memref<1x!tpu.dma_semaphore, #tpu.memory_space<semaphore_mem>>
      %dma_start3A_1013 = tpu.memref_squeeze %dma_start3A_1012 : memref<1x!tpu.dma_semaphore, #tpu.memory_space<semaphore_mem>> -> memref<!tpu.dma_semaphore, #tpu.memory_space<semaphore_mem>>
      %dma_start3A_1014 = arith.constant 160 : i32
      %dma_start3A_1015 = tpu.memref_slice %arg11[%add3A_763, %mul3A_2, %dma_start3A_1014] : memref<50x4096x256xf32, #tpu.memory_space<hbm>> -> memref<1x128x32xf32, #tpu.memory_space<hbm>>
      %dma_start3A_1016 = tpu.memref_squeeze %dma_start3A_1015 : memref<1x128x32xf32, #tpu.memory_space<hbm>> -> memref<128x32xf32, #tpu.memory_space<hbm>>
      %dma_start3A_1017 = arith.constant 0 : i32
      %dma_start3A_1018 = arith.constant 0 : i32
      %dma_start3A_1019 = tpu.memref_slice %arg13[%dma_start3A_1002, %dma_start3A_1003, %dma_start3A_1017, %dma_start3A_1018] : memref<2x8x128x32xf32, #tpu.memory_space<vmem>> -> memref<1x1x128x32xf32, #tpu.memory_space<vmem>>
      %dma_start3A_1020 = tpu.memref_squeeze %dma_start3A_1019 : memref<1x1x128x32xf32, #tpu.memory_space<vmem>> -> memref<128x32xf32, #tpu.memory_space<vmem>>
      tpu.enqueue_dma source(%dma_start3A_1020 : memref<128x32xf32, #tpu.memory_space<vmem>>) target(%dma_start3A_1016 : memref<128x32xf32, #tpu.memory_space<hbm>>) target_semaphore(%dma_start3A_1013 : memref<!tpu.dma_semaphore, #tpu.memory_space<semaphore_mem>>)
      %dma_start3A_1021 = arith.constant 1 : i32
      %dma_start3A_1022 = arith.constant 6 : i32
      %dma_start3A_1023 = arith.constant 1 : i32
      %dma_start3A_1024 = arith.constant 0 : i32
      %dma_start3A_1025 = arith.constant 0 : i32
      %dma_start3A_1026 = tpu.memref_slice %arg13[%dma_start3A_1021, %dma_start3A_1022, %dma_start3A_1024, %dma_start3A_1025] : memref<2x8x128x32xf32, #tpu.memory_space<vmem>> -> memref<1x1x128x32xf32, #tpu.memory_space<vmem>>
      %dma_start3A_1027 = tpu.memref_squeeze %dma_start3A_1026 : memref<1x1x128x32xf32, #tpu.memory_space<vmem>> -> memref<128x32xf32, #tpu.memory_space<vmem>>
      %dma_start3A_1028 = arith.constant 192 : i32
      %dma_start3A_1029 = tpu.memref_slice %arg11[%add3A_763, %mul3A_2, %dma_start3A_1028] : memref<50x4096x256xf32, #tpu.memory_space<hbm>> -> memref<1x128x32xf32, #tpu.memory_space<hbm>>
      %dma_start3A_1030 = tpu.memref_squeeze %dma_start3A_1029 : memref<1x128x32xf32, #tpu.memory_space<hbm>> -> memref<128x32xf32, #tpu.memory_space<hbm>>
      %dma_start3A_1031 = tpu.memref_slice %arg15[%dma_start3A_1023] : memref<2x!tpu.dma_semaphore, #tpu.memory_space<semaphore_mem>> -> memref<1x!tpu.dma_semaphore, #tpu.memory_space<semaphore_mem>>
      %dma_start3A_1032 = tpu.memref_squeeze %dma_start3A_1031 : memref<1x!tpu.dma_semaphore, #tpu.memory_space<semaphore_mem>> -> memref<!tpu.dma_semaphore, #tpu.memory_space<semaphore_mem>>
      %dma_start3A_1033 = arith.constant 192 : i32
      %dma_start3A_1034 = tpu.memref_slice %arg11[%add3A_763, %mul3A_2, %dma_start3A_1033] : memref<50x4096x256xf32, #tpu.memory_space<hbm>> -> memref<1x128x32xf32, #tpu.memory_space<hbm>>
      %dma_start3A_1035 = tpu.memref_squeeze %dma_start3A_1034 : memref<1x128x32xf32, #tpu.memory_space<hbm>> -> memref<128x32xf32, #tpu.memory_space<hbm>>
      %dma_start3A_1036 = arith.constant 0 : i32
      %dma_start3A_1037 = arith.constant 0 : i32
      %dma_start3A_1038 = tpu.memref_slice %arg13[%dma_start3A_1021, %dma_start3A_1022, %dma_start3A_1036, %dma_start3A_1037] : memref<2x8x128x32xf32, #tpu.memory_space<vmem>> -> memref<1x1x128x32xf32, #tpu.memory_space<vmem>>
      %dma_start3A_1039 = tpu.memref_squeeze %dma_start3A_1038 : memref<1x1x128x32xf32, #tpu.memory_space<vmem>> -> memref<128x32xf32, #tpu.memory_space<vmem>>
      tpu.enqueue_dma source(%dma_start3A_1039 : memref<128x32xf32, #tpu.memory_space<vmem>>) target(%dma_start3A_1035 : memref<128x32xf32, #tpu.memory_space<hbm>>) target_semaphore(%dma_start3A_1032 : memref<!tpu.dma_semaphore, #tpu.memory_space<semaphore_mem>>)
      %dma_start3A_1040 = arith.constant 1 : i32
      %dma_start3A_1041 = arith.constant 7 : i32
      %dma_start3A_1042 = arith.constant 1 : i32
      %dma_start3A_1043 = arith.constant 0 : i32
      %dma_start3A_1044 = arith.constant 0 : i32
      %dma_start3A_1045 = tpu.memref_slice %arg13[%dma_start3A_1040, %dma_start3A_1041, %dma_start3A_1043, %dma_start3A_1044] : memref<2x8x128x32xf32, #tpu.memory_space<vmem>> -> memref<1x1x128x32xf32, #tpu.memory_space<vmem>>
      %dma_start3A_1046 = tpu.memref_squeeze %dma_start3A_1045 : memref<1x1x128x32xf32, #tpu.memory_space<vmem>> -> memref<128x32xf32, #tpu.memory_space<vmem>>
      %dma_start3A_1047 = arith.constant 224 : i32
      %dma_start3A_1048 = tpu.memref_slice %arg11[%add3A_763, %mul3A_2, %dma_start3A_1047] : memref<50x4096x256xf32, #tpu.memory_space<hbm>> -> memref<1x128x32xf32, #tpu.memory_space<hbm>>
      %dma_start3A_1049 = tpu.memref_squeeze %dma_start3A_1048 : memref<1x128x32xf32, #tpu.memory_space<hbm>> -> memref<128x32xf32, #tpu.memory_space<hbm>>
      %dma_start3A_1050 = tpu.memref_slice %arg15[%dma_start3A_1042] : memref<2x!tpu.dma_semaphore, #tpu.memory_space<semaphore_mem>> -> memref<1x!tpu.dma_semaphore, #tpu.memory_space<semaphore_mem>>
      %dma_start3A_1051 = tpu.memref_squeeze %dma_start3A_1050 : memref<1x!tpu.dma_semaphore, #tpu.memory_space<semaphore_mem>> -> memref<!tpu.dma_semaphore, #tpu.memory_space<semaphore_mem>>
      %dma_start3A_1052 = arith.constant 224 : i32
      %dma_start3A_1053 = tpu.memref_slice %arg11[%add3A_763, %mul3A_2, %dma_start3A_1052] : memref<50x4096x256xf32, #tpu.memory_space<hbm>> -> memref<1x128x32xf32, #tpu.memory_space<hbm>>
      %dma_start3A_1054 = tpu.memref_squeeze %dma_start3A_1053 : memref<1x128x32xf32, #tpu.memory_space<hbm>> -> memref<128x32xf32, #tpu.memory_space<hbm>>
      %dma_start3A_1055 = arith.constant 0 : i32
      %dma_start3A_1056 = arith.constant 0 : i32
      %dma_start3A_1057 = tpu.memref_slice %arg13[%dma_start3A_1040, %dma_start3A_1041, %dma_start3A_1055, %dma_start3A_1056] : memref<2x8x128x32xf32, #tpu.memory_space<vmem>> -> memref<1x1x128x32xf32, #tpu.memory_space<vmem>>
      %dma_start3A_1058 = tpu.memref_squeeze %dma_start3A_1057 : memref<1x1x128x32xf32, #tpu.memory_space<vmem>> -> memref<128x32xf32, #tpu.memory_space<vmem>>
      tpu.enqueue_dma source(%dma_start3A_1058 : memref<128x32xf32, #tpu.memory_space<vmem>>) target(%dma_start3A_1054 : memref<128x32xf32, #tpu.memory_space<hbm>>) target_semaphore(%dma_start3A_1051 : memref<!tpu.dma_semaphore, #tpu.memory_space<semaphore_mem>>)
    }
    %scan3A_143 = arith.constant 25 : i32
    %dma_wait3A = arith.constant 0 : i32
    %dma_wait3A_144 = arith.constant 0 : i32
    %dma_wait3A_145 = arith.constant 48 : i32
    %dma_wait3A_146 = arith.constant 0 : i32
    %dma_wait3A_147 = arith.constant 0 : i32
    %dma_wait3A_148 = arith.constant 0 : i32
    %dma_wait3A_149 = tpu.memref_slice %arg13[%dma_wait3A, %dma_wait3A_144, %dma_wait3A_147, %dma_wait3A_148] : memref<2x8x128x32xf32, #tpu.memory_space<vmem>> -> memref<1x1x128x32xf32, #tpu.memory_space<vmem>>
    %dma_wait3A_150 = tpu.memref_squeeze %dma_wait3A_149 : memref<1x1x128x32xf32, #tpu.memory_space<vmem>> -> memref<128x32xf32, #tpu.memory_space<vmem>>
    %dma_wait3A_151 = arith.constant 0 : i32
    %dma_wait3A_152 = tpu.memref_slice %arg11[%dma_wait3A_145, %mul3A_2, %dma_wait3A_151] : memref<50x4096x256xf32, #tpu.memory_space<hbm>> -> memref<1x128x32xf32, #tpu.memory_space<hbm>>
    %dma_wait3A_153 = tpu.memref_squeeze %dma_wait3A_152 : memref<1x128x32xf32, #tpu.memory_space<hbm>> -> memref<128x32xf32, #tpu.memory_space<hbm>>
    %dma_wait3A_154 = tpu.memref_slice %arg15[%dma_wait3A_146] : memref<2x!tpu.dma_semaphore, #tpu.memory_space<semaphore_mem>> -> memref<1x!tpu.dma_semaphore, #tpu.memory_space<semaphore_mem>>
    %dma_wait3A_155 = tpu.memref_squeeze %dma_wait3A_154 : memref<1x!tpu.dma_semaphore, #tpu.memory_space<semaphore_mem>> -> memref<!tpu.dma_semaphore, #tpu.memory_space<semaphore_mem>>
    %dma_wait3A_156 = arith.constant 0 : i32
    %dma_wait3A_157 = tpu.memref_slice %arg11[%dma_wait3A_145, %mul3A_2, %dma_wait3A_156] : memref<50x4096x256xf32, #tpu.memory_space<hbm>> -> memref<1x128x32xf32, #tpu.memory_space<hbm>>
    %dma_wait3A_158 = tpu.memref_squeeze %dma_wait3A_157 : memref<1x128x32xf32, #tpu.memory_space<hbm>> -> memref<128x32xf32, #tpu.memory_space<hbm>>
    %dma_wait3A_159 = arith.constant 0 : i32
    %dma_wait3A_160 = arith.constant 0 : i32
    %dma_wait3A_161 = tpu.memref_slice %arg13[%dma_wait3A, %dma_wait3A_144, %dma_wait3A_159, %dma_wait3A_160] : memref<2x8x128x32xf32, #tpu.memory_space<vmem>> -> memref<1x1x128x32xf32, #tpu.memory_space<vmem>>
    %dma_wait3A_162 = tpu.memref_squeeze %dma_wait3A_161 : memref<1x1x128x32xf32, #tpu.memory_space<vmem>> -> memref<128x32xf32, #tpu.memory_space<vmem>>
    tpu.wait_dma2 semaphore(%dma_wait3A_155 : memref<!tpu.dma_semaphore, #tpu.memory_space<semaphore_mem>>) src(%dma_wait3A_162 : memref<128x32xf32, #tpu.memory_space<vmem>>) dst(%dma_wait3A_158 : memref<128x32xf32, #tpu.memory_space<hbm>>)
    %dma_wait3A_163 = arith.constant 0 : i32
    %dma_wait3A_164 = arith.constant 1 : i32
    %dma_wait3A_165 = arith.constant 48 : i32
    %dma_wait3A_166 = arith.constant 0 : i32
    %dma_wait3A_167 = arith.constant 0 : i32
    %dma_wait3A_168 = arith.constant 0 : i32
    %dma_wait3A_169 = tpu.memref_slice %arg13[%dma_wait3A_163, %dma_wait3A_164, %dma_wait3A_167, %dma_wait3A_168] : memref<2x8x128x32xf32, #tpu.memory_space<vmem>> -> memref<1x1x128x32xf32, #tpu.memory_space<vmem>>
    %dma_wait3A_170 = tpu.memref_squeeze %dma_wait3A_169 : memref<1x1x128x32xf32, #tpu.memory_space<vmem>> -> memref<128x32xf32, #tpu.memory_space<vmem>>
    %dma_wait3A_171 = arith.constant 32 : i32
    %dma_wait3A_172 = tpu.memref_slice %arg11[%dma_wait3A_165, %mul3A_2, %dma_wait3A_171] : memref<50x4096x256xf32, #tpu.memory_space<hbm>> -> memref<1x128x32xf32, #tpu.memory_space<hbm>>
    %dma_wait3A_173 = tpu.memref_squeeze %dma_wait3A_172 : memref<1x128x32xf32, #tpu.memory_space<hbm>> -> memref<128x32xf32, #tpu.memory_space<hbm>>
    %dma_wait3A_174 = tpu.memref_slice %arg15[%dma_wait3A_166] : memref<2x!tpu.dma_semaphore, #tpu.memory_space<semaphore_mem>> -> memref<1x!tpu.dma_semaphore, #tpu.memory_space<semaphore_mem>>
    %dma_wait3A_175 = tpu.memref_squeeze %dma_wait3A_174 : memref<1x!tpu.dma_semaphore, #tpu.memory_space<semaphore_mem>> -> memref<!tpu.dma_semaphore, #tpu.memory_space<semaphore_mem>>
    %dma_wait3A_176 = arith.constant 32 : i32
    %dma_wait3A_177 = tpu.memref_slice %arg11[%dma_wait3A_165, %mul3A_2, %dma_wait3A_176] : memref<50x4096x256xf32, #tpu.memory_space<hbm>> -> memref<1x128x32xf32, #tpu.memory_space<hbm>>
    %dma_wait3A_178 = tpu.memref_squeeze %dma_wait3A_177 : memref<1x128x32xf32, #tpu.memory_space<hbm>> -> memref<128x32xf32, #tpu.memory_space<hbm>>
    %dma_wait3A_179 = arith.constant 0 : i32
    %dma_wait3A_180 = arith.constant 0 : i32
    %dma_wait3A_181 = tpu.memref_slice %arg13[%dma_wait3A_163, %dma_wait3A_164, %dma_wait3A_179, %dma_wait3A_180] : memref<2x8x128x32xf32, #tpu.memory_space<vmem>> -> memref<1x1x128x32xf32, #tpu.memory_space<vmem>>
    %dma_wait3A_182 = tpu.memref_squeeze %dma_wait3A_181 : memref<1x1x128x32xf32, #tpu.memory_space<vmem>> -> memref<128x32xf32, #tpu.memory_space<vmem>>
    tpu.wait_dma2 semaphore(%dma_wait3A_175 : memref<!tpu.dma_semaphore, #tpu.memory_space<semaphore_mem>>) src(%dma_wait3A_182 : memref<128x32xf32, #tpu.memory_space<vmem>>) dst(%dma_wait3A_178 : memref<128x32xf32, #tpu.memory_space<hbm>>)
    %dma_wait3A_183 = arith.constant 0 : i32
    %dma_wait3A_184 = arith.constant 2 : i32
    %dma_wait3A_185 = arith.constant 48 : i32
    %dma_wait3A_186 = arith.constant 0 : i32
    %dma_wait3A_187 = arith.constant 0 : i32
    %dma_wait3A_188 = arith.constant 0 : i32
    %dma_wait3A_189 = tpu.memref_slice %arg13[%dma_wait3A_183, %dma_wait3A_184, %dma_wait3A_187, %dma_wait3A_188] : memref<2x8x128x32xf32, #tpu.memory_space<vmem>> -> memref<1x1x128x32xf32, #tpu.memory_space<vmem>>
    %dma_wait3A_190 = tpu.memref_squeeze %dma_wait3A_189 : memref<1x1x128x32xf32, #tpu.memory_space<vmem>> -> memref<128x32xf32, #tpu.memory_space<vmem>>
    %dma_wait3A_191 = arith.constant 64 : i32
    %dma_wait3A_192 = tpu.memref_slice %arg11[%dma_wait3A_185, %mul3A_2, %dma_wait3A_191] : memref<50x4096x256xf32, #tpu.memory_space<hbm>> -> memref<1x128x32xf32, #tpu.memory_space<hbm>>
    %dma_wait3A_193 = tpu.memref_squeeze %dma_wait3A_192 : memref<1x128x32xf32, #tpu.memory_space<hbm>> -> memref<128x32xf32, #tpu.memory_space<hbm>>
    %dma_wait3A_194 = tpu.memref_slice %arg15[%dma_wait3A_186] : memref<2x!tpu.dma_semaphore, #tpu.memory_space<semaphore_mem>> -> memref<1x!tpu.dma_semaphore, #tpu.memory_space<semaphore_mem>>
    %dma_wait3A_195 = tpu.memref_squeeze %dma_wait3A_194 : memref<1x!tpu.dma_semaphore, #tpu.memory_space<semaphore_mem>> -> memref<!tpu.dma_semaphore, #tpu.memory_space<semaphore_mem>>
    %dma_wait3A_196 = arith.constant 64 : i32
    %dma_wait3A_197 = tpu.memref_slice %arg11[%dma_wait3A_185, %mul3A_2, %dma_wait3A_196] : memref<50x4096x256xf32, #tpu.memory_space<hbm>> -> memref<1x128x32xf32, #tpu.memory_space<hbm>>
    %dma_wait3A_198 = tpu.memref_squeeze %dma_wait3A_197 : memref<1x128x32xf32, #tpu.memory_space<hbm>> -> memref<128x32xf32, #tpu.memory_space<hbm>>
    %dma_wait3A_199 = arith.constant 0 : i32
    %dma_wait3A_200 = arith.constant 0 : i32
    %dma_wait3A_201 = tpu.memref_slice %arg13[%dma_wait3A_183, %dma_wait3A_184, %dma_wait3A_199, %dma_wait3A_200] : memref<2x8x128x32xf32, #tpu.memory_space<vmem>> -> memref<1x1x128x32xf32, #tpu.memory_space<vmem>>
    %dma_wait3A_202 = tpu.memref_squeeze %dma_wait3A_201 : memref<1x1x128x32xf32, #tpu.memory_space<vmem>> -> memref<128x32xf32, #tpu.memory_space<vmem>>
    tpu.wait_dma2 semaphore(%dma_wait3A_195 : memref<!tpu.dma_semaphore, #tpu.memory_space<semaphore_mem>>) src(%dma_wait3A_202 : memref<128x32xf32, #tpu.memory_space<vmem>>) dst(%dma_wait3A_198 : memref<128x32xf32, #tpu.memory_space<hbm>>)
    %dma_wait3A_203 = arith.constant 0 : i32
    %dma_wait3A_204 = arith.constant 3 : i32
    %dma_wait3A_205 = arith.constant 48 : i32
    %dma_wait3A_206 = arith.constant 0 : i32
    %dma_wait3A_207 = arith.constant 0 : i32
    %dma_wait3A_208 = arith.constant 0 : i32
    %dma_wait3A_209 = tpu.memref_slice %arg13[%dma_wait3A_203, %dma_wait3A_204, %dma_wait3A_207, %dma_wait3A_208] : memref<2x8x128x32xf32, #tpu.memory_space<vmem>> -> memref<1x1x128x32xf32, #tpu.memory_space<vmem>>
    %dma_wait3A_210 = tpu.memref_squeeze %dma_wait3A_209 : memref<1x1x128x32xf32, #tpu.memory_space<vmem>> -> memref<128x32xf32, #tpu.memory_space<vmem>>
    %dma_wait3A_211 = arith.constant 96 : i32
    %dma_wait3A_212 = tpu.memref_slice %arg11[%dma_wait3A_205, %mul3A_2, %dma_wait3A_211] : memref<50x4096x256xf32, #tpu.memory_space<hbm>> -> memref<1x128x32xf32, #tpu.memory_space<hbm>>
    %dma_wait3A_213 = tpu.memref_squeeze %dma_wait3A_212 : memref<1x128x32xf32, #tpu.memory_space<hbm>> -> memref<128x32xf32, #tpu.memory_space<hbm>>
    %dma_wait3A_214 = tpu.memref_slice %arg15[%dma_wait3A_206] : memref<2x!tpu.dma_semaphore, #tpu.memory_space<semaphore_mem>> -> memref<1x!tpu.dma_semaphore, #tpu.memory_space<semaphore_mem>>
    %dma_wait3A_215 = tpu.memref_squeeze %dma_wait3A_214 : memref<1x!tpu.dma_semaphore, #tpu.memory_space<semaphore_mem>> -> memref<!tpu.dma_semaphore, #tpu.memory_space<semaphore_mem>>
    %dma_wait3A_216 = arith.constant 96 : i32
    %dma_wait3A_217 = tpu.memref_slice %arg11[%dma_wait3A_205, %mul3A_2, %dma_wait3A_216] : memref<50x4096x256xf32, #tpu.memory_space<hbm>> -> memref<1x128x32xf32, #tpu.memory_space<hbm>>
    %dma_wait3A_218 = tpu.memref_squeeze %dma_wait3A_217 : memref<1x128x32xf32, #tpu.memory_space<hbm>> -> memref<128x32xf32, #tpu.memory_space<hbm>>
    %dma_wait3A_219 = arith.constant 0 : i32
    %dma_wait3A_220 = arith.constant 0 : i32
    %dma_wait3A_221 = tpu.memref_slice %arg13[%dma_wait3A_203, %dma_wait3A_204, %dma_wait3A_219, %dma_wait3A_220] : memref<2x8x128x32xf32, #tpu.memory_space<vmem>> -> memref<1x1x128x32xf32, #tpu.memory_space<vmem>>
    %dma_wait3A_222 = tpu.memref_squeeze %dma_wait3A_221 : memref<1x1x128x32xf32, #tpu.memory_space<vmem>> -> memref<128x32xf32, #tpu.memory_space<vmem>>
    tpu.wait_dma2 semaphore(%dma_wait3A_215 : memref<!tpu.dma_semaphore, #tpu.memory_space<semaphore_mem>>) src(%dma_wait3A_222 : memref<128x32xf32, #tpu.memory_space<vmem>>) dst(%dma_wait3A_218 : memref<128x32xf32, #tpu.memory_space<hbm>>)
    %dma_wait3A_223 = arith.constant 0 : i32
    %dma_wait3A_224 = arith.constant 4 : i32
    %dma_wait3A_225 = arith.constant 48 : i32
    %dma_wait3A_226 = arith.constant 0 : i32
    %dma_wait3A_227 = arith.constant 0 : i32
    %dma_wait3A_228 = arith.constant 0 : i32
    %dma_wait3A_229 = tpu.memref_slice %arg13[%dma_wait3A_223, %dma_wait3A_224, %dma_wait3A_227, %dma_wait3A_228] : memref<2x8x128x32xf32, #tpu.memory_space<vmem>> -> memref<1x1x128x32xf32, #tpu.memory_space<vmem>>
    %dma_wait3A_230 = tpu.memref_squeeze %dma_wait3A_229 : memref<1x1x128x32xf32, #tpu.memory_space<vmem>> -> memref<128x32xf32, #tpu.memory_space<vmem>>
    %dma_wait3A_231 = arith.constant 128 : i32
    %dma_wait3A_232 = tpu.memref_slice %arg11[%dma_wait3A_225, %mul3A_2, %dma_wait3A_231] : memref<50x4096x256xf32, #tpu.memory_space<hbm>> -> memref<1x128x32xf32, #tpu.memory_space<hbm>>
    %dma_wait3A_233 = tpu.memref_squeeze %dma_wait3A_232 : memref<1x128x32xf32, #tpu.memory_space<hbm>> -> memref<128x32xf32, #tpu.memory_space<hbm>>
    %dma_wait3A_234 = tpu.memref_slice %arg15[%dma_wait3A_226] : memref<2x!tpu.dma_semaphore, #tpu.memory_space<semaphore_mem>> -> memref<1x!tpu.dma_semaphore, #tpu.memory_space<semaphore_mem>>
    %dma_wait3A_235 = tpu.memref_squeeze %dma_wait3A_234 : memref<1x!tpu.dma_semaphore, #tpu.memory_space<semaphore_mem>> -> memref<!tpu.dma_semaphore, #tpu.memory_space<semaphore_mem>>
    %dma_wait3A_236 = arith.constant 128 : i32
    %dma_wait3A_237 = tpu.memref_slice %arg11[%dma_wait3A_225, %mul3A_2, %dma_wait3A_236] : memref<50x4096x256xf32, #tpu.memory_space<hbm>> -> memref<1x128x32xf32, #tpu.memory_space<hbm>>
    %dma_wait3A_238 = tpu.memref_squeeze %dma_wait3A_237 : memref<1x128x32xf32, #tpu.memory_space<hbm>> -> memref<128x32xf32, #tpu.memory_space<hbm>>
    %dma_wait3A_239 = arith.constant 0 : i32
    %dma_wait3A_240 = arith.constant 0 : i32
    %dma_wait3A_241 = tpu.memref_slice %arg13[%dma_wait3A_223, %dma_wait3A_224, %dma_wait3A_239, %dma_wait3A_240] : memref<2x8x128x32xf32, #tpu.memory_space<vmem>> -> memref<1x1x128x32xf32, #tpu.memory_space<vmem>>
    %dma_wait3A_242 = tpu.memref_squeeze %dma_wait3A_241 : memref<1x1x128x32xf32, #tpu.memory_space<vmem>> -> memref<128x32xf32, #tpu.memory_space<vmem>>
    tpu.wait_dma2 semaphore(%dma_wait3A_235 : memref<!tpu.dma_semaphore, #tpu.memory_space<semaphore_mem>>) src(%dma_wait3A_242 : memref<128x32xf32, #tpu.memory_space<vmem>>) dst(%dma_wait3A_238 : memref<128x32xf32, #tpu.memory_space<hbm>>)
    %dma_wait3A_243 = arith.constant 0 : i32
    %dma_wait3A_244 = arith.constant 5 : i32
    %dma_wait3A_245 = arith.constant 48 : i32
    %dma_wait3A_246 = arith.constant 0 : i32
    %dma_wait3A_247 = arith.constant 0 : i32
    %dma_wait3A_248 = arith.constant 0 : i32
    %dma_wait3A_249 = tpu.memref_slice %arg13[%dma_wait3A_243, %dma_wait3A_244, %dma_wait3A_247, %dma_wait3A_248] : memref<2x8x128x32xf32, #tpu.memory_space<vmem>> -> memref<1x1x128x32xf32, #tpu.memory_space<vmem>>
    %dma_wait3A_250 = tpu.memref_squeeze %dma_wait3A_249 : memref<1x1x128x32xf32, #tpu.memory_space<vmem>> -> memref<128x32xf32, #tpu.memory_space<vmem>>
    %dma_wait3A_251 = arith.constant 160 : i32
    %dma_wait3A_252 = tpu.memref_slice %arg11[%dma_wait3A_245, %mul3A_2, %dma_wait3A_251] : memref<50x4096x256xf32, #tpu.memory_space<hbm>> -> memref<1x128x32xf32, #tpu.memory_space<hbm>>
    %dma_wait3A_253 = tpu.memref_squeeze %dma_wait3A_252 : memref<1x128x32xf32, #tpu.memory_space<hbm>> -> memref<128x32xf32, #tpu.memory_space<hbm>>
    %dma_wait3A_254 = tpu.memref_slice %arg15[%dma_wait3A_246] : memref<2x!tpu.dma_semaphore, #tpu.memory_space<semaphore_mem>> -> memref<1x!tpu.dma_semaphore, #tpu.memory_space<semaphore_mem>>
    %dma_wait3A_255 = tpu.memref_squeeze %dma_wait3A_254 : memref<1x!tpu.dma_semaphore, #tpu.memory_space<semaphore_mem>> -> memref<!tpu.dma_semaphore, #tpu.memory_space<semaphore_mem>>
    %dma_wait3A_256 = arith.constant 160 : i32
    %dma_wait3A_257 = tpu.memref_slice %arg11[%dma_wait3A_245, %mul3A_2, %dma_wait3A_256] : memref<50x4096x256xf32, #tpu.memory_space<hbm>> -> memref<1x128x32xf32, #tpu.memory_space<hbm>>
    %dma_wait3A_258 = tpu.memref_squeeze %dma_wait3A_257 : memref<1x128x32xf32, #tpu.memory_space<hbm>> -> memref<128x32xf32, #tpu.memory_space<hbm>>
    %dma_wait3A_259 = arith.constant 0 : i32
    %dma_wait3A_260 = arith.constant 0 : i32
    %dma_wait3A_261 = tpu.memref_slice %arg13[%dma_wait3A_243, %dma_wait3A_244, %dma_wait3A_259, %dma_wait3A_260] : memref<2x8x128x32xf32, #tpu.memory_space<vmem>> -> memref<1x1x128x32xf32, #tpu.memory_space<vmem>>
    %dma_wait3A_262 = tpu.memref_squeeze %dma_wait3A_261 : memref<1x1x128x32xf32, #tpu.memory_space<vmem>> -> memref<128x32xf32, #tpu.memory_space<vmem>>
    tpu.wait_dma2 semaphore(%dma_wait3A_255 : memref<!tpu.dma_semaphore, #tpu.memory_space<semaphore_mem>>) src(%dma_wait3A_262 : memref<128x32xf32, #tpu.memory_space<vmem>>) dst(%dma_wait3A_258 : memref<128x32xf32, #tpu.memory_space<hbm>>)
    %dma_wait3A_263 = arith.constant 0 : i32
    %dma_wait3A_264 = arith.constant 6 : i32
    %dma_wait3A_265 = arith.constant 48 : i32
    %dma_wait3A_266 = arith.constant 0 : i32
    %dma_wait3A_267 = arith.constant 0 : i32
    %dma_wait3A_268 = arith.constant 0 : i32
    %dma_wait3A_269 = tpu.memref_slice %arg13[%dma_wait3A_263, %dma_wait3A_264, %dma_wait3A_267, %dma_wait3A_268] : memref<2x8x128x32xf32, #tpu.memory_space<vmem>> -> memref<1x1x128x32xf32, #tpu.memory_space<vmem>>
    %dma_wait3A_270 = tpu.memref_squeeze %dma_wait3A_269 : memref<1x1x128x32xf32, #tpu.memory_space<vmem>> -> memref<128x32xf32, #tpu.memory_space<vmem>>
    %dma_wait3A_271 = arith.constant 192 : i32
    %dma_wait3A_272 = tpu.memref_slice %arg11[%dma_wait3A_265, %mul3A_2, %dma_wait3A_271] : memref<50x4096x256xf32, #tpu.memory_space<hbm>> -> memref<1x128x32xf32, #tpu.memory_space<hbm>>
    %dma_wait3A_273 = tpu.memref_squeeze %dma_wait3A_272 : memref<1x128x32xf32, #tpu.memory_space<hbm>> -> memref<128x32xf32, #tpu.memory_space<hbm>>
    %dma_wait3A_274 = tpu.memref_slice %arg15[%dma_wait3A_266] : memref<2x!tpu.dma_semaphore, #tpu.memory_space<semaphore_mem>> -> memref<1x!tpu.dma_semaphore, #tpu.memory_space<semaphore_mem>>
    %dma_wait3A_275 = tpu.memref_squeeze %dma_wait3A_274 : memref<1x!tpu.dma_semaphore, #tpu.memory_space<semaphore_mem>> -> memref<!tpu.dma_semaphore, #tpu.memory_space<semaphore_mem>>
    %dma_wait3A_276 = arith.constant 192 : i32
    %dma_wait3A_277 = tpu.memref_slice %arg11[%dma_wait3A_265, %mul3A_2, %dma_wait3A_276] : memref<50x4096x256xf32, #tpu.memory_space<hbm>> -> memref<1x128x32xf32, #tpu.memory_space<hbm>>
    %dma_wait3A_278 = tpu.memref_squeeze %dma_wait3A_277 : memref<1x128x32xf32, #tpu.memory_space<hbm>> -> memref<128x32xf32, #tpu.memory_space<hbm>>
    %dma_wait3A_279 = arith.constant 0 : i32
    %dma_wait3A_280 = arith.constant 0 : i32
    %dma_wait3A_281 = tpu.memref_slice %arg13[%dma_wait3A_263, %dma_wait3A_264, %dma_wait3A_279, %dma_wait3A_280] : memref<2x8x128x32xf32, #tpu.memory_space<vmem>> -> memref<1x1x128x32xf32, #tpu.memory_space<vmem>>
    %dma_wait3A_282 = tpu.memref_squeeze %dma_wait3A_281 : memref<1x1x128x32xf32, #tpu.memory_space<vmem>> -> memref<128x32xf32, #tpu.memory_space<vmem>>
    tpu.wait_dma2 semaphore(%dma_wait3A_275 : memref<!tpu.dma_semaphore, #tpu.memory_space<semaphore_mem>>) src(%dma_wait3A_282 : memref<128x32xf32, #tpu.memory_space<vmem>>) dst(%dma_wait3A_278 : memref<128x32xf32, #tpu.memory_space<hbm>>)
    %dma_wait3A_283 = arith.constant 0 : i32
    %dma_wait3A_284 = arith.constant 7 : i32
    %dma_wait3A_285 = arith.constant 48 : i32
    %dma_wait3A_286 = arith.constant 0 : i32
    %dma_wait3A_287 = arith.constant 0 : i32
    %dma_wait3A_288 = arith.constant 0 : i32
    %dma_wait3A_289 = tpu.memref_slice %arg13[%dma_wait3A_283, %dma_wait3A_284, %dma_wait3A_287, %dma_wait3A_288] : memref<2x8x128x32xf32, #tpu.memory_space<vmem>> -> memref<1x1x128x32xf32, #tpu.memory_space<vmem>>
    %dma_wait3A_290 = tpu.memref_squeeze %dma_wait3A_289 : memref<1x1x128x32xf32, #tpu.memory_space<vmem>> -> memref<128x32xf32, #tpu.memory_space<vmem>>
    %dma_wait3A_291 = arith.constant 224 : i32
    %dma_wait3A_292 = tpu.memref_slice %arg11[%dma_wait3A_285, %mul3A_2, %dma_wait3A_291] : memref<50x4096x256xf32, #tpu.memory_space<hbm>> -> memref<1x128x32xf32, #tpu.memory_space<hbm>>
    %dma_wait3A_293 = tpu.memref_squeeze %dma_wait3A_292 : memref<1x128x32xf32, #tpu.memory_space<hbm>> -> memref<128x32xf32, #tpu.memory_space<hbm>>
    %dma_wait3A_294 = tpu.memref_slice %arg15[%dma_wait3A_286] : memref<2x!tpu.dma_semaphore, #tpu.memory_space<semaphore_mem>> -> memref<1x!tpu.dma_semaphore, #tpu.memory_space<semaphore_mem>>
    %dma_wait3A_295 = tpu.memref_squeeze %dma_wait3A_294 : memref<1x!tpu.dma_semaphore, #tpu.memory_space<semaphore_mem>> -> memref<!tpu.dma_semaphore, #tpu.memory_space<semaphore_mem>>
    %dma_wait3A_296 = arith.constant 224 : i32
    %dma_wait3A_297 = tpu.memref_slice %arg11[%dma_wait3A_285, %mul3A_2, %dma_wait3A_296] : memref<50x4096x256xf32, #tpu.memory_space<hbm>> -> memref<1x128x32xf32, #tpu.memory_space<hbm>>
    %dma_wait3A_298 = tpu.memref_squeeze %dma_wait3A_297 : memref<1x128x32xf32, #tpu.memory_space<hbm>> -> memref<128x32xf32, #tpu.memory_space<hbm>>
    %dma_wait3A_299 = arith.constant 0 : i32
    %dma_wait3A_300 = arith.constant 0 : i32
    %dma_wait3A_301 = tpu.memref_slice %arg13[%dma_wait3A_283, %dma_wait3A_284, %dma_wait3A_299, %dma_wait3A_300] : memref<2x8x128x32xf32, #tpu.memory_space<vmem>> -> memref<1x1x128x32xf32, #tpu.memory_space<vmem>>
    %dma_wait3A_302 = tpu.memref_squeeze %dma_wait3A_301 : memref<1x1x128x32xf32, #tpu.memory_space<vmem>> -> memref<128x32xf32, #tpu.memory_space<vmem>>
    tpu.wait_dma2 semaphore(%dma_wait3A_295 : memref<!tpu.dma_semaphore, #tpu.memory_space<semaphore_mem>>) src(%dma_wait3A_302 : memref<128x32xf32, #tpu.memory_space<vmem>>) dst(%dma_wait3A_298 : memref<128x32xf32, #tpu.memory_space<hbm>>)
    %dma_wait3A_303 = arith.constant 1 : i32
    %dma_wait3A_304 = arith.constant 0 : i32
    %dma_wait3A_305 = arith.constant 49 : i32
    %dma_wait3A_306 = arith.constant 1 : i32
    %dma_wait3A_307 = arith.constant 0 : i32
    %dma_wait3A_308 = arith.constant 0 : i32
    %dma_wait3A_309 = tpu.memref_slice %arg13[%dma_wait3A_303, %dma_wait3A_304, %dma_wait3A_307, %dma_wait3A_308] : memref<2x8x128x32xf32, #tpu.memory_space<vmem>> -> memref<1x1x128x32xf32, #tpu.memory_space<vmem>>
    %dma_wait3A_310 = tpu.memref_squeeze %dma_wait3A_309 : memref<1x1x128x32xf32, #tpu.memory_space<vmem>> -> memref<128x32xf32, #tpu.memory_space<vmem>>
    %dma_wait3A_311 = arith.constant 0 : i32
    %dma_wait3A_312 = tpu.memref_slice %arg11[%dma_wait3A_305, %mul3A_2, %dma_wait3A_311] : memref<50x4096x256xf32, #tpu.memory_space<hbm>> -> memref<1x128x32xf32, #tpu.memory_space<hbm>>
    %dma_wait3A_313 = tpu.memref_squeeze %dma_wait3A_312 : memref<1x128x32xf32, #tpu.memory_space<hbm>> -> memref<128x32xf32, #tpu.memory_space<hbm>>
    %dma_wait3A_314 = tpu.memref_slice %arg15[%dma_wait3A_306] : memref<2x!tpu.dma_semaphore, #tpu.memory_space<semaphore_mem>> -> memref<1x!tpu.dma_semaphore, #tpu.memory_space<semaphore_mem>>
    %dma_wait3A_315 = tpu.memref_squeeze %dma_wait3A_314 : memref<1x!tpu.dma_semaphore, #tpu.memory_space<semaphore_mem>> -> memref<!tpu.dma_semaphore, #tpu.memory_space<semaphore_mem>>
    %dma_wait3A_316 = arith.constant 0 : i32
    %dma_wait3A_317 = tpu.memref_slice %arg11[%dma_wait3A_305, %mul3A_2, %dma_wait3A_316] : memref<50x4096x256xf32, #tpu.memory_space<hbm>> -> memref<1x128x32xf32, #tpu.memory_space<hbm>>
    %dma_wait3A_318 = tpu.memref_squeeze %dma_wait3A_317 : memref<1x128x32xf32, #tpu.memory_space<hbm>> -> memref<128x32xf32, #tpu.memory_space<hbm>>
    %dma_wait3A_319 = arith.constant 0 : i32
    %dma_wait3A_320 = arith.constant 0 : i32
    %dma_wait3A_321 = tpu.memref_slice %arg13[%dma_wait3A_303, %dma_wait3A_304, %dma_wait3A_319, %dma_wait3A_320] : memref<2x8x128x32xf32, #tpu.memory_space<vmem>> -> memref<1x1x128x32xf32, #tpu.memory_space<vmem>>
    %dma_wait3A_322 = tpu.memref_squeeze %dma_wait3A_321 : memref<1x1x128x32xf32, #tpu.memory_space<vmem>> -> memref<128x32xf32, #tpu.memory_space<vmem>>
    tpu.wait_dma2 semaphore(%dma_wait3A_315 : memref<!tpu.dma_semaphore, #tpu.memory_space<semaphore_mem>>) src(%dma_wait3A_322 : memref<128x32xf32, #tpu.memory_space<vmem>>) dst(%dma_wait3A_318 : memref<128x32xf32, #tpu.memory_space<hbm>>)
    %dma_wait3A_323 = arith.constant 1 : i32
    %dma_wait3A_324 = arith.constant 1 : i32
    %dma_wait3A_325 = arith.constant 49 : i32
    %dma_wait3A_326 = arith.constant 1 : i32
    %dma_wait3A_327 = arith.constant 0 : i32
    %dma_wait3A_328 = arith.constant 0 : i32
    %dma_wait3A_329 = tpu.memref_slice %arg13[%dma_wait3A_323, %dma_wait3A_324, %dma_wait3A_327, %dma_wait3A_328] : memref<2x8x128x32xf32, #tpu.memory_space<vmem>> -> memref<1x1x128x32xf32, #tpu.memory_space<vmem>>
    %dma_wait3A_330 = tpu.memref_squeeze %dma_wait3A_329 : memref<1x1x128x32xf32, #tpu.memory_space<vmem>> -> memref<128x32xf32, #tpu.memory_space<vmem>>
    %dma_wait3A_331 = arith.constant 32 : i32
    %dma_wait3A_332 = tpu.memref_slice %arg11[%dma_wait3A_325, %mul3A_2, %dma_wait3A_331] : memref<50x4096x256xf32, #tpu.memory_space<hbm>> -> memref<1x128x32xf32, #tpu.memory_space<hbm>>
    %dma_wait3A_333 = tpu.memref_squeeze %dma_wait3A_332 : memref<1x128x32xf32, #tpu.memory_space<hbm>> -> memref<128x32xf32, #tpu.memory_space<hbm>>
    %dma_wait3A_334 = tpu.memref_slice %arg15[%dma_wait3A_326] : memref<2x!tpu.dma_semaphore, #tpu.memory_space<semaphore_mem>> -> memref<1x!tpu.dma_semaphore, #tpu.memory_space<semaphore_mem>>
    %dma_wait3A_335 = tpu.memref_squeeze %dma_wait3A_334 : memref<1x!tpu.dma_semaphore, #tpu.memory_space<semaphore_mem>> -> memref<!tpu.dma_semaphore, #tpu.memory_space<semaphore_mem>>
    %dma_wait3A_336 = arith.constant 32 : i32
    %dma_wait3A_337 = tpu.memref_slice %arg11[%dma_wait3A_325, %mul3A_2, %dma_wait3A_336] : memref<50x4096x256xf32, #tpu.memory_space<hbm>> -> memref<1x128x32xf32, #tpu.memory_space<hbm>>
    %dma_wait3A_338 = tpu.memref_squeeze %dma_wait3A_337 : memref<1x128x32xf32, #tpu.memory_space<hbm>> -> memref<128x32xf32, #tpu.memory_space<hbm>>
    %dma_wait3A_339 = arith.constant 0 : i32
    %dma_wait3A_340 = arith.constant 0 : i32
    %dma_wait3A_341 = tpu.memref_slice %arg13[%dma_wait3A_323, %dma_wait3A_324, %dma_wait3A_339, %dma_wait3A_340] : memref<2x8x128x32xf32, #tpu.memory_space<vmem>> -> memref<1x1x128x32xf32, #tpu.memory_space<vmem>>
    %dma_wait3A_342 = tpu.memref_squeeze %dma_wait3A_341 : memref<1x1x128x32xf32, #tpu.memory_space<vmem>> -> memref<128x32xf32, #tpu.memory_space<vmem>>
    tpu.wait_dma2 semaphore(%dma_wait3A_335 : memref<!tpu.dma_semaphore, #tpu.memory_space<semaphore_mem>>) src(%dma_wait3A_342 : memref<128x32xf32, #tpu.memory_space<vmem>>) dst(%dma_wait3A_338 : memref<128x32xf32, #tpu.memory_space<hbm>>)
    %dma_wait3A_343 = arith.constant 1 : i32
    %dma_wait3A_344 = arith.constant 2 : i32
    %dma_wait3A_345 = arith.constant 49 : i32
    %dma_wait3A_346 = arith.constant 1 : i32
    %dma_wait3A_347 = arith.constant 0 : i32
    %dma_wait3A_348 = arith.constant 0 : i32
    %dma_wait3A_349 = tpu.memref_slice %arg13[%dma_wait3A_343, %dma_wait3A_344, %dma_wait3A_347, %dma_wait3A_348] : memref<2x8x128x32xf32, #tpu.memory_space<vmem>> -> memref<1x1x128x32xf32, #tpu.memory_space<vmem>>
    %dma_wait3A_350 = tpu.memref_squeeze %dma_wait3A_349 : memref<1x1x128x32xf32, #tpu.memory_space<vmem>> -> memref<128x32xf32, #tpu.memory_space<vmem>>
    %dma_wait3A_351 = arith.constant 64 : i32
    %dma_wait3A_352 = tpu.memref_slice %arg11[%dma_wait3A_345, %mul3A_2, %dma_wait3A_351] : memref<50x4096x256xf32, #tpu.memory_space<hbm>> -> memref<1x128x32xf32, #tpu.memory_space<hbm>>
    %dma_wait3A_353 = tpu.memref_squeeze %dma_wait3A_352 : memref<1x128x32xf32, #tpu.memory_space<hbm>> -> memref<128x32xf32, #tpu.memory_space<hbm>>
    %dma_wait3A_354 = tpu.memref_slice %arg15[%dma_wait3A_346] : memref<2x!tpu.dma_semaphore, #tpu.memory_space<semaphore_mem>> -> memref<1x!tpu.dma_semaphore, #tpu.memory_space<semaphore_mem>>
    %dma_wait3A_355 = tpu.memref_squeeze %dma_wait3A_354 : memref<1x!tpu.dma_semaphore, #tpu.memory_space<semaphore_mem>> -> memref<!tpu.dma_semaphore, #tpu.memory_space<semaphore_mem>>
    %dma_wait3A_356 = arith.constant 64 : i32
    %dma_wait3A_357 = tpu.memref_slice %arg11[%dma_wait3A_345, %mul3A_2, %dma_wait3A_356] : memref<50x4096x256xf32, #tpu.memory_space<hbm>> -> memref<1x128x32xf32, #tpu.memory_space<hbm>>
    %dma_wait3A_358 = tpu.memref_squeeze %dma_wait3A_357 : memref<1x128x32xf32, #tpu.memory_space<hbm>> -> memref<128x32xf32, #tpu.memory_space<hbm>>
    %dma_wait3A_359 = arith.constant 0 : i32
    %dma_wait3A_360 = arith.constant 0 : i32
    %dma_wait3A_361 = tpu.memref_slice %arg13[%dma_wait3A_343, %dma_wait3A_344, %dma_wait3A_359, %dma_wait3A_360] : memref<2x8x128x32xf32, #tpu.memory_space<vmem>> -> memref<1x1x128x32xf32, #tpu.memory_space<vmem>>
    %dma_wait3A_362 = tpu.memref_squeeze %dma_wait3A_361 : memref<1x1x128x32xf32, #tpu.memory_space<vmem>> -> memref<128x32xf32, #tpu.memory_space<vmem>>
    tpu.wait_dma2 semaphore(%dma_wait3A_355 : memref<!tpu.dma_semaphore, #tpu.memory_space<semaphore_mem>>) src(%dma_wait3A_362 : memref<128x32xf32, #tpu.memory_space<vmem>>) dst(%dma_wait3A_358 : memref<128x32xf32, #tpu.memory_space<hbm>>)
    %dma_wait3A_363 = arith.constant 1 : i32
    %dma_wait3A_364 = arith.constant 3 : i32
    %dma_wait3A_365 = arith.constant 49 : i32
    %dma_wait3A_366 = arith.constant 1 : i32
    %dma_wait3A_367 = arith.constant 0 : i32
    %dma_wait3A_368 = arith.constant 0 : i32
    %dma_wait3A_369 = tpu.memref_slice %arg13[%dma_wait3A_363, %dma_wait3A_364, %dma_wait3A_367, %dma_wait3A_368] : memref<2x8x128x32xf32, #tpu.memory_space<vmem>> -> memref<1x1x128x32xf32, #tpu.memory_space<vmem>>
    %dma_wait3A_370 = tpu.memref_squeeze %dma_wait3A_369 : memref<1x1x128x32xf32, #tpu.memory_space<vmem>> -> memref<128x32xf32, #tpu.memory_space<vmem>>
    %dma_wait3A_371 = arith.constant 96 : i32
    %dma_wait3A_372 = tpu.memref_slice %arg11[%dma_wait3A_365, %mul3A_2, %dma_wait3A_371] : memref<50x4096x256xf32, #tpu.memory_space<hbm>> -> memref<1x128x32xf32, #tpu.memory_space<hbm>>
    %dma_wait3A_373 = tpu.memref_squeeze %dma_wait3A_372 : memref<1x128x32xf32, #tpu.memory_space<hbm>> -> memref<128x32xf32, #tpu.memory_space<hbm>>
    %dma_wait3A_374 = tpu.memref_slice %arg15[%dma_wait3A_366] : memref<2x!tpu.dma_semaphore, #tpu.memory_space<semaphore_mem>> -> memref<1x!tpu.dma_semaphore, #tpu.memory_space<semaphore_mem>>
    %dma_wait3A_375 = tpu.memref_squeeze %dma_wait3A_374 : memref<1x!tpu.dma_semaphore, #tpu.memory_space<semaphore_mem>> -> memref<!tpu.dma_semaphore, #tpu.memory_space<semaphore_mem>>
    %dma_wait3A_376 = arith.constant 96 : i32
    %dma_wait3A_377 = tpu.memref_slice %arg11[%dma_wait3A_365, %mul3A_2, %dma_wait3A_376] : memref<50x4096x256xf32, #tpu.memory_space<hbm>> -> memref<1x128x32xf32, #tpu.memory_space<hbm>>
    %dma_wait3A_378 = tpu.memref_squeeze %dma_wait3A_377 : memref<1x128x32xf32, #tpu.memory_space<hbm>> -> memref<128x32xf32, #tpu.memory_space<hbm>>
    %dma_wait3A_379 = arith.constant 0 : i32
    %dma_wait3A_380 = arith.constant 0 : i32
    %dma_wait3A_381 = tpu.memref_slice %arg13[%dma_wait3A_363, %dma_wait3A_364, %dma_wait3A_379, %dma_wait3A_380] : memref<2x8x128x32xf32, #tpu.memory_space<vmem>> -> memref<1x1x128x32xf32, #tpu.memory_space<vmem>>
    %dma_wait3A_382 = tpu.memref_squeeze %dma_wait3A_381 : memref<1x1x128x32xf32, #tpu.memory_space<vmem>> -> memref<128x32xf32, #tpu.memory_space<vmem>>
    tpu.wait_dma2 semaphore(%dma_wait3A_375 : memref<!tpu.dma_semaphore, #tpu.memory_space<semaphore_mem>>) src(%dma_wait3A_382 : memref<128x32xf32, #tpu.memory_space<vmem>>) dst(%dma_wait3A_378 : memref<128x32xf32, #tpu.memory_space<hbm>>)
    %dma_wait3A_383 = arith.constant 1 : i32
    %dma_wait3A_384 = arith.constant 4 : i32
    %dma_wait3A_385 = arith.constant 49 : i32
    %dma_wait3A_386 = arith.constant 1 : i32
    %dma_wait3A_387 = arith.constant 0 : i32
    %dma_wait3A_388 = arith.constant 0 : i32
    %dma_wait3A_389 = tpu.memref_slice %arg13[%dma_wait3A_383, %dma_wait3A_384, %dma_wait3A_387, %dma_wait3A_388] : memref<2x8x128x32xf32, #tpu.memory_space<vmem>> -> memref<1x1x128x32xf32, #tpu.memory_space<vmem>>
    %dma_wait3A_390 = tpu.memref_squeeze %dma_wait3A_389 : memref<1x1x128x32xf32, #tpu.memory_space<vmem>> -> memref<128x32xf32, #tpu.memory_space<vmem>>
    %dma_wait3A_391 = arith.constant 128 : i32
    %dma_wait3A_392 = tpu.memref_slice %arg11[%dma_wait3A_385, %mul3A_2, %dma_wait3A_391] : memref<50x4096x256xf32, #tpu.memory_space<hbm>> -> memref<1x128x32xf32, #tpu.memory_space<hbm>>
    %dma_wait3A_393 = tpu.memref_squeeze %dma_wait3A_392 : memref<1x128x32xf32, #tpu.memory_space<hbm>> -> memref<128x32xf32, #tpu.memory_space<hbm>>
    %dma_wait3A_394 = tpu.memref_slice %arg15[%dma_wait3A_386] : memref<2x!tpu.dma_semaphore, #tpu.memory_space<semaphore_mem>> -> memref<1x!tpu.dma_semaphore, #tpu.memory_space<semaphore_mem>>
    %dma_wait3A_395 = tpu.memref_squeeze %dma_wait3A_394 : memref<1x!tpu.dma_semaphore, #tpu.memory_space<semaphore_mem>> -> memref<!tpu.dma_semaphore, #tpu.memory_space<semaphore_mem>>
    %dma_wait3A_396 = arith.constant 128 : i32
    %dma_wait3A_397 = tpu.memref_slice %arg11[%dma_wait3A_385, %mul3A_2, %dma_wait3A_396] : memref<50x4096x256xf32, #tpu.memory_space<hbm>> -> memref<1x128x32xf32, #tpu.memory_space<hbm>>
    %dma_wait3A_398 = tpu.memref_squeeze %dma_wait3A_397 : memref<1x128x32xf32, #tpu.memory_space<hbm>> -> memref<128x32xf32, #tpu.memory_space<hbm>>
    %dma_wait3A_399 = arith.constant 0 : i32
    %dma_wait3A_400 = arith.constant 0 : i32
    %dma_wait3A_401 = tpu.memref_slice %arg13[%dma_wait3A_383, %dma_wait3A_384, %dma_wait3A_399, %dma_wait3A_400] : memref<2x8x128x32xf32, #tpu.memory_space<vmem>> -> memref<1x1x128x32xf32, #tpu.memory_space<vmem>>
    %dma_wait3A_402 = tpu.memref_squeeze %dma_wait3A_401 : memref<1x1x128x32xf32, #tpu.memory_space<vmem>> -> memref<128x32xf32, #tpu.memory_space<vmem>>
    tpu.wait_dma2 semaphore(%dma_wait3A_395 : memref<!tpu.dma_semaphore, #tpu.memory_space<semaphore_mem>>) src(%dma_wait3A_402 : memref<128x32xf32, #tpu.memory_space<vmem>>) dst(%dma_wait3A_398 : memref<128x32xf32, #tpu.memory_space<hbm>>)
    %dma_wait3A_403 = arith.constant 1 : i32
    %dma_wait3A_404 = arith.constant 5 : i32
    %dma_wait3A_405 = arith.constant 49 : i32
    %dma_wait3A_406 = arith.constant 1 : i32
    %dma_wait3A_407 = arith.constant 0 : i32
    %dma_wait3A_408 = arith.constant 0 : i32
    %dma_wait3A_409 = tpu.memref_slice %arg13[%dma_wait3A_403, %dma_wait3A_404, %dma_wait3A_407, %dma_wait3A_408] : memref<2x8x128x32xf32, #tpu.memory_space<vmem>> -> memref<1x1x128x32xf32, #tpu.memory_space<vmem>>
    %dma_wait3A_410 = tpu.memref_squeeze %dma_wait3A_409 : memref<1x1x128x32xf32, #tpu.memory_space<vmem>> -> memref<128x32xf32, #tpu.memory_space<vmem>>
    %dma_wait3A_411 = arith.constant 160 : i32
    %dma_wait3A_412 = tpu.memref_slice %arg11[%dma_wait3A_405, %mul3A_2, %dma_wait3A_411] : memref<50x4096x256xf32, #tpu.memory_space<hbm>> -> memref<1x128x32xf32, #tpu.memory_space<hbm>>
    %dma_wait3A_413 = tpu.memref_squeeze %dma_wait3A_412 : memref<1x128x32xf32, #tpu.memory_space<hbm>> -> memref<128x32xf32, #tpu.memory_space<hbm>>
    %dma_wait3A_414 = tpu.memref_slice %arg15[%dma_wait3A_406] : memref<2x!tpu.dma_semaphore, #tpu.memory_space<semaphore_mem>> -> memref<1x!tpu.dma_semaphore, #tpu.memory_space<semaphore_mem>>
    %dma_wait3A_415 = tpu.memref_squeeze %dma_wait3A_414 : memref<1x!tpu.dma_semaphore, #tpu.memory_space<semaphore_mem>> -> memref<!tpu.dma_semaphore, #tpu.memory_space<semaphore_mem>>
    %dma_wait3A_416 = arith.constant 160 : i32
    %dma_wait3A_417 = tpu.memref_slice %arg11[%dma_wait3A_405, %mul3A_2, %dma_wait3A_416] : memref<50x4096x256xf32, #tpu.memory_space<hbm>> -> memref<1x128x32xf32, #tpu.memory_space<hbm>>
    %dma_wait3A_418 = tpu.memref_squeeze %dma_wait3A_417 : memref<1x128x32xf32, #tpu.memory_space<hbm>> -> memref<128x32xf32, #tpu.memory_space<hbm>>
    %dma_wait3A_419 = arith.constant 0 : i32
    %dma_wait3A_420 = arith.constant 0 : i32
    %dma_wait3A_421 = tpu.memref_slice %arg13[%dma_wait3A_403, %dma_wait3A_404, %dma_wait3A_419, %dma_wait3A_420] : memref<2x8x128x32xf32, #tpu.memory_space<vmem>> -> memref<1x1x128x32xf32, #tpu.memory_space<vmem>>
    %dma_wait3A_422 = tpu.memref_squeeze %dma_wait3A_421 : memref<1x1x128x32xf32, #tpu.memory_space<vmem>> -> memref<128x32xf32, #tpu.memory_space<vmem>>
    tpu.wait_dma2 semaphore(%dma_wait3A_415 : memref<!tpu.dma_semaphore, #tpu.memory_space<semaphore_mem>>) src(%dma_wait3A_422 : memref<128x32xf32, #tpu.memory_space<vmem>>) dst(%dma_wait3A_418 : memref<128x32xf32, #tpu.memory_space<hbm>>)
    %dma_wait3A_423 = arith.constant 1 : i32
    %dma_wait3A_424 = arith.constant 6 : i32
    %dma_wait3A_425 = arith.constant 49 : i32
    %dma_wait3A_426 = arith.constant 1 : i32
    %dma_wait3A_427 = arith.constant 0 : i32
    %dma_wait3A_428 = arith.constant 0 : i32
    %dma_wait3A_429 = tpu.memref_slice %arg13[%dma_wait3A_423, %dma_wait3A_424, %dma_wait3A_427, %dma_wait3A_428] : memref<2x8x128x32xf32, #tpu.memory_space<vmem>> -> memref<1x1x128x32xf32, #tpu.memory_space<vmem>>
    %dma_wait3A_430 = tpu.memref_squeeze %dma_wait3A_429 : memref<1x1x128x32xf32, #tpu.memory_space<vmem>> -> memref<128x32xf32, #tpu.memory_space<vmem>>
    %dma_wait3A_431 = arith.constant 192 : i32
    %dma_wait3A_432 = tpu.memref_slice %arg11[%dma_wait3A_425, %mul3A_2, %dma_wait3A_431] : memref<50x4096x256xf32, #tpu.memory_space<hbm>> -> memref<1x128x32xf32, #tpu.memory_space<hbm>>
    %dma_wait3A_433 = tpu.memref_squeeze %dma_wait3A_432 : memref<1x128x32xf32, #tpu.memory_space<hbm>> -> memref<128x32xf32, #tpu.memory_space<hbm>>
    %dma_wait3A_434 = tpu.memref_slice %arg15[%dma_wait3A_426] : memref<2x!tpu.dma_semaphore, #tpu.memory_space<semaphore_mem>> -> memref<1x!tpu.dma_semaphore, #tpu.memory_space<semaphore_mem>>
    %dma_wait3A_435 = tpu.memref_squeeze %dma_wait3A_434 : memref<1x!tpu.dma_semaphore, #tpu.memory_space<semaphore_mem>> -> memref<!tpu.dma_semaphore, #tpu.memory_space<semaphore_mem>>
    %dma_wait3A_436 = arith.constant 192 : i32
    %dma_wait3A_437 = tpu.memref_slice %arg11[%dma_wait3A_425, %mul3A_2, %dma_wait3A_436] : memref<50x4096x256xf32, #tpu.memory_space<hbm>> -> memref<1x128x32xf32, #tpu.memory_space<hbm>>
    %dma_wait3A_438 = tpu.memref_squeeze %dma_wait3A_437 : memref<1x128x32xf32, #tpu.memory_space<hbm>> -> memref<128x32xf32, #tpu.memory_space<hbm>>
    %dma_wait3A_439 = arith.constant 0 : i32
    %dma_wait3A_440 = arith.constant 0 : i32
    %dma_wait3A_441 = tpu.memref_slice %arg13[%dma_wait3A_423, %dma_wait3A_424, %dma_wait3A_439, %dma_wait3A_440] : memref<2x8x128x32xf32, #tpu.memory_space<vmem>> -> memref<1x1x128x32xf32, #tpu.memory_space<vmem>>
    %dma_wait3A_442 = tpu.memref_squeeze %dma_wait3A_441 : memref<1x1x128x32xf32, #tpu.memory_space<vmem>> -> memref<128x32xf32, #tpu.memory_space<vmem>>
    tpu.wait_dma2 semaphore(%dma_wait3A_435 : memref<!tpu.dma_semaphore, #tpu.memory_space<semaphore_mem>>) src(%dma_wait3A_442 : memref<128x32xf32, #tpu.memory_space<vmem>>) dst(%dma_wait3A_438 : memref<128x32xf32, #tpu.memory_space<hbm>>)
    %dma_wait3A_443 = arith.constant 1 : i32
    %dma_wait3A_444 = arith.constant 7 : i32
    %dma_wait3A_445 = arith.constant 49 : i32
    %dma_wait3A_446 = arith.constant 1 : i32
    %dma_wait3A_447 = arith.constant 0 : i32
    %dma_wait3A_448 = arith.constant 0 : i32
    %dma_wait3A_449 = tpu.memref_slice %arg13[%dma_wait3A_443, %dma_wait3A_444, %dma_wait3A_447, %dma_wait3A_448] : memref<2x8x128x32xf32, #tpu.memory_space<vmem>> -> memref<1x1x128x32xf32, #tpu.memory_space<vmem>>
    %dma_wait3A_450 = tpu.memref_squeeze %dma_wait3A_449 : memref<1x1x128x32xf32, #tpu.memory_space<vmem>> -> memref<128x32xf32, #tpu.memory_space<vmem>>
    %dma_wait3A_451 = arith.constant 224 : i32
    %dma_wait3A_452 = tpu.memref_slice %arg11[%dma_wait3A_445, %mul3A_2, %dma_wait3A_451] : memref<50x4096x256xf32, #tpu.memory_space<hbm>> -> memref<1x128x32xf32, #tpu.memory_space<hbm>>
    %dma_wait3A_453 = tpu.memref_squeeze %dma_wait3A_452 : memref<1x128x32xf32, #tpu.memory_space<hbm>> -> memref<128x32xf32, #tpu.memory_space<hbm>>
    %dma_wait3A_454 = tpu.memref_slice %arg15[%dma_wait3A_446] : memref<2x!tpu.dma_semaphore, #tpu.memory_space<semaphore_mem>> -> memref<1x!tpu.dma_semaphore, #tpu.memory_space<semaphore_mem>>
    %dma_wait3A_455 = tpu.memref_squeeze %dma_wait3A_454 : memref<1x!tpu.dma_semaphore, #tpu.memory_space<semaphore_mem>> -> memref<!tpu.dma_semaphore, #tpu.memory_space<semaphore_mem>>
    %dma_wait3A_456 = arith.constant 224 : i32
    %dma_wait3A_457 = tpu.memref_slice %arg11[%dma_wait3A_445, %mul3A_2, %dma_wait3A_456] : memref<50x4096x256xf32, #tpu.memory_space<hbm>> -> memref<1x128x32xf32, #tpu.memory_space<hbm>>
    %dma_wait3A_458 = tpu.memref_squeeze %dma_wait3A_457 : memref<1x128x32xf32, #tpu.memory_space<hbm>> -> memref<128x32xf32, #tpu.memory_space<hbm>>
    %dma_wait3A_459 = arith.constant 0 : i32
    %dma_wait3A_460 = arith.constant 0 : i32
    %dma_wait3A_461 = tpu.memref_slice %arg13[%dma_wait3A_443, %dma_wait3A_444, %dma_wait3A_459, %dma_wait3A_460] : memref<2x8x128x32xf32, #tpu.memory_space<vmem>> -> memref<1x1x128x32xf32, #tpu.memory_space<vmem>>
    %dma_wait3A_462 = tpu.memref_squeeze %dma_wait3A_461 : memref<1x1x128x32xf32, #tpu.memory_space<vmem>> -> memref<128x32xf32, #tpu.memory_space<vmem>>
    tpu.wait_dma2 semaphore(%dma_wait3A_455 : memref<!tpu.dma_semaphore, #tpu.memory_space<semaphore_mem>>) src(%dma_wait3A_462 : memref<128x32xf32, #tpu.memory_space<vmem>>) dst(%dma_wait3A_458 : memref<128x32xf32, #tpu.memory_space<hbm>>)
    return
  }
}

</mosaic_0001>

<sc_bundles>
// kernel: kernel.3.cloned.1.call-start
scs
__scs_entry_jumppad:
0x0: {  	(pc) =	sbr.rel $0x88, $3  }
0x1: {  	(tag) =	ssettag $0x0;
	lr =	simm.s32 $0x1  }
0x2: {  	[smem:$0x3F98] =	sst lr;
	_ =	strace $0xD0000000  }
0x3: {  	_ = 	snop  }
0x4: {  	_ = 	snop  }
0x5: {  	_ = 	snop  }
0x6: {  	_ = 	snop  }
0x7: {  	_ = 	snop  }
__scs_overlays_trampoline_lowered:
0x8: {  	[smem:$0x3FA7] =	sst s0  }
0x9: {  	[smem:$0x3FA8] =	sst s1  }
0xa: {  	[smem:$0x3FA9] =	sst s2  }
0xb: {  	[smem:$0x3FAA] =	sst s3  }
0xc: {  	[smem:$0x3FAB] =	sst s4  }
0xd: {  	[smem:$0x3FAC] =	sst s5  }
0xe: {  	[smem:$0x3FAD] =	sst s6  }
0xf: {  	[smem:$0x3FAE] =	sst s7  }
0x10: {  	[smem:$0x3FAF] =	sst s8  }
0x11: {  	[smem:$0x3FB0] =	sst s9;
	s0 =	simm.s32 @!p0 $0x0  }
0x12: {  	s1 =	sld [smem:$0x3F96];
	s0 =	simm.s32 @p0 $0x1  }
0x13: {  	[smem:$0x3FB1] =	sst s0;
	s0 =	simm.s32 @!p1 $0x0  }
0x14: {  	s2 =	sld [smem:$0x3F95];
	s0 =	simm.s32 @p1 $0x1  }
0x15: {  	[smem:$0x3FB2] =	sst s0;
	s0 =	simm.s32 @!p2 $0x0  }
0x16: {  	s3 =	sld [smem:$0x3FDB];
	s0 =	simm.s32 @p2 $0x1  }
0x17: {  	s4 =	simm.s32 $0x1BF5;
	[smem:$0x3FB4] =	sst s0  }
0x18: {  	s0 =	sld [smem:$0x3F97];
	_ =	swait.ge [sflag:s4], $0x0  }
0x19: {  	s7 =	sld [smem:$0x3F98]  }
0x1a: {  	s8 =	sadd.s32 $0xFFFFE003, lr  }
0x1b: {  	s9 =	sadd.s32 $0xFFFFFEF7, lr;
	s5 =	simm.s32 $0xFFFFFFFF;
	p2 =	slt.u32 s8, $0xFFFFF086  }
0x1c: {  	p1 =	slt.u32 s9, $0xF7A;
	s5 =	simm.s32 @!p2 $0x0  }
0x1d: {  	s5 =	simm.s32 @p1 $0x1;
	p0 =	seq.s32 s7, s2  }
0x1e: {  	s7 =	smul.u32 @!p0 $0xF7A, s2;
	p2 =	seq.s32 @!p0 s5, $0x0  }
0x1f: {  	s9 =	smul.u32 $0xF7A, s1;
	s8 =	simm.s32 @!p0 $0x1BF5;
	p2 =	por !p2, p0  }
0x20: {  	[sflag:s8] =	ssyncset.s32 @!p0 $0xFFFFF086;
	s6 =	sadd.s32 @!p0 s3, s7;
	s7 =	simm.s32 @!p0 $0x108  }
0x21: {  	s3 =	sadd.s32 s3, s9;
	s6 =	sadd.s32 @!p0 $0x88, s6;
	s7 =	simm.s32 @p2 $0x1082  }
0x22: {  	[simem:s7], [sflag:s8] =	dma.local @!p0 [hbm:s6], $0xF7A  }
0x23: {  	s9 =	sor.u32 $0xD0000000, s2;
	s6 =	simm.s32 $0x108;
	_ =	swait.ge @!p0 [sflag:s8], $0x0  }
0x24: {  	s3 =	sadd.s32 $0x88, s3;
	s6 =	simm.s32 @!p1 $0x1082;
	[sflag:s4] =	ssyncset.s32 $0xFFFFF086  }
0x25: {  	[simem:s6], [sflag:s4] =	dma.local [hbm:s3], $0xF7A  }
0x26: {  	[smem:$0x3F98] =	sst s1;
	(tag) =	ssettag s2;
	_ =	strace s9  }
0x27: {  	s1 =	sld [smem:$0x3FA8]  }
0x28: {  	s2 =	sld [smem:$0x3FA9]  }
0x29: {  	s4 =	sld [smem:$0x3FAB]  }
0x2a: {  	p0 =	seq.s32 s5, $0x0;
	s5 =	sld [smem:$0x3FAC]  }
0x2b: {  	s6 =	sld [smem:$0x3FAD]  }
0x2c: {  	s7 =	sld [smem:$0x3FAE]  }
0x2d: {  	s3 =	simm.s32 $0x108;
	s8 =	sld [smem:$0x3FAF]  }
0x2e: {  	s3 =	simm.s32 @!p0 $0x1082;
	s9 =	sld [smem:$0x3FB0]  }
0x2f: {  	lr =	sadd.s32 s0, s3;
	s0 =	sld [smem:$0x3FA7]  }
0x30: {  	s3 =	sld [smem:$0x3FAA]  }
0x31: {  	[smem:$0x3FB3] =	sst s10  }
0x32: {  	s10 =	sld [smem:$0x3FB1];
	_ =	sdelay $0x3  }
0x33: {  	p0 =	seq.s32 s10, $0x1;
	s10 =	sld [smem:$0x3FB3];
	_ =	sdelay $0x3  }
0x34: {  	[smem:$0x3FB3] =	sst s10  }
0x35: {  	s10 =	sld [smem:$0x3FB2];
	_ =	sdelay $0x3  }
0x36: {  	p1 =	seq.s32 s10, $0x1;
	s10 =	sld [smem:$0x3FB3];
	_ =	sdelay $0x3  }
0x37: {  	[smem:$0x3FB3] =	sst s10  }
0x38: {  	s10 =	sld [smem:$0x3FB4]  }
0x39: {  	_ = 	snop;
	(pc) =	sbr.ind lr, $3  }
0x3a: {  	_ = 	snop  }
0x3b: {  	_ = 	snop  }
0x3c: {  	p2 =	seq.s32 s10, $0x1;
	s10 =	sld [smem:$0x3FB3]  }
0x3d: {  	_ =	shalt  }
0x3e: {  	_ =	shalt  }
0x3f: {  	_ =	shalt  }
0x40: {  	_ =	shalt  }
0x41: {  	_ =	shalt  }
0x42: {  	_ =	shalt  }
0x43: {  	_ =	shalt  }
0x44: {  	_ =	shalt  }
0x45: {  	_ =	shalt  }
0x46: {  	_ =	shalt  }
0x47: {  	_ =	shalt  }
0x48: {  	_ =	shalt  }
0x49: {  	_ =	shalt  }
0x4a: {  	_ =	shalt  }
0x4b: {  	_ =	shalt  }
0x4c: {  	_ =	shalt  }
0x4d: {  	_ =	shalt  }
0x4e: {  	_ =	shalt  }
0x4f: {  	_ =	shalt  }
0x50: {  	_ =	shalt  }
0x51: {  	_ =	shalt  }
0x52: {  	_ =	shalt  }
0x53: {  	_ =	shalt  }
0x54: {  	_ =	shalt  }
0x55: {  	_ =	shalt  }
0x56: {  	_ =	shalt  }
0x57: {  	_ =	shalt  }
0x58: {  	_ =	shalt  }
0x59: {  	_ =	shalt  }
0x5a: {  	_ =	shalt  }
0x5b: {  	_ =	shalt  }
0x5c: {  	_ =	shalt  }
0x5d: {  	_ =	shalt  }
0x5e: {  	_ =	shalt  }
0x5f: {  	_ =	shalt  }
0x60: {  	_ =	shalt  }
0x61: {  	_ =	shalt  }
0x62: {  	_ =	shalt  }
0x63: {  	_ =	shalt  }
0x64: {  	_ =	shalt  }
0x65: {  	_ =	shalt  }
0x66: {  	_ =	shalt  }
0x67: {  	_ =	shalt  }
0x68: {  	_ =	shalt  }
0x69: {  	_ =	shalt  }
0x6a: {  	_ =	shalt  }
0x6b: {  	_ =	shalt  }
0x6c: {  	_ =	shalt  }
0x6d: {  	_ =	shalt  }
0x6e: {  	_ =	shalt  }
0x6f: {  	_ =	shalt  }
0x70: {  	_ =	shalt  }
0x71: {  	_ =	shalt  }
0x72: {  	_ =	shalt  }
0x73: {  	_ =	shalt  }
0x74: {  	_ =	shalt  }
0x75: {  	_ =	shalt  }
0x76: {  	_ =	shalt  }
0x77: {  	_ =	shalt  }
0x78: {  	_ =	shalt  }
0x79: {  	_ =	shalt  }
0x7a: {  	_ =	shalt  }
0x7b: {  	_ =	shalt  }
0x7c: {  	_ =	shalt  }
0x7d: {  	_ =	shalt  }
0x7e: {  	_ =	shalt  }
0x7f: {  	_ =	shalt  }
0x80: {  	_ =	shalt  }
0x81: {  	_ =	shalt  }
0x82: {  	_ =	shalt  }
0x83: {  	_ =	shalt  }
0x84: {  	_ =	shalt  }
0x85: {  	_ =	shalt  }
0x86: {  	_ =	shalt  }
0x87: {  	_ =	shalt  }
.Lfunc_end0:
.L_simem_size_0:
called_computation_lowered:
.L_overlay_start_0:
0x88: {  	s2 =	sld [smem:$0x3FD9]  }
0x89: {  	s3 =	sld [smem:$0x3FFE];
	_ =	sdelay $0x1  }
0x8a: {  	s1 =	srdreg.scid  }
0x8b: {  	s0 =	sand.u32 $0x1, s1  }
0x8c: {  	s17 =	sshll.u32 s0, $0xA;
	s2 =	sadd.s32 s3, s2  }
0x8d: {  	s2 =	sadd.s32 s2, s17  }
0x8e: {  	[smem:$0x3FBF] =	sst s2  }
0x8f: {  	_ = 	snop  }
0x90: {  	s2 =	sld [smem:$0x3FC9];
	(tm) =	ssettm $0x1  }
0x91: {  	s18 =	sld [smem:$0x3FFB];
	_ =	sdelay $0x3  }
0x92: {  	_ =	strace s18  }
0x93: {  	s3 =	sld [smem:$0x3FFC];
	_ =	sdelay $0x3  }
0x94: {  	_ =	strace s3  }
0x95: {  	s3 =	sld [smem:$0x3FFD];
	_ =	sdelay $0x3  }
0x96: {  	_ =	strace s3  }
0x97: {  	_ =	strace $0x8FFFFFFF  }
0x98: {  	s19 =	sld [smem:$0x3FDB];
	_ =	sdelay $0x1  }
0x99: {  	s4 =	simm.s32 $_scs_section_size  }
0x9a: {  	s5 =	simm.s32 $_size__tile_overlayer_lowered;
	s6 =	simm.s32 $_tile_overlayer_lowered  }
0x9b: {  	s22 =	simm.s32 $0x1BFF;
	s21 =	sshll.u32 s6, $0x1;
	s3 =	sadd.s32 s4, s19  }
0x9c: {  	s7 =	simm.s32 $0x0;
	s20 =	sshll.u32 s5, $0x1;
	s5 =	sadd.s32 s21, s3  }
0x9d: {  	[timem:s7], [sflag:s22] =	dma.local [hbm:s5], s20  }
0x9e: {  	_ =	swait.ge [sflag:s22], s20  }
0x9f: {  	s4 =	ssub.s32 $0x0, s20;
	[sflag:s22] =	ssyncset.done $0x0  }
0xa0: {  	[sflag:s22] =	ssyncadd.s32 s4;
	_ =	sdelay $0x1  }
0xa1: {  	s23 =	simm.s32 $0x1B8B  }
0xa2: {  	_ =	swait.ge [sflag:s23], $0x1  }
0xa3: {  	[sflag:s23] =	ssyncset.done $0x0  }
0xa4: {  	s25 =	simm.s32 $0x1B8E;
	s24 =	sld [smem:$0x3FFE];
	[sflag:s23] =	ssyncadd.s32 $0xFFFFFFFF  }
0xa5: {  	s26 =	simm.s32 $execute0_lowered;
	[smem:$0x3FD2] =	sst s25  }
0xa6: {  	s5 =	sshll.u32 s26, $0x1;
	_ =	strace $0x80000046;
	[dreg:$0x1] =	wrdreg $0xFFFFFFFF  }
0xa7: {  	s28 =	simm.s32 $_size_execute0_lowered;
	s3 =	sadd.s32 s3, s5;
	[dreg:$0x0] =	wrdreg $0x0  }
0xa8: {  	s5 =	sshll.u32 s28, $0x1;
	[dreg:$0x2] =	wrdreg s3  }
0xa9: {  	[dreg:$0x3] =	wrdreg s5  }
0xaa: {  	[dreg:$0x4] =	wrdreg $0xC0  }
0xab: {  	_ =	task [dreg:s7], $0x5FFFF  }
0xac: {  	[dreg:$0x1] =	wrdreg $0xFFFFFFFF  }
0xad: {  	[dreg:$0x0] =	wrdreg $0x60  }
0xae: {  	[dreg:$0x2] =	wrdreg s2  }
0xaf: {  	[dreg:$0x3] =	wrdreg s24  }
0xb0: {  	[dreg:$0x4] =	wrdreg $0x9  }
0xb1: {  	_ =	task.clear_ibuf [dreg:s7], $0x5FFFF;
	_ =	strace $0x90000046  }
0xb2: {  	s29 =	simm.s32 $0x9;
	_ =	strace $0x80000048  }
0xb3: {  	_ =	swait.ge [sflag:s29], $0x1  }
0xb4: {  	[sflag:s29] =	ssyncadd.s32 $0xFFFFFFFF  }
0xb5: {  	_ =	strace $0x90000048  }
0xb6: {  	_ =	sfence  }
0xb7: {  	s30 =	sld [smem:$0x0];
	_ =	sdelay $0x2  }
0xb8: {  	s31 =	sshll.u32 s1, $0xD;
	s1 =	sshrl.u32 s1, $0x2  }
0xb9: {  	s3 =	sand.u32 $0x4000, s31;
	s1 =	sadd.s32 s1, s30  }
0xba: {  	s0 =	sor.u32 s3, s0;
	s1 =	sshll.u32 s1, $0x11  }
0xbb: {  	s0 =	sor.u32 s1, s0  }
0xbc: {  	s0 =	sadd.s32 $0x8F2B, s0  }
0xbd: {  	[sflag:s0] =	ssyncadd.remote.s32 $0x1  }
0xbe: {  	_ =	sfence.sel $0xFFFF  }
0xbf: {  	[dreg:$0x0] =	wrdreg $0xFFFFFFFF;
	(pc) =	sbr.abs _section_cstart, $3  }
0xc0: {  	[dreg:$0x1] =	wrdreg $0xFFFFFFFF  }
0xc1: {  	_ =	task.clear_ibuf [dreg:s7], $0x2FFFF;
	_ =	strace $0x9FFFFFFF  }
0xc2: {  	(tm) =	ssettm $0x7FFFFFFF  }
0xc3: {  	_ =	shalt  }
tec
execute0_lowered:
.L_overlay_start_1:
0x0: {  	(tag) =	ssettag $0x1  }
0x1: {  	s14 =	rddreg [dreg:$0x0]  }
0x2: {  	s0 =	rddreg [dreg:$0x1]  }
0x3: {  	s1 =	simm.s32 $0x0;
	s18 =	srdreg.scid;
	s15 =	stileid.u32  }
0x4: {  	s16 =	simm.s32 $0x5;
	s24 =	simm.s32 $0x480;
	s25 =	simm.s32 $0x500  }
0x5: {  	s26 =	simm.s32 $0x580;
	s28 =	simm.s32 $0x600;
	s29 =	simm.s32 $0x680  }
0x6: {  	s30 =	simm.s32 $0x700;
	s31 =	simm.s32 $0x780;
	[smem:$0x7FF] =	sst s1  }
0x7: {  	s3 =	sadd.s32 $0x6400, s0;
	s4 =	sadd.s32 $0x68000, s0;
	s5 =	sadd.s32 $0xC9C00, s0  }
0x8: {  	s17 =	simm.s32 $0x80;
	s6 =	sadd.s32 $0x12B800, s0;
	s8 =	sadd.s32 $0x18D400, s0  }
0x9: {  	s9 =	sadd.s32 $0x1EF000, s0;
	_ =	strace $0x80000047;
	[dreg:$0x5] =	wrdreg s24  }
0xa: {  	s10 =	sadd.s32 $0x250E00, s0;
	s1 =	sand.u32 $0x1, s18;
	[dreg:$0x6] =	wrdreg s25  }
0xb: {  	s7 =	sshll.u32 s15, $0x8;
	s11 =	sadd.s32 $0x2B2C00, s0;
	[dreg:$0x7] =	wrdreg s26  }
0xc: {  	s0 =	sadd.s32 $0x314A00, s0;
	s19 =	sshll.u32 s15, $0x10;
	[dreg:$0x8] =	wrdreg s28  }
0xd: {  	s21 =	sshll.u32 s15, $0xB;
	s15 =	simm.s32 $0x1;
	[dreg:$0x9] =	wrdreg s29  }
0xe: {  	s2 =	ssub.s32 $0x2, s1;
	s12 =	sshll.u32 s1, $0x7;
	[dreg:$0xa] =	wrdreg s30  }
0xf: {  	s20 =	sshll.u32 s1, $0xF;
	s1 =	sshll.u32 s1, $0xA;
	[dreg:$0xb] =	wrdreg s31  }
0x10: {  	s13 =	sshrl.u32 s2, $0x1;
	s7 =	sor.u32 s12, s7;
	s1 =	sor.u32 s1, s21  }
0x11: {  	s2 =	ssub.s32 s2, s13;
	s7 =	sadd.s32 s14, s7;
	s12 =	sor.u32 $0x8000, s1  }
0x12: {  	s1 =	sor.u32 $0x10000, s1;
	[dreg:$0xc] =	wrdreg s7;
	s2 =	smax.u32 s2, $0x1  }
0x13: {  	s22 =	sshrl.u32 s12, $0x3;
	[dreg:$0xe] =	wrdreg s1;
	s1 =	simm.s32 $0x20  }
0x14: {  	s12 =	simm.s32 $0x0;
	[dreg:$0xd] =	wrdreg s2;
	s2 =	sor.u32 s20, s19  }
0x15: {  	s23 =	sadd.s32 s22, s14;
	s7 =	sshrl.u32 s2, $0x3;
	s2 =	sor.u32 $0x100000, s2  }
0x16: {  	[dreg:$0xf] =	wrdreg s23;
	s7 =	sadd.s32 s7, s0;
	s2 =	sshrl.u32 s2, $0x3  }
0x17: {  	s20 =	simm.s32 $0x100;
	[dreg:$0x3] =	wrdreg s7;
	s0 =	sadd.s32 s2, s0  }
0x18: {  	s14 =	simm.s32 $0xF800;
	s2 =	simm.s32 $0x2;
	[dreg:$0x4] =	wrdreg s0  }
.LBB2_1:
0x19: {  	[dreg:$0x10] =	wrdreg s12  }
0x1a: {  	s0 =	simm.s32 $0x0;
	s7 =	rddreg [dreg:$0xc]  }
0x1b: {  	[tilespmem:s0], [sflag:$0x5] =	stream.linear.gather [hbm4b:s7+s0], $0x400, $0x38;
	[tilespmem:$0x10800] =	vst v63  }
0x1c: {  	_ =	swait.ge [sflag:s16], $0x400  }
0x1d: {  	[sflag:s16] =	ssyncset.done $0x0  }
0x1e: {  	s7 =	simm.s32 $0x800;
	[sflag:s16] =	ssyncadd.s32 $0xFFFFFC00  }
0x1f: {  	[tilespmem:s7], [sflag:$0x1] =	stream.indirect.gather [hbm4b:s3+s17], $0x20, s0, s17, $0xb8;
	[tilespmem:$0x10800] =	vst v63  }
0x20: {  	s21 =	simm.s32 $0x1800  }
0x21: {  	[tilespmem:s21], [sflag:$0x1] =	stream.indirect.gather [hbm4b:s4+s17], $0x20, s17, s17, $0xb8;
	[tilespmem:$0x10800] =	vst v63  }
0x22: {  	s23 =	simm.s32 $0x2800  }
0x23: {  	[tilespmem:s23], [sflag:$0x1] =	stream.indirect.gather [hbm4b:s5+s17], $0x20, s20, s17, $0xb8;
	[tilespmem:$0x10800] =	vst v63  }
0x24: {  	s18 =	simm.s32 $0x180;
	s25 =	simm.s32 $0x3800  }
0x25: {  	[tilespmem:s25], [sflag:$0x1] =	stream.indirect.gather [hbm4b:s6+s17], $0x20, s18, s17, $0xb8;
	[tilespmem:$0x10800] =	vst v63  }
0x26: {  	s13 =	simm.s32 $0x200;
	s28 =	simm.s32 $0x4800  }
0x27: {  	[tilespmem:s28], [sflag:$0x1] =	stream.indirect.gather [hbm4b:s8+s17], $0x20, s13, s17, $0xb8;
	[tilespmem:$0x10800] =	vst v63  }
0x28: {  	s19 =	simm.s32 $0x280;
	s30 =	simm.s32 $0x5800;
	p0 =	por $0x1, $0x1  }
0x29: {  	[tilespmem:s30], [sflag:$0x1] =	stream.indirect.gather [hbm4b:s9+s17], $0x20, s19, s17, $0xb8;
	[tilespmem:$0x10800] =	vst v63  }
0x2a: {  	s22 =	simm.s32 $0x300;
	s24 =	simm.s32 $0x6800;
	p0 =	por p0, p0  }
0x2b: {  	[tilespmem:s24], [sflag:$0x1] =	stream.indirect.gather [hbm4b:s10+s17], $0x20, s22, s17, $0xb8;
	[tilespmem:$0x10800] =	vst v63  }
0x2c: {  	s26 =	simm.s32 $0x380;
	s29 =	simm.s32 $0x7800;
	s18 =	simm.s32 @!p0 $0x4  }
0x2d: {  	[tilespmem:s29], [sflag:$0x1] =	stream.indirect.gather [hbm4b:s11+s17], $0x20, s26, s17, $0xb8;
	[tilespmem:$0x10800] =	vst v63  }
0x2e: {  	_ =	swait.ge @!p0 [sflag:s18], $0x1000  }
0x2f: {  	[sflag:s18] =	ssyncset.done @!p0 $0x0  }
0x30: {  	[sflag:s18] =	ssyncadd.s32 @!p0 $0xFFFFF000  }
0x31: {  	_ =	swait.ge @!p0 [sflag:s18], $0x1000  }
0x32: {  	[sflag:s18] =	ssyncset.done @!p0 $0x0  }
0x33: {  	[sflag:s18] =	ssyncadd.s32 @!p0 $0xFFFFF000  }
0x34: {  	_ =	swait.ge @!p0 [sflag:s18], $0x1000  }
0x35: {  	[sflag:s18] =	ssyncset.done @!p0 $0x0  }
0x36: {  	[sflag:s18] =	ssyncadd.s32 @!p0 $0xFFFFF000  }
0x37: {  	_ =	swait.ge @!p0 [sflag:s18], $0x1000  }
0x38: {  	[sflag:s18] =	ssyncset.done @!p0 $0x0  }
0x39: {  	[sflag:s18] =	ssyncadd.s32 @!p0 $0xFFFFF000  }
0x3a: {  	_ =	swait.ge @!p0 [sflag:s18], $0x1000  }
0x3b: {  	[sflag:s18] =	ssyncset.done @!p0 $0x0  }
0x3c: {  	[sflag:s18] =	ssyncadd.s32 @!p0 $0xFFFFF000  }
0x3d: {  	_ =	swait.ge @!p0 [sflag:s18], $0x1000  }
0x3e: {  	[sflag:s18] =	ssyncset.done @!p0 $0x0  }
0x3f: {  	[sflag:s18] =	ssyncadd.s32 @!p0 $0xFFFFF000  }
0x40: {  	_ =	swait.ge @!p0 [sflag:s18], $0x1000  }
0x41: {  	[sflag:s18] =	ssyncset.done @!p0 $0x0  }
0x42: {  	[sflag:s18] =	ssyncadd.s32 @!p0 $0xFFFFF000  }
0x43: {  	_ =	swait.ge @!p0 [sflag:s18], $0x1000  }
0x44: {  	[sflag:s18] =	ssyncset.done @!p0 $0x0  }
0x45: {  	s19 =	simm.s32 $0x400;
	s22 =	rddreg [dreg:$0xf];
	[sflag:s18] =	ssyncadd.s32 @!p0 $0xFFFFF000  }
0x46: {  	[tilespmem:s19], [sflag:$0x5] =	stream.linear.gather [hbm4b:s22+s0], $0x400, $0x38;
	[tilespmem:$0x10800] =	vst v63  }
0x47: {  	_ =	swait.ge [sflag:s16], $0x400  }
0x48: {  	[sflag:s16] =	ssyncset.done $0x0  }
0x49: {  	s24 =	simm.s32 $0x8800;
	[sflag:s16] =	ssyncadd.s32 $0xFFFFFC00  }
0x4a: {  	[tilespmem:s24], [sflag:$0x2] =	stream.indirect.gather [hbm4b:s3+s17], $0x20, s19, s17, $0xb8;
	[tilespmem:$0x10800] =	vst v63  }
0x4b: {  	s26 =	simm.s32 $0x9800;
	s31 =	rddreg [dreg:$0x5]  }
0x4c: {  	[tilespmem:s26], [sflag:$0x2] =	stream.indirect.gather [hbm4b:s4+s17], $0x20, s31, s17, $0xb8;
	[tilespmem:$0x10800] =	vst v63  }
0x4d: {  	s29 =	simm.s32 $0xA800;
	s0 =	rddreg [dreg:$0x6]  }
0x4e: {  	[tilespmem:s29], [sflag:$0x2] =	stream.indirect.gather [hbm4b:s5+s17], $0x20, s0, s17, $0xb8;
	[tilespmem:$0x10800] =	vst v63  }
0x4f: {  	s12 =	rddreg [dreg:$0x7];
	s31 =	simm.s32 $0xB800  }
0x50: {  	[tilespmem:s31], [sflag:$0x2] =	stream.indirect.gather [hbm4b:s6+s17], $0x20, s12, s17, $0xb8;
	[tilespmem:$0x10800] =	vst v63  }
0x51: {  	s13 =	rddreg [dreg:$0x8];
	s12 =	simm.s32 $0xC800  }
0x52: {  	[tilespmem:s12], [sflag:$0x2] =	stream.indirect.gather [hbm4b:s8+s17], $0x20, s13, s17, $0xb8;
	[tilespmem:$0x10800] =	vst v63  }
0x53: {  	s0 =	rddreg [dreg:$0x9];
	s13 =	simm.s32 $0xD800  }
0x54: {  	[tilespmem:s13], [sflag:$0x2] =	stream.indirect.gather [hbm4b:s9+s17], $0x20, s0, s17, $0xb8;
	[tilespmem:$0x10800] =	vst v63  }
0x55: {  	s19 =	rddreg [dreg:$0xa];
	s0 =	simm.s32 $0xE800  }
0x56: {  	[tilespmem:s0], [sflag:$0x2] =	stream.indirect.gather [hbm4b:s10+s17], $0x20, s19, s17, $0xb8;
	[tilespmem:$0x10800] =	vst v63  }
0x57: {  	s18 =	rddreg [dreg:$0xb]  }
0x58: {  	[tilespmem:s14], [sflag:$0x2] =	stream.indirect.gather [hbm4b:s11+s17], $0x20, s18, s17, $0xb8;
	[tilespmem:$0x10800] =	vst v63  }
0x59: {  	_ =	swait.ge [sflag:s15], $0x1000  }
0x5a: {  	[sflag:s15] =	ssyncset.done $0x0  }
0x5b: {  	[sflag:s15] =	ssyncadd.s32 $0xFFFFF000  }
0x5c: {  	_ =	swait.ge [sflag:s15], $0x1000  }
0x5d: {  	[sflag:s15] =	ssyncset.done $0x0  }
0x5e: {  	[sflag:s15] =	ssyncadd.s32 $0xFFFFF000  }
0x5f: {  	_ =	swait.ge [sflag:s15], $0x1000  }
0x60: {  	[sflag:s15] =	ssyncset.done $0x0  }
0x61: {  	[sflag:s15] =	ssyncadd.s32 $0xFFFFF000  }
0x62: {  	_ =	swait.ge [sflag:s15], $0x1000  }
0x63: {  	[sflag:s15] =	ssyncset.done $0x0  }
0x64: {  	[sflag:s15] =	ssyncadd.s32 $0xFFFFF000  }
0x65: {  	_ =	swait.ge [sflag:s15], $0x1000  }
0x66: {  	[sflag:s15] =	ssyncset.done $0x0  }
0x67: {  	[sflag:s15] =	ssyncadd.s32 $0xFFFFF000  }
0x68: {  	_ =	swait.ge [sflag:s15], $0x1000  }
0x69: {  	[sflag:s15] =	ssyncset.done $0x0  }
0x6a: {  	[sflag:s15] =	ssyncadd.s32 $0xFFFFF000  }
0x6b: {  	_ =	swait.ge [sflag:s15], $0x1000  }
0x6c: {  	[sflag:s15] =	ssyncset.done $0x0  }
0x6d: {  	[sflag:s15] =	ssyncadd.s32 $0xFFFFF000  }
0x6e: {  	_ =	swait.ge [sflag:s15], $0x1000  }
0x6f: {  	s0 =	rddreg [dreg:$0x3];
	[sflag:s15] =	ssyncset.done $0x0  }
0x70: {  	[sflag:s15] =	ssyncadd.s32 $0xFFFFF000;
	s18 =	sadd.s32 $0x0, s0  }
0x71: {  	[hbm4b:s18+s1] =	stream.strided.scatter [tilespmem:s7], [sflag:$0x3], $0x1000, s20, s1, $0x38;
	[tilespmem:$0x10800] =	vst v63  }
0x72: {  	s7 =	sadd.s32 $0x4, s18  }
0x73: {  	[hbm4b:s7+s1] =	stream.strided.scatter [tilespmem:s21], [sflag:$0x3], $0x1000, s20, s1, $0x38;
	[tilespmem:$0x10800] =	vst v63  }
0x74: {  	s14 =	sadd.s32 $0x8, s18  }
0x75: {  	[hbm4b:s14+s1] =	stream.strided.scatter [tilespmem:s23], [sflag:$0x3], $0x1000, s20, s1, $0x38;
	[tilespmem:$0x10800] =	vst v63  }
0x76: {  	s21 =	sadd.s32 $0xC, s18  }
0x77: {  	[hbm4b:s21+s1] =	stream.strided.scatter [tilespmem:s25], [sflag:$0x3], $0x1000, s20, s1, $0x38;
	[tilespmem:$0x10800] =	vst v63  }
0x78: {  	s23 =	sadd.s32 $0x10, s18  }
0x79: {  	[hbm4b:s23+s1] =	stream.strided.scatter [tilespmem:s28], [sflag:$0x3], $0x1000, s20, s1, $0x38;
	[tilespmem:$0x10800] =	vst v63  }
0x7a: {  	s25 =	sadd.s32 $0x14, s18  }
0x7b: {  	[hbm4b:s25+s1] =	stream.strided.scatter [tilespmem:s30], [sflag:$0x3], $0x1000, s20, s1, $0x38;
	[tilespmem:$0x10800] =	vst v63  }
0x7c: {  	s0 =	sadd.s32 $0x18, s18;
	s7 =	simm.s32 $0x6800  }
0x7d: {  	[hbm4b:s0+s1] =	stream.strided.scatter [tilespmem:s7], [sflag:$0x3], $0x1000, s20, s1, $0x38;
	[tilespmem:$0x10800] =	vst v63  }
0x7e: {  	p0 =	por $0x0, $0x0;
	s14 =	simm.s32 $0x7800;
	s18 =	sadd.s32 $0x1C, s18  }
0x7f: {  	[hbm4b:s18+s1] =	stream.strided.scatter [tilespmem:s14], [sflag:$0x3], $0x1000, s20, s1, $0x38;
	[tilespmem:$0x10800] =	vst v63  }
0x80: {  	s18 =	simm.s32 @!p0 $0x3  }
0x81: {  	_ =	swait.ge @!p0 [sflag:s18], $0x1000  }
0x82: {  	[sflag:s18] =	ssyncset.done @!p0 $0x0  }
0x83: {  	[sflag:s18] =	ssyncadd.s32 @!p0 $0xFFFFF000  }
0x84: {  	_ =	swait.ge @!p0 [sflag:s18], $0x1000  }
0x85: {  	[sflag:s18] =	ssyncset.done @!p0 $0x0  }
0x86: {  	[sflag:s18] =	ssyncadd.s32 @!p0 $0xFFFFF000  }
0x87: {  	_ =	swait.ge @!p0 [sflag:s18], $0x1000  }
0x88: {  	[sflag:s18] =	ssyncset.done @!p0 $0x0  }
0x89: {  	[sflag:s18] =	ssyncadd.s32 @!p0 $0xFFFFF000  }
0x8a: {  	_ =	swait.ge @!p0 [sflag:s18], $0x1000  }
0x8b: {  	[sflag:s18] =	ssyncset.done @!p0 $0x0  }
0x8c: {  	[sflag:s18] =	ssyncadd.s32 @!p0 $0xFFFFF000  }
0x8d: {  	_ =	swait.ge @!p0 [sflag:s18], $0x1000  }
0x8e: {  	[sflag:s18] =	ssyncset.done @!p0 $0x0  }
0x8f: {  	[sflag:s18] =	ssyncadd.s32 @!p0 $0xFFFFF000  }
0x90: {  	_ =	swait.ge @!p0 [sflag:s18], $0x1000  }
0x91: {  	[sflag:s18] =	ssyncset.done @!p0 $0x0  }
0x92: {  	[sflag:s18] =	ssyncadd.s32 @!p0 $0xFFFFF000  }
0x93: {  	_ =	swait.ge @!p0 [sflag:s18], $0x1000  }
0x94: {  	[sflag:s18] =	ssyncset.done @!p0 $0x0  }
0x95: {  	[sflag:s18] =	ssyncadd.s32 @!p0 $0xFFFFF000  }
0x96: {  	s21 =	simm.s32 @!p0 $0x0;
	s7 =	rddreg [dreg:$0xe];
	_ =	swait.ge @!p0 [sflag:s18], $0x1000  }
0x97: {  	s19 =	sshrl.u32 @!p0 s7, $0x3;
	s0 =	rddreg [dreg:$0x0];
	[sflag:s18] =	ssyncset.done @!p0 $0x0  }
0x98: {  	s19 =	sadd.s32 @!p0 s0, s19;
	[sflag:s18] =	ssyncadd.s32 @!p0 $0xFFFFF000;
	s18 =	simm.s32 @!p0 $0x5  }
0x99: {  	[tilespmem:s21], [sflag:$0x5] =	stream.linear.gather @!p0 [hbm4b:s19+s21], $0x400, $0x38;
	[tilespmem:$0x10800] =	vst v63  }
0x9a: {  	_ =	swait.ge @!p0 [sflag:s18], $0x400  }
0x9b: {  	[sflag:s18] =	ssyncset.done @!p0 $0x0  }
0x9c: {  	s23 =	simm.s32 @!p0 $0x800;
	s19 =	simm.s32 @!p0 $0x80;
	[sflag:s18] =	ssyncadd.s32 @!p0 $0xFFFFFC00  }
0x9d: {  	[tilespmem:s23], [sflag:$0x1] =	stream.indirect.gather @!p0 [hbm4b:s3+s19], $0x20, s21, s19, $0xb8;
	[tilespmem:$0x10800] =	vst v63  }
0x9e: {  	s18 =	simm.s32 @!p0 $0x1800  }
0x9f: {  	[tilespmem:s18], [sflag:$0x1] =	stream.indirect.gather @!p0 [hbm4b:s4+s19], $0x20, s19, s19, $0xb8;
	[tilespmem:$0x10800] =	vst v63  }
0xa0: {  	s21 =	simm.s32 @!p0 $0x2800;
	s18 =	simm.s32 @!p0 $0x100  }
0xa1: {  	[tilespmem:s21], [sflag:$0x1] =	stream.indirect.gather @!p0 [hbm4b:s5+s19], $0x20, s18, s19, $0xb8;
	[tilespmem:$0x10800] =	vst v63  }
0xa2: {  	s18 =	simm.s32 @!p0 $0x180;
	s21 =	simm.s32 @!p0 $0x3800  }
0xa3: {  	[tilespmem:s21], [sflag:$0x1] =	stream.indirect.gather @!p0 [hbm4b:s6+s19], $0x20, s18, s19, $0xb8;
	[tilespmem:$0x10800] =	vst v63  }
0xa4: {  	s18 =	simm.s32 @!p0 $0x200;
	s21 =	simm.s32 @!p0 $0x4800  }
0xa5: {  	[tilespmem:s21], [sflag:$0x1] =	stream.indirect.gather @!p0 [hbm4b:s8+s19], $0x20, s18, s19, $0xb8;
	[tilespmem:$0x10800] =	vst v63  }
0xa6: {  	s18 =	simm.s32 @!p0 $0x280;
	s21 =	simm.s32 @!p0 $0x5800  }
0xa7: {  	[tilespmem:s21], [sflag:$0x1] =	stream.indirect.gather @!p0 [hbm4b:s9+s19], $0x20, s18, s19, $0xb8;
	[tilespmem:$0x10800] =	vst v63  }
0xa8: {  	s18 =	simm.s32 @!p0 $0x300;
	s21 =	simm.s32 @!p0 $0x6800  }
0xa9: {  	[tilespmem:s21], [sflag:$0x1] =	stream.indirect.gather @!p0 [hbm4b:s10+s19], $0x20, s18, s19, $0xb8;
	[tilespmem:$0x10800] =	vst v63  }
0xaa: {  	s18 =	simm.s32 @!p0 $0x380;
	s21 =	simm.s32 @!p0 $0x7800  }
0xab: {  	[tilespmem:s21], [sflag:$0x1] =	stream.indirect.gather @!p0 [hbm4b:s11+s19], $0x20, s18, s19, $0xb8;
	[tilespmem:$0x10800] =	vst v63  }
0xac: {  	_ =	swait.ge [sflag:s2], $0x1000  }
0xad: {  	[sflag:s2] =	ssyncset.done $0x0  }
0xae: {  	[sflag:s2] =	ssyncadd.s32 $0xFFFFF000  }
0xaf: {  	_ =	swait.ge [sflag:s2], $0x1000  }
0xb0: {  	[sflag:s2] =	ssyncset.done $0x0  }
0xb1: {  	[sflag:s2] =	ssyncadd.s32 $0xFFFFF000  }
0xb2: {  	_ =	swait.ge [sflag:s2], $0x1000  }
0xb3: {  	[sflag:s2] =	ssyncset.done $0x0  }
0xb4: {  	[sflag:s2] =	ssyncadd.s32 $0xFFFFF000  }
0xb5: {  	_ =	swait.ge [sflag:s2], $0x1000  }
0xb6: {  	[sflag:s2] =	ssyncset.done $0x0  }
0xb7: {  	[sflag:s2] =	ssyncadd.s32 $0xFFFFF000  }
0xb8: {  	_ =	swait.ge [sflag:s2], $0x1000  }
0xb9: {  	[sflag:s2] =	ssyncset.done $0x0  }
0xba: {  	[sflag:s2] =	ssyncadd.s32 $0xFFFFF000  }
0xbb: {  	_ =	swait.ge [sflag:s2], $0x1000  }
0xbc: {  	[sflag:s2] =	ssyncset.done $0x0  }
0xbd: {  	[sflag:s2] =	ssyncadd.s32 $0xFFFFF000  }
0xbe: {  	_ =	swait.ge [sflag:s2], $0x1000  }
0xbf: {  	[sflag:s2] =	ssyncset.done $0x0  }
0xc0: {  	[sflag:s2] =	ssyncadd.s32 $0xFFFFF000  }
0xc1: {  	_ =	swait.ge [sflag:s2], $0x1000  }
0xc2: {  	s19 =	rddreg [dreg:$0x4];
	[sflag:s2] =	ssyncset.done $0x0  }
0xc3: {  	[sflag:s2] =	ssyncadd.s32 $0xFFFFF000;
	s21 =	sadd.s32 $0x0, s19  }
0xc4: {  	[hbm4b:s21+s1] =	stream.strided.scatter [tilespmem:s24], [sflag:$0x4], $0x1000, s20, s1, $0x38;
	[tilespmem:$0x10800] =	vst v63  }
0xc5: {  	s18 =	sadd.s32 $0x4, s21  }
0xc6: {  	[hbm4b:s18+s1] =	stream.strided.scatter [tilespmem:s26], [sflag:$0x4], $0x1000, s20, s1, $0x38;
	[tilespmem:$0x10800] =	vst v63  }
0xc7: {  	s24 =	sadd.s32 $0x8, s21  }
0xc8: {  	[hbm4b:s24+s1] =	stream.strided.scatter [tilespmem:s29], [sflag:$0x4], $0x1000, s20, s1, $0x38;
	[tilespmem:$0x10800] =	vst v63  }
0xc9: {  	p6 =	por $0x0, $0x0;
	s23 =	simm.s32 $0x80000;
	s25 =	sadd.s32 $0xC, s21  }
0xca: {  	[hbm4b:s25+s1] =	stream.strided.scatter [tilespmem:s31], [sflag:$0x4], $0x1000, s20, s1, $0x38;
	[tilespmem:$0x10800] =	vst v63  }
0xcb: {  	p0 =	por p6, p6;
	s19 =	sadd.s32 $0x10000, s7;
	s26 =	sadd.s32 $0x10, s21  }
0xcc: {  	[hbm4b:s26+s1] =	stream.strided.scatter [tilespmem:s12], [sflag:$0x4], $0x1000, s20, s1, $0x38;
	[tilespmem:$0x10800] =	vst v63  }
0xcd: {  	s30 =	sadd.s32 $0x18, s21;
	s28 =	sadd.s32 $0x1C, s21;
	s29 =	sadd.s32 $0x14, s21  }
0xce: {  	[hbm4b:s29+s1] =	stream.strided.scatter [tilespmem:s13], [sflag:$0x4], $0x1000, s20, s1, $0x38;
	[tilespmem:$0x10800] =	vst v63  }
0xcf: {  	s18 =	simm.s32 $0x40000;
	s21 =	sadd.s32 $0x2000, s22;
	s31 =	simm.s32 $0xE800  }
0xd0: {  	[hbm4b:s30+s1] =	stream.strided.scatter [tilespmem:s31], [sflag:$0x4], $0x1000, s20, s1, $0x38;
	[tilespmem:$0x10800] =	vst v63  }
.LBB2_2:
0xd1: {  	s30 =	simm.s32 @!p0 $0x4;
	s22 =	simm.s32 $0xF800  }
0xd2: {  	[hbm4b:s28+s1] =	stream.strided.scatter [tilespmem:s22], [sflag:$0x4], $0x1000, s20, s1, $0x38;
	[tilespmem:$0x10800] =	vst v63  }
0xd3: {  	_ =	swait.ge @!p0 [sflag:s30], $0x1000  }
0xd4: {  	[sflag:s30] =	ssyncset.done @!p0 $0x0  }
0xd5: {  	[sflag:s30] =	ssyncadd.s32 @!p0 $0xFFFFF000  }
0xd6: {  	_ =	swait.ge @!p0 [sflag:s30], $0x1000  }
0xd7: {  	[sflag:s30] =	ssyncset.done @!p0 $0x0  }
0xd8: {  	[sflag:s30] =	ssyncadd.s32 @!p0 $0xFFFFF000  }
0xd9: {  	_ =	swait.ge @!p0 [sflag:s30], $0x1000  }
0xda: {  	[sflag:s30] =	ssyncset.done @!p0 $0x0  }
0xdb: {  	[sflag:s30] =	ssyncadd.s32 @!p0 $0xFFFFF000  }
0xdc: {  	_ =	swait.ge @!p0 [sflag:s30], $0x1000  }
0xdd: {  	[sflag:s30] =	ssyncset.done @!p0 $0x0  }
0xde: {  	[sflag:s30] =	ssyncadd.s32 @!p0 $0xFFFFF000  }
0xdf: {  	_ =	swait.ge @!p0 [sflag:s30], $0x1000  }
0xe0: {  	[sflag:s30] =	ssyncset.done @!p0 $0x0  }
0xe1: {  	[sflag:s30] =	ssyncadd.s32 @!p0 $0xFFFFF000  }
0xe2: {  	_ =	swait.ge @!p0 [sflag:s30], $0x1000  }
0xe3: {  	[sflag:s30] =	ssyncset.done @!p0 $0x0  }
0xe4: {  	[sflag:s30] =	ssyncadd.s32 @!p0 $0xFFFFF000  }
0xe5: {  	_ =	swait.ge @!p0 [sflag:s30], $0x1000  }
0xe6: {  	[sflag:s30] =	ssyncset.done @!p0 $0x0  }
0xe7: {  	[sflag:s30] =	ssyncadd.s32 @!p0 $0xFFFFF000  }
0xe8: {  	_ =	swait.ge @!p0 [sflag:s30], $0x1000  }
0xe9: {  	[sflag:s30] =	ssyncset.done @!p0 $0x0  }
0xea: {  	s0 =	simm.s32 $0x0;
	s7 =	simm.s32 $0x400;
	[sflag:s30] =	ssyncadd.s32 @!p0 $0xFFFFF000  }
0xeb: {  	[tilespmem:s7], [sflag:$0x5] =	stream.linear.gather [hbm4b:s21+s0], $0x400, $0x38;
	[tilespmem:$0x10800] =	vst v63  }
0xec: {  	_ =	swait.ge [sflag:s16], $0x400  }
0xed: {  	[sflag:s16] =	ssyncset.done $0x0  }
0xee: {  	s24 =	simm.s32 $0x8800;
	[sflag:s16] =	ssyncadd.s32 $0xFFFFFC00  }
0xef: {  	[tilespmem:s24], [sflag:$0x2] =	stream.indirect.gather [hbm4b:s3+s17], $0x20, s7, s17, $0xb8;
	[tilespmem:$0x10800] =	vst v63  }
0xf0: {  	s26 =	simm.s32 $0x9800;
	s28 =	rddreg [dreg:$0x5]  }
0xf1: {  	[tilespmem:s26], [sflag:$0x2] =	stream.indirect.gather [hbm4b:s4+s17], $0x20, s28, s17, $0xb8;
	[tilespmem:$0x10800] =	vst v63  }
0xf2: {  	s29 =	simm.s32 $0xA800;
	s31 =	rddreg [dreg:$0x6]  }
0xf3: {  	[tilespmem:s29], [sflag:$0x2] =	stream.indirect.gather [hbm4b:s5+s17], $0x20, s31, s17, $0xb8;
	[tilespmem:$0x10800] =	vst v63  }
0xf4: {  	s28 =	rddreg [dreg:$0x7];
	s31 =	simm.s32 $0xB800  }
0xf5: {  	[tilespmem:s31], [sflag:$0x2] =	stream.indirect.gather [hbm4b:s6+s17], $0x20, s28, s17, $0xb8;
	[tilespmem:$0x10800] =	vst v63  }
0xf6: {  	s12 =	simm.s32 $0xC800;
	s0 =	rddreg [dreg:$0x8]  }
0xf7: {  	[tilespmem:s12], [sflag:$0x2] =	stream.indirect.gather [hbm4b:s8+s17], $0x20, s0, s17, $0xb8;
	[tilespmem:$0x10800] =	vst v63  }
0xf8: {  	s13 =	simm.s32 $0xD800;
	s28 =	rddreg [dreg:$0x9]  }
0xf9: {  	[tilespmem:s13], [sflag:$0x2] =	stream.indirect.gather [hbm4b:s9+s17], $0x20, s28, s17, $0xb8;
	[tilespmem:$0x10800] =	vst v63  }
0xfa: {  	s14 =	simm.s32 $0xE800;
	s7 =	rddreg [dreg:$0xa]  }
0xfb: {  	[tilespmem:s14], [sflag:$0x2] =	stream.indirect.gather [hbm4b:s10+s17], $0x20, s7, s17, $0xb8;
	[tilespmem:$0x10800] =	vst v63  }
0xfc: {  	s28 =	rddreg [dreg:$0xb]  }
0xfd: {  	[tilespmem:s22], [sflag:$0x2] =	stream.indirect.gather [hbm4b:s11+s17], $0x20, s28, s17, $0xb8;
	[tilespmem:$0x10800] =	vst v63  }
0xfe: {  	_ =	swait.ge [sflag:s15], $0x1000  }
0xff: {  	[sflag:s15] =	ssyncset.done $0x0  }
0x100: {  	[sflag:s15] =	ssyncadd.s32 $0xFFFFF000  }
0x101: {  	_ =	swait.ge [sflag:s15], $0x1000  }
0x102: {  	[sflag:s15] =	ssyncset.done $0x0  }
0x103: {  	[sflag:s15] =	ssyncadd.s32 $0xFFFFF000  }
0x104: {  	_ =	swait.ge [sflag:s15], $0x1000  }
0x105: {  	[sflag:s15] =	ssyncset.done $0x0  }
0x106: {  	[sflag:s15] =	ssyncadd.s32 $0xFFFFF000  }
0x107: {  	_ =	swait.ge [sflag:s15], $0x1000  }
0x108: {  	[sflag:s15] =	ssyncset.done $0x0  }
0x109: {  	[sflag:s15] =	ssyncadd.s32 $0xFFFFF000  }
0x10a: {  	_ =	swait.ge [sflag:s15], $0x1000  }
0x10b: {  	[sflag:s15] =	ssyncset.done $0x0  }
0x10c: {  	[sflag:s15] =	ssyncadd.s32 $0xFFFFF000  }
0x10d: {  	_ =	swait.ge [sflag:s15], $0x1000  }
0x10e: {  	[sflag:s15] =	ssyncset.done $0x0  }
0x10f: {  	[sflag:s15] =	ssyncadd.s32 $0xFFFFF000  }
0x110: {  	_ =	swait.ge [sflag:s15], $0x1000  }
0x111: {  	[sflag:s15] =	ssyncset.done $0x0  }
0x112: {  	[sflag:s15] =	ssyncadd.s32 $0xFFFFF000  }
0x113: {  	_ =	swait.ge [sflag:s15], $0x1000  }
0x114: {  	s28 =	rddreg [dreg:$0x3];
	[sflag:s15] =	ssyncset.done $0x0  }
0x115: {  	s30 =	simm.s32 $0x800;
	[sflag:s15] =	ssyncadd.s32 $0xFFFFF000;
	s28 =	sadd.s32 s18, s28  }
0x116: {  	[hbm4b:s28+s1] =	stream.strided.scatter [tilespmem:s30], [sflag:$0x3], $0x1000, s20, s1, $0x38;
	[tilespmem:$0x10800] =	vst v63  }
0x117: {  	s22 =	simm.s32 $0x1800;
	s7 =	sadd.s32 $0x4, s28  }
0x118: {  	[hbm4b:s7+s1] =	stream.strided.scatter [tilespmem:s22], [sflag:$0x3], $0x1000, s20, s1, $0x38;
	[tilespmem:$0x10800] =	vst v63  }
0x119: {  	s7 =	sadd.s32 $0x8, s28;
	s22 =	simm.s32 $0x2800  }
0x11a: {  	[hbm4b:s7+s1] =	stream.strided.scatter [tilespmem:s22], [sflag:$0x3], $0x1000, s20, s1, $0x38;
	[tilespmem:$0x10800] =	vst v63  }
0x11b: {  	s7 =	sadd.s32 $0xC, s28;
	s22 =	simm.s32 $0x3800  }
0x11c: {  	[hbm4b:s7+s1] =	stream.strided.scatter [tilespmem:s22], [sflag:$0x3], $0x1000, s20, s1, $0x38;
	[tilespmem:$0x10800] =	vst v63  }
0x11d: {  	s7 =	sadd.s32 $0x10, s28;
	s22 =	simm.s32 $0x4800  }
0x11e: {  	[hbm4b:s7+s1] =	stream.strided.scatter [tilespmem:s22], [sflag:$0x3], $0x1000, s20, s1, $0x38;
	[tilespmem:$0x10800] =	vst v63  }
0x11f: {  	p2 =	seq.s32 s23, $0x0;
	s7 =	sadd.s32 $0x14, s28;
	s22 =	simm.s32 $0x5800  }
0x120: {  	[hbm4b:s7+s1] =	stream.strided.scatter [tilespmem:s22], [sflag:$0x3], $0x1000, s20, s1, $0x38;
	[tilespmem:$0x10800] =	vst v63  }
0x121: {  	p0 =	por p2, p2;
	s7 =	sadd.s32 $0x18, s28;
	s22 =	simm.s32 $0x6800  }
0x122: {  	[hbm4b:s7+s1] =	stream.strided.scatter [tilespmem:s22], [sflag:$0x3], $0x1000, s20, s1, $0x38;
	[tilespmem:$0x10800] =	vst v63  }
0x123: {  	p2 =	seq.s32 s18, $0x600000;
	s28 =	sadd.s32 $0x1C, s28;
	s7 =	simm.s32 $0x7800  }
0x124: {  	[hbm4b:s28+s1] =	stream.strided.scatter [tilespmem:s7], [sflag:$0x3], $0x1000, s20, s1, $0x38;
	[tilespmem:$0x10800] =	vst v63  }
0x125: {  	s28 =	simm.s32 @!p2 $0x3  }
0x126: {  	_ =	swait.ge @!p2 [sflag:s28], $0x1000  }
0x127: {  	s0 =	rddreg [dreg:$0x0];
	[sflag:s28] =	ssyncset.done @!p2 $0x0  }
0x128: {  	[sflag:s28] =	ssyncadd.s32 @!p2 $0xFFFFF000  }
0x129: {  	_ =	swait.ge @!p2 [sflag:s28], $0x1000  }
0x12a: {  	[sflag:s28] =	ssyncset.done @!p2 $0x0  }
0x12b: {  	[sflag:s28] =	ssyncadd.s32 @!p2 $0xFFFFF000  }
0x12c: {  	_ =	swait.ge @!p2 [sflag:s28], $0x1000  }
0x12d: {  	[sflag:s28] =	ssyncset.done @!p2 $0x0  }
0x12e: {  	[sflag:s28] =	ssyncadd.s32 @!p2 $0xFFFFF000  }
0x12f: {  	_ =	swait.ge @!p2 [sflag:s28], $0x1000  }
0x130: {  	[sflag:s28] =	ssyncset.done @!p2 $0x0  }
0x131: {  	[sflag:s28] =	ssyncadd.s32 @!p2 $0xFFFFF000  }
0x132: {  	_ =	swait.ge @!p2 [sflag:s28], $0x1000  }
0x133: {  	[sflag:s28] =	ssyncset.done @!p2 $0x0  }
0x134: {  	[sflag:s28] =	ssyncadd.s32 @!p2 $0xFFFFF000  }
0x135: {  	_ =	swait.ge @!p2 [sflag:s28], $0x1000  }
0x136: {  	[sflag:s28] =	ssyncset.done @!p2 $0x0  }
0x137: {  	[sflag:s28] =	ssyncadd.s32 @!p2 $0xFFFFF000  }
0x138: {  	_ =	swait.ge @!p2 [sflag:s28], $0x1000  }
0x139: {  	[sflag:s28] =	ssyncset.done @!p2 $0x0  }
0x13a: {  	[sflag:s28] =	ssyncadd.s32 @!p2 $0xFFFFF000  }
0x13b: {  	s30 =	sshrl.u32 @!p2 s19, $0x3;
	_ =	swait.ge @!p2 [sflag:s28], $0x1000  }
0x13c: {  	s30 =	sadd.s32 @!p2 s0, s30;
	[sflag:s28] =	ssyncset.done @!p2 $0x0  }
0x13d: {  	s0 =	simm.s32 @!p2 $0x0;
	[sflag:s28] =	ssyncadd.s32 @!p2 $0xFFFFF000;
	s28 =	simm.s32 @!p2 $0x5  }
0x13e: {  	[tilespmem:s0], [sflag:$0x5] =	stream.linear.gather @!p2 [hbm4b:s30+s0], $0x400, $0x38;
	[tilespmem:$0x10800] =	vst v63  }
0x13f: {  	_ =	swait.ge @!p2 [sflag:s28], $0x400  }
0x140: {  	[sflag:s28] =	ssyncset.done @!p2 $0x0  }
0x141: {  	s7 =	simm.s32 @!p2 $0x800;
	s30 =	simm.s32 @!p2 $0x80;
	[sflag:s28] =	ssyncadd.s32 @!p2 $0xFFFFFC00  }
0x142: {  	[tilespmem:s7], [sflag:$0x1] =	stream.indirect.gather @!p2 [hbm4b:s3+s30], $0x20, s0, s30, $0xb8;
	[tilespmem:$0x10800] =	vst v63  }
0x143: {  	s28 =	simm.s32 @!p2 $0x1800  }
0x144: {  	[tilespmem:s28], [sflag:$0x1] =	stream.indirect.gather @!p2 [hbm4b:s4+s30], $0x20, s30, s30, $0xb8;
	[tilespmem:$0x10800] =	vst v63  }
0x145: {  	s0 =	simm.s32 @!p2 $0x100;
	s7 =	simm.s32 @!p2 $0x2800  }
0x146: {  	[tilespmem:s7], [sflag:$0x1] =	stream.indirect.gather @!p2 [hbm4b:s5+s30], $0x20, s0, s30, $0xb8;
	[tilespmem:$0x10800] =	vst v63  }
0x147: {  	s22 =	simm.s32 @!p2 $0x3800;
	s28 =	simm.s32 @!p2 $0x180  }
0x148: {  	[tilespmem:s22], [sflag:$0x1] =	stream.indirect.gather @!p2 [hbm4b:s6+s30], $0x20, s28, s30, $0xb8;
	[tilespmem:$0x10800] =	vst v63  }
0x149: {  	s0 =	simm.s32 @!p2 $0x200;
	s7 =	simm.s32 @!p2 $0x4800  }
0x14a: {  	[tilespmem:s7], [sflag:$0x1] =	stream.indirect.gather @!p2 [hbm4b:s8+s30], $0x20, s0, s30, $0xb8;
	[tilespmem:$0x10800] =	vst v63  }
0x14b: {  	s22 =	simm.s32 @!p2 $0x280;
	s28 =	simm.s32 @!p2 $0x5800  }
0x14c: {  	[tilespmem:s28], [sflag:$0x1] =	stream.indirect.gather @!p2 [hbm4b:s9+s30], $0x20, s22, s30, $0xb8;
	[tilespmem:$0x10800] =	vst v63  }
0x14d: {  	s0 =	simm.s32 @!p2 $0x300;
	s7 =	simm.s32 @!p2 $0x6800  }
0x14e: {  	[tilespmem:s7], [sflag:$0x1] =	stream.indirect.gather @!p2 [hbm4b:s10+s30], $0x20, s0, s30, $0xb8;
	[tilespmem:$0x10800] =	vst v63  }
0x14f: {  	s22 =	simm.s32 @!p2 $0x380;
	s28 =	simm.s32 @!p2 $0x7800  }
0x150: {  	[tilespmem:s28], [sflag:$0x1] =	stream.indirect.gather @!p2 [hbm4b:s11+s30], $0x20, s22, s30, $0xb8;
	[tilespmem:$0x10800] =	vst v63  }
0x151: {  	_ =	swait.ge [sflag:s2], $0x1000  }
0x152: {  	[sflag:s2] =	ssyncset.done $0x0  }
0x153: {  	[sflag:s2] =	ssyncadd.s32 $0xFFFFF000  }
0x154: {  	_ =	swait.ge [sflag:s2], $0x1000  }
0x155: {  	[sflag:s2] =	ssyncset.done $0x0  }
0x156: {  	[sflag:s2] =	ssyncadd.s32 $0xFFFFF000  }
0x157: {  	_ =	swait.ge [sflag:s2], $0x1000  }
0x158: {  	[sflag:s2] =	ssyncset.done $0x0  }
0x159: {  	[sflag:s2] =	ssyncadd.s32 $0xFFFFF000  }
0x15a: {  	_ =	swait.ge [sflag:s2], $0x1000  }
0x15b: {  	[sflag:s2] =	ssyncset.done $0x0  }
0x15c: {  	[sflag:s2] =	ssyncadd.s32 $0xFFFFF000  }
0x15d: {  	_ =	swait.ge [sflag:s2], $0x1000  }
0x15e: {  	[sflag:s2] =	ssyncset.done $0x0  }
0x15f: {  	[sflag:s2] =	ssyncadd.s32 $0xFFFFF000  }
0x160: {  	_ =	swait.ge [sflag:s2], $0x1000  }
0x161: {  	[sflag:s2] =	ssyncset.done $0x0  }
0x162: {  	[sflag:s2] =	ssyncadd.s32 $0xFFFFF000  }
0x163: {  	_ =	swait.ge [sflag:s2], $0x1000  }
0x164: {  	[sflag:s2] =	ssyncset.done $0x0  }
0x165: {  	[sflag:s2] =	ssyncadd.s32 $0xFFFFF000  }
0x166: {  	_ =	swait.ge [sflag:s2], $0x1000  }
0x167: {  	s22 =	rddreg [dreg:$0x4];
	[sflag:s2] =	ssyncset.done $0x0  }
0x168: {  	[sflag:s2] =	ssyncadd.s32 $0xFFFFF000;
	s0 =	sadd.s32 s18, s22  }
0x169: {  	[hbm4b:s0+s1] =	stream.strided.scatter [tilespmem:s24], [sflag:$0x4], $0x1000, s20, s1, $0x38;
	[tilespmem:$0x10800] =	vst v63  }
0x16a: {  	s25 =	smov.u32 s23;
	s24 =	sadd.s32 $0x4, s0  }
0x16b: {  	[hbm4b:s24+s1] =	stream.strided.scatter [tilespmem:s26], [sflag:$0x4], $0x1000, s20, s1, $0x38;
	[tilespmem:$0x10800] =	vst v63  }
0x16c: {  	s18 =	smov.u32 s25;
	s25 =	sadd.s32 $0x8, s0  }
0x16d: {  	[hbm4b:s25+s1] =	stream.strided.scatter [tilespmem:s29], [sflag:$0x4], $0x1000, s20, s1, $0x38;
	[tilespmem:$0x10800] =	vst v63  }
0x16e: {  	s23 =	sadd.s32 $0x40000, s23;
	s26 =	sadd.s32 $0xC, s0  }
0x16f: {  	[hbm4b:s26+s1] =	stream.strided.scatter [tilespmem:s31], [sflag:$0x4], $0x1000, s20, s1, $0x38;
	[tilespmem:$0x10800] =	vst v63  }
0x170: {  	p1 =	sne.s32 s23, $0x640000;
	s29 =	sadd.s32 $0x10, s0  }
0x171: {  	[hbm4b:s29+s1] =	stream.strided.scatter [tilespmem:s12], [sflag:$0x4], $0x1000, s20, s1, $0x38;
	[tilespmem:$0x10800] =	vst v63  }
.Ltmp0:
0x172: {  	_ = 	snop;
	(pc) =	sbr.rel @p1 .LBB2_2-.Ltmp0, $4  }
0x173: {  	s21 =	sadd.s32 $0x2000, s21;
	s30 =	sadd.s32 $0x14, s0  }
0x174: {  	[hbm4b:s30+s1] =	stream.strided.scatter [tilespmem:s13], [sflag:$0x4], $0x1000, s20, s1, $0x38;
	[tilespmem:$0x10800] =	vst v63  }
0x175: {  	s19 =	sadd.s32 $0x10000, s19;
	s28 =	sadd.s32 $0x1C, s0;
	s31 =	sadd.s32 $0x18, s0  }
0x176: {  	[hbm4b:s31+s1] =	stream.strided.scatter [tilespmem:s14], [sflag:$0x4], $0x1000, s20, s1, $0x38;
	[tilespmem:$0x10800] =	vst v63  }
0x177: {  	s26 =	simm.s32 $0xF800;
	s0 =	simm.s32 @!p0 $0x4  }
0x178: {  	[hbm4b:s28+s1] =	stream.strided.scatter [tilespmem:s26], [sflag:$0x4], $0x1000, s20, s1, $0x38;
	[tilespmem:$0x10800] =	vst v63  }
0x179: {  	_ =	swait.ge @!p0 [sflag:s0], $0x1000  }
0x17a: {  	[sflag:s0] =	ssyncset.done @!p0 $0x0  }
0x17b: {  	[sflag:s0] =	ssyncadd.s32 @!p0 $0xFFFFF000  }
0x17c: {  	_ =	swait.ge @!p0 [sflag:s0], $0x1000  }
0x17d: {  	[sflag:s0] =	ssyncset.done @!p0 $0x0  }
0x17e: {  	[sflag:s0] =	ssyncadd.s32 @!p0 $0xFFFFF000  }
0x17f: {  	_ =	swait.ge @!p0 [sflag:s0], $0x1000  }
0x180: {  	[sflag:s0] =	ssyncset.done @!p0 $0x0  }
0x181: {  	[sflag:s0] =	ssyncadd.s32 @!p0 $0xFFFFF000  }
0x182: {  	_ =	swait.ge @!p0 [sflag:s0], $0x1000  }
0x183: {  	[sflag:s0] =	ssyncset.done @!p0 $0x0  }
0x184: {  	[sflag:s0] =	ssyncadd.s32 @!p0 $0xFFFFF000  }
0x185: {  	_ =	swait.ge @!p0 [sflag:s0], $0x1000  }
0x186: {  	[sflag:s0] =	ssyncset.done @!p0 $0x0  }
0x187: {  	[sflag:s0] =	ssyncadd.s32 @!p0 $0xFFFFF000  }
0x188: {  	_ =	swait.ge @!p0 [sflag:s0], $0x1000  }
0x189: {  	[sflag:s0] =	ssyncset.done @!p0 $0x0  }
0x18a: {  	[sflag:s0] =	ssyncadd.s32 @!p0 $0xFFFFF000  }
0x18b: {  	_ =	swait.ge @!p0 [sflag:s0], $0x1000  }
0x18c: {  	[sflag:s0] =	ssyncset.done @!p0 $0x0  }
0x18d: {  	[sflag:s0] =	ssyncadd.s32 @!p0 $0xFFFFF000  }
0x18e: {  	_ =	swait.ge @!p0 [sflag:s0], $0x1000  }
0x18f: {  	[sflag:s0] =	ssyncset.done @!p0 $0x0  }
0x190: {  	s12 =	simm.s32 $0x0;
	s7 =	simm.s32 $0x400;
	[sflag:s0] =	ssyncadd.s32 @!p0 $0xFFFFF000  }
0x191: {  	[tilespmem:s7], [sflag:$0x5] =	stream.linear.gather [hbm4b:s21+s12], $0x400, $0x38;
	[tilespmem:$0x10800] =	vst v63  }
0x192: {  	_ =	swait.ge [sflag:s16], $0x400  }
0x193: {  	[sflag:s16] =	ssyncset.done $0x0  }
0x194: {  	s22 =	simm.s32 $0x8800;
	[sflag:s16] =	ssyncadd.s32 $0xFFFFFC00  }
0x195: {  	[tilespmem:s22], [sflag:$0x2] =	stream.indirect.gather [hbm4b:s3+s17], $0x20, s7, s17, $0xb8;
	[tilespmem:$0x10800] =	vst v63  }
0x196: {  	s23 =	simm.s32 $0x9800;
	s13 =	rddreg [dreg:$0x5]  }
0x197: {  	[tilespmem:s23], [sflag:$0x2] =	stream.indirect.gather [hbm4b:s4+s17], $0x20, s13, s17, $0xb8;
	[tilespmem:$0x10800] =	vst v63  }
0x198: {  	s24 =	simm.s32 $0xA800;
	s14 =	rddreg [dreg:$0x6]  }
0x199: {  	[tilespmem:s24], [sflag:$0x2] =	stream.indirect.gather [hbm4b:s5+s17], $0x20, s14, s17, $0xb8;
	[tilespmem:$0x10800] =	vst v63  }
0x19a: {  	s25 =	simm.s32 $0xB800;
	s21 =	rddreg [dreg:$0x7]  }
0x19b: {  	[tilespmem:s25], [sflag:$0x2] =	stream.indirect.gather [hbm4b:s6+s17], $0x20, s21, s17, $0xb8;
	[tilespmem:$0x10800] =	vst v63  }
0x19c: {  	s12 =	simm.s32 $0xC800;
	s28 =	rddreg [dreg:$0x8]  }
0x19d: {  	[tilespmem:s12], [sflag:$0x2] =	stream.indirect.gather [hbm4b:s8+s17], $0x20, s28, s17, $0xb8;
	[tilespmem:$0x10800] =	vst v63  }
0x19e: {  	s29 =	rddreg [dreg:$0x9];
	s13 =	simm.s32 $0xD800  }
0x19f: {  	[tilespmem:s13], [sflag:$0x2] =	stream.indirect.gather [hbm4b:s9+s17], $0x20, s29, s17, $0xb8;
	[tilespmem:$0x10800] =	vst v63  }
0x1a0: {  	s30 =	rddreg [dreg:$0xa];
	s14 =	simm.s32 $0xE800  }
0x1a1: {  	[tilespmem:s14], [sflag:$0x2] =	stream.indirect.gather [hbm4b:s10+s17], $0x20, s30, s17, $0xb8;
	[tilespmem:$0x10800] =	vst v63  }
0x1a2: {  	s31 =	rddreg [dreg:$0xb]  }
0x1a3: {  	[tilespmem:s26], [sflag:$0x2] =	stream.indirect.gather [hbm4b:s11+s17], $0x20, s31, s17, $0xb8;
	[tilespmem:$0x10800] =	vst v63  }
0x1a4: {  	_ =	swait.ge [sflag:s15], $0x1000  }
0x1a5: {  	[sflag:s15] =	ssyncset.done $0x0  }
0x1a6: {  	[sflag:s15] =	ssyncadd.s32 $0xFFFFF000  }
0x1a7: {  	_ =	swait.ge [sflag:s15], $0x1000  }
0x1a8: {  	[sflag:s15] =	ssyncset.done $0x0  }
0x1a9: {  	[sflag:s15] =	ssyncadd.s32 $0xFFFFF000  }
0x1aa: {  	_ =	swait.ge [sflag:s15], $0x1000  }
0x1ab: {  	[sflag:s15] =	ssyncset.done $0x0  }
0x1ac: {  	[sflag:s15] =	ssyncadd.s32 $0xFFFFF000  }
0x1ad: {  	_ =	swait.ge [sflag:s15], $0x1000  }
0x1ae: {  	[sflag:s15] =	ssyncset.done $0x0  }
0x1af: {  	[sflag:s15] =	ssyncadd.s32 $0xFFFFF000  }
0x1b0: {  	_ =	swait.ge [sflag:s15], $0x1000  }
0x1b1: {  	[sflag:s15] =	ssyncset.done $0x0  }
0x1b2: {  	[sflag:s15] =	ssyncadd.s32 $0xFFFFF000  }
0x1b3: {  	_ =	swait.ge [sflag:s15], $0x1000  }
0x1b4: {  	[sflag:s15] =	ssyncset.done $0x0  }
0x1b5: {  	[sflag:s15] =	ssyncadd.s32 $0xFFFFF000  }
0x1b6: {  	_ =	swait.ge [sflag:s15], $0x1000  }
0x1b7: {  	[sflag:s15] =	ssyncset.done $0x0  }
0x1b8: {  	[sflag:s15] =	ssyncadd.s32 $0xFFFFF000  }
0x1b9: {  	_ =	swait.ge [sflag:s15], $0x1000  }
0x1ba: {  	s7 =	rddreg [dreg:$0x3];
	[sflag:s15] =	ssyncset.done $0x0  }
0x1bb: {  	s21 =	simm.s32 $0x800;
	[sflag:s15] =	ssyncadd.s32 $0xFFFFF000;
	s0 =	sadd.s32 s18, s7  }
0x1bc: {  	[hbm4b:s0+s1] =	stream.strided.scatter [tilespmem:s21], [sflag:$0x3], $0x1000, s20, s1, $0x38;
	[tilespmem:$0x10800] =	vst v63  }
0x1bd: {  	s29 =	simm.s32 $0x1800;
	s28 =	sadd.s32 $0x4, s0  }
0x1be: {  	[hbm4b:s28+s1] =	stream.strided.scatter [tilespmem:s29], [sflag:$0x3], $0x1000, s20, s1, $0x38;
	[tilespmem:$0x10800] =	vst v63  }
0x1bf: {  	s31 =	simm.s32 $0x2800;
	s30 =	sadd.s32 $0x8, s0  }
0x1c0: {  	[hbm4b:s30+s1] =	stream.strided.scatter [tilespmem:s31], [sflag:$0x3], $0x1000, s20, s1, $0x38;
	[tilespmem:$0x10800] =	vst v63  }
0x1c1: {  	s28 =	sadd.s32 $0xC, s0;
	s29 =	simm.s32 $0x3800  }
0x1c2: {  	[hbm4b:s28+s1] =	stream.strided.scatter [tilespmem:s29], [sflag:$0x3], $0x1000, s20, s1, $0x38;
	[tilespmem:$0x10800] =	vst v63  }
0x1c3: {  	s30 =	sadd.s32 $0x10, s0;
	s31 =	simm.s32 $0x4800  }
0x1c4: {  	[hbm4b:s30+s1] =	stream.strided.scatter [tilespmem:s31], [sflag:$0x3], $0x1000, s20, s1, $0x38;
	[tilespmem:$0x10800] =	vst v63  }
0x1c5: {  	s21 =	sadd.s32 $0x14, s0;
	s28 =	simm.s32 $0x5800  }
0x1c6: {  	[hbm4b:s21+s1] =	stream.strided.scatter [tilespmem:s28], [sflag:$0x3], $0x1000, s20, s1, $0x38;
	[tilespmem:$0x10800] =	vst v63  }
0x1c7: {  	s29 =	sadd.s32 $0x18, s0;
	s30 =	simm.s32 $0x6800  }
0x1c8: {  	[hbm4b:s29+s1] =	stream.strided.scatter [tilespmem:s30], [sflag:$0x3], $0x1000, s20, s1, $0x38;
	[tilespmem:$0x10800] =	vst v63  }
0x1c9: {  	p0 =	seq.s32 s18, $0x600000;
	s0 =	sadd.s32 $0x1C, s0;
	s31 =	simm.s32 $0x7800  }
0x1ca: {  	[hbm4b:s0+s1] =	stream.strided.scatter [tilespmem:s31], [sflag:$0x3], $0x1000, s20, s1, $0x38;
	[tilespmem:$0x10800] =	vst v63  }
0x1cb: {  	s0 =	simm.s32 @!p0 $0x3  }
0x1cc: {  	_ =	swait.ge @!p0 [sflag:s0], $0x1000  }
0x1cd: {  	[sflag:s0] =	ssyncset.done @!p0 $0x0  }
0x1ce: {  	[sflag:s0] =	ssyncadd.s32 @!p0 $0xFFFFF000  }
0x1cf: {  	_ =	swait.ge @!p0 [sflag:s0], $0x1000  }
0x1d0: {  	[sflag:s0] =	ssyncset.done @!p0 $0x0  }
0x1d1: {  	[sflag:s0] =	ssyncadd.s32 @!p0 $0xFFFFF000  }
0x1d2: {  	_ =	swait.ge @!p0 [sflag:s0], $0x1000  }
0x1d3: {  	[sflag:s0] =	ssyncset.done @!p0 $0x0  }
0x1d4: {  	[sflag:s0] =	ssyncadd.s32 @!p0 $0xFFFFF000  }
0x1d5: {  	_ =	swait.ge @!p0 [sflag:s0], $0x1000  }
0x1d6: {  	[sflag:s0] =	ssyncset.done @!p0 $0x0  }
0x1d7: {  	[sflag:s0] =	ssyncadd.s32 @!p0 $0xFFFFF000  }
0x1d8: {  	_ =	swait.ge @!p0 [sflag:s0], $0x1000  }
0x1d9: {  	[sflag:s0] =	ssyncset.done @!p0 $0x0  }
0x1da: {  	[sflag:s0] =	ssyncadd.s32 @!p0 $0xFFFFF000  }
0x1db: {  	_ =	swait.ge @!p0 [sflag:s0], $0x1000  }
0x1dc: {  	[sflag:s0] =	ssyncset.done @!p0 $0x0  }
0x1dd: {  	[sflag:s0] =	ssyncadd.s32 @!p0 $0xFFFFF000  }
0x1de: {  	_ =	swait.ge @!p0 [sflag:s0], $0x1000  }
0x1df: {  	[sflag:s0] =	ssyncset.done @!p0 $0x0  }
0x1e0: {  	[sflag:s0] =	ssyncadd.s32 @!p0 $0xFFFFF000  }
0x1e1: {  	_ =	swait.ge @!p0 [sflag:s0], $0x1000  }
0x1e2: {  	s7 =	sshrl.u32 @!p0 s19, $0x3;
	s19 =	rddreg [dreg:$0x0]  }
0x1e3: {  	[sflag:s0] =	ssyncset.done @!p0 $0x0;
	s7 =	sadd.s32 @!p0 s19, s7  }
0x1e4: {  	s19 =	simm.s32 @!p0 $0x0;
	[sflag:s0] =	ssyncadd.s32 @!p0 $0xFFFFF000;
	s0 =	simm.s32 @!p0 $0x5  }
0x1e5: {  	[tilespmem:s19], [sflag:$0x5] =	stream.linear.gather @!p0 [hbm4b:s7+s19], $0x400, $0x38;
	[tilespmem:$0x10800] =	vst v63  }
0x1e6: {  	_ =	swait.ge @!p0 [sflag:s0], $0x400  }
0x1e7: {  	[sflag:s0] =	ssyncset.done @!p0 $0x0  }
0x1e8: {  	s7 =	simm.s32 @!p0 $0x80;
	[sflag:s0] =	ssyncadd.s32 @!p0 $0xFFFFFC00;
	s0 =	simm.s32 @!p0 $0x800  }
0x1e9: {  	[tilespmem:s0], [sflag:$0x1] =	stream.indirect.gather @!p0 [hbm4b:s3+s7], $0x20, s19, s7, $0xb8;
	[tilespmem:$0x10800] =	vst v63  }
0x1ea: {  	s0 =	simm.s32 @!p0 $0x1800  }
0x1eb: {  	[tilespmem:s0], [sflag:$0x1] =	stream.indirect.gather @!p0 [hbm4b:s4+s7], $0x20, s7, s7, $0xb8;
	[tilespmem:$0x10800] =	vst v63  }
0x1ec: {  	s19 =	simm.s32 @!p0 $0x2800;
	s0 =	simm.s32 @!p0 $0x100  }
0x1ed: {  	[tilespmem:s19], [sflag:$0x1] =	stream.indirect.gather @!p0 [hbm4b:s5+s7], $0x20, s0, s7, $0xb8;
	[tilespmem:$0x10800] =	vst v63  }
0x1ee: {  	s0 =	simm.s32 @!p0 $0x180;
	s19 =	simm.s32 @!p0 $0x3800  }
0x1ef: {  	[tilespmem:s19], [sflag:$0x1] =	stream.indirect.gather @!p0 [hbm4b:s6+s7], $0x20, s0, s7, $0xb8;
	[tilespmem:$0x10800] =	vst v63  }
0x1f0: {  	s0 =	simm.s32 @!p0 $0x200;
	s19 =	simm.s32 @!p0 $0x4800  }
0x1f1: {  	[tilespmem:s19], [sflag:$0x1] =	stream.indirect.gather @!p0 [hbm4b:s8+s7], $0x20, s0, s7, $0xb8;
	[tilespmem:$0x10800] =	vst v63  }
0x1f2: {  	s0 =	simm.s32 @!p0 $0x280;
	s19 =	simm.s32 @!p0 $0x5800  }
0x1f3: {  	[tilespmem:s19], [sflag:$0x1] =	stream.indirect.gather @!p0 [hbm4b:s9+s7], $0x20, s0, s7, $0xb8;
	[tilespmem:$0x10800] =	vst v63  }
0x1f4: {  	s0 =	simm.s32 @!p0 $0x300;
	s19 =	simm.s32 @!p0 $0x6800  }
0x1f5: {  	[tilespmem:s19], [sflag:$0x1] =	stream.indirect.gather @!p0 [hbm4b:s10+s7], $0x20, s0, s7, $0xb8;
	[tilespmem:$0x10800] =	vst v63  }
0x1f6: {  	s0 =	simm.s32 @!p0 $0x380;
	s19 =	simm.s32 @!p0 $0x7800  }
0x1f7: {  	[tilespmem:s19], [sflag:$0x1] =	stream.indirect.gather @!p0 [hbm4b:s11+s7], $0x20, s0, s7, $0xb8;
	[tilespmem:$0x10800] =	vst v63  }
0x1f8: {  	_ =	swait.ge [sflag:s2], $0x1000  }
0x1f9: {  	[sflag:s2] =	ssyncset.done $0x0  }
0x1fa: {  	[sflag:s2] =	ssyncadd.s32 $0xFFFFF000  }
0x1fb: {  	_ =	swait.ge [sflag:s2], $0x1000  }
0x1fc: {  	[sflag:s2] =	ssyncset.done $0x0  }
0x1fd: {  	[sflag:s2] =	ssyncadd.s32 $0xFFFFF000  }
0x1fe: {  	_ =	swait.ge [sflag:s2], $0x1000  }
0x1ff: {  	[sflag:s2] =	ssyncset.done $0x0  }
0x200: {  	[sflag:s2] =	ssyncadd.s32 $0xFFFFF000  }
0x201: {  	_ =	swait.ge [sflag:s2], $0x1000  }
0x202: {  	[sflag:s2] =	ssyncset.done $0x0  }
0x203: {  	[sflag:s2] =	ssyncadd.s32 $0xFFFFF000  }
0x204: {  	_ =	swait.ge [sflag:s2], $0x1000  }
0x205: {  	[sflag:s2] =	ssyncset.done $0x0  }
0x206: {  	[sflag:s2] =	ssyncadd.s32 $0xFFFFF000  }
0x207: {  	_ =	swait.ge [sflag:s2], $0x1000  }
0x208: {  	[sflag:s2] =	ssyncset.done $0x0  }
0x209: {  	[sflag:s2] =	ssyncadd.s32 $0xFFFFF000  }
0x20a: {  	_ =	swait.ge [sflag:s2], $0x1000  }
0x20b: {  	[sflag:s2] =	ssyncset.done $0x0  }
0x20c: {  	[sflag:s2] =	ssyncadd.s32 $0xFFFFF000  }
0x20d: {  	_ =	swait.ge [sflag:s2], $0x1000  }
0x20e: {  	s7 =	rddreg [dreg:$0x4];
	[sflag:s2] =	ssyncset.done $0x0  }
0x20f: {  	[sflag:s2] =	ssyncadd.s32 $0xFFFFF000;
	s0 =	sadd.s32 s18, s7  }
0x210: {  	[hbm4b:s0+s1] =	stream.strided.scatter [tilespmem:s22], [sflag:$0x4], $0x1000, s20, s1, $0x38;
	[tilespmem:$0x10800] =	vst v63  }
0x211: {  	s19 =	sadd.s32 $0x4, s0  }
0x212: {  	[hbm4b:s19+s1] =	stream.strided.scatter [tilespmem:s23], [sflag:$0x4], $0x1000, s20, s1, $0x38;
	[tilespmem:$0x10800] =	vst v63  }
0x213: {  	s21 =	sadd.s32 $0x8, s0  }
0x214: {  	[hbm4b:s21+s1] =	stream.strided.scatter [tilespmem:s24], [sflag:$0x4], $0x1000, s20, s1, $0x38;
	[tilespmem:$0x10800] =	vst v63  }
0x215: {  	s22 =	sadd.s32 $0xC, s0  }
0x216: {  	[hbm4b:s22+s1] =	stream.strided.scatter [tilespmem:s25], [sflag:$0x4], $0x1000, s20, s1, $0x38;
	[tilespmem:$0x10800] =	vst v63  }
0x217: {  	s23 =	sadd.s32 $0x10, s0  }
0x218: {  	[hbm4b:s23+s1] =	stream.strided.scatter [tilespmem:s12], [sflag:$0x4], $0x1000, s20, s1, $0x38;
	[tilespmem:$0x10800] =	vst v63  }
0x219: {  	s24 =	sadd.s32 $0x14, s0  }
0x21a: {  	[hbm4b:s24+s1] =	stream.strided.scatter [tilespmem:s13], [sflag:$0x4], $0x1000, s20, s1, $0x38;
	[tilespmem:$0x10800] =	vst v63  }
0x21b: {  	s25 =	sadd.s32 $0x18, s0  }
0x21c: {  	[hbm4b:s25+s1] =	stream.strided.scatter [tilespmem:s14], [sflag:$0x4], $0x1000, s20, s1, $0x38;
	[tilespmem:$0x10800] =	vst v63  }
0x21d: {  	s28 =	simm.s32 $0x3;
	s0 =	sadd.s32 $0x1C, s0  }
0x21e: {  	[hbm4b:s0+s1] =	stream.strided.scatter [tilespmem:s26], [sflag:$0x4], $0x1000, s20, s1, $0x38;
	[tilespmem:$0x10800] =	vst v63  }
0x21f: {  	_ =	swait.ge [sflag:s28], $0x1000  }
0x220: {  	[sflag:s28] =	ssyncset.done $0x0  }
0x221: {  	[sflag:s28] =	ssyncadd.s32 $0xFFFFF000  }
0x222: {  	_ =	swait.ge [sflag:s28], $0x1000  }
0x223: {  	[sflag:s28] =	ssyncset.done $0x0  }
0x224: {  	[sflag:s28] =	ssyncadd.s32 $0xFFFFF000  }
0x225: {  	_ =	swait.ge [sflag:s28], $0x1000  }
0x226: {  	[sflag:s28] =	ssyncset.done $0x0  }
0x227: {  	[sflag:s28] =	ssyncadd.s32 $0xFFFFF000  }
0x228: {  	_ =	swait.ge [sflag:s28], $0x1000  }
0x229: {  	[sflag:s28] =	ssyncset.done $0x0  }
0x22a: {  	[sflag:s28] =	ssyncadd.s32 $0xFFFFF000  }
0x22b: {  	_ =	swait.ge [sflag:s28], $0x1000  }
0x22c: {  	[sflag:s28] =	ssyncset.done $0x0  }
0x22d: {  	[sflag:s28] =	ssyncadd.s32 $0xFFFFF000  }
0x22e: {  	_ =	swait.ge [sflag:s28], $0x1000  }
0x22f: {  	[sflag:s28] =	ssyncset.done $0x0  }
0x230: {  	[sflag:s28] =	ssyncadd.s32 $0xFFFFF000  }
0x231: {  	_ =	swait.ge [sflag:s28], $0x1000  }
0x232: {  	[sflag:s28] =	ssyncset.done $0x0  }
0x233: {  	[sflag:s28] =	ssyncadd.s32 $0xFFFFF000  }
0x234: {  	_ =	swait.ge [sflag:s28], $0x1000  }
0x235: {  	[sflag:s28] =	ssyncset.done $0x0  }
0x236: {  	s29 =	simm.s32 $0x4;
	[sflag:s28] =	ssyncadd.s32 $0xFFFFF000  }
0x237: {  	_ =	swait.ge [sflag:s29], $0x1000  }
0x238: {  	[sflag:s29] =	ssyncset.done $0x0  }
0x239: {  	[sflag:s29] =	ssyncadd.s32 $0xFFFFF000  }
0x23a: {  	_ =	swait.ge [sflag:s29], $0x1000  }
0x23b: {  	[sflag:s29] =	ssyncset.done $0x0  }
0x23c: {  	[sflag:s29] =	ssyncadd.s32 $0xFFFFF000  }
0x23d: {  	_ =	swait.ge [sflag:s29], $0x1000  }
0x23e: {  	[sflag:s29] =	ssyncset.done $0x0  }
0x23f: {  	[sflag:s29] =	ssyncadd.s32 $0xFFFFF000  }
0x240: {  	_ =	swait.ge [sflag:s29], $0x1000  }
0x241: {  	[sflag:s29] =	ssyncset.done $0x0  }
0x242: {  	[sflag:s29] =	ssyncadd.s32 $0xFFFFF000  }
0x243: {  	_ =	swait.ge [sflag:s29], $0x1000  }
0x244: {  	[sflag:s29] =	ssyncset.done $0x0  }
0x245: {  	[sflag:s29] =	ssyncadd.s32 $0xFFFFF000  }
0x246: {  	_ =	swait.ge [sflag:s29], $0x1000  }
0x247: {  	[sflag:s29] =	ssyncset.done $0x0  }
0x248: {  	[sflag:s29] =	ssyncadd.s32 $0xFFFFF000  }
0x249: {  	_ =	swait.ge [sflag:s29], $0x1000  }
0x24a: {  	[sflag:s29] =	ssyncset.done $0x0  }
0x24b: {  	[sflag:s29] =	ssyncadd.s32 $0xFFFFF000  }
0x24c: {  	_ =	swait.ge [sflag:s29], $0x1000  }
0x24d: {  	s30 =	rddreg [dreg:$0x10]  }
0x24e: {  	s31 =	rddreg [dreg:$0xd];
	s12 =	sadd.s32 $0x1, s30  }
0x24f: {  	p0 =	sne.s32 s12, s31  }
.Ltmp1:
0x250: {  	_ = 	snop;
	(pc) =	sbr.rel @p0 .LBB2_1-.Ltmp1, $3  }
0x251: {  	_ =	sdelay $0x1  }
0x252: {  	[sflag:s29] =	ssyncset.done $0x0  }
0x253: {  	s14 =	simm.s32 $0xF800;
	[sflag:s29] =	ssyncadd.s32 $0xFFFFF000  }
0x254: {  	_ =	sfence.sel $0x180000  }
0x255: {  	[bflag:$0x0] =	sbarrier.arrive $0xFFFF  }
0x256: {  	_ =	strace $0x90000047  }
0x257: {  	s0 =	stileid.u32;
	[bflag:$0x2] =	sbarrier.arrive $0xFFFF  }
0x258: {  	p0 =	sne.s32 s0, $0x0;
	s0 =	rddreg [dreg:$0x2]  }
0x259: {  	s0 =	sadd.s32 @!p0 $0x100000, s0  }
0x25a: {  	[sflag:s0] =	ssyncadd.tile.s32 @!p0 $0x1;
	_ =	shalt  }
.Lfunc_end2:
_tile_overlayer_lowered:
.L_overlay_start_2:
0x25b: {  	(tag) =	ssettag $0x2  }
0x25c: {  	s0 =	rddreg [dreg:$0x0];
	s2 =	stileid.u32  }
0x25d: {  	s1 =	rddreg [dreg:$0x1];
	p0 =	sne.s32 s2, $0x0  }
0x25e: {  	s3 =	rddreg [dreg:$0x2];
	[bflag:$0x3] =	sbarrier.arrive $0xFFFF;
	s2 =	simm.s32 @!p0 $0x1C05  }
0x25f: {  	[timem:s3], [sflag:s2] =	dma.local @!p0 [hbm:s0], s1  }
0x260: {  	s0 =	simm.s32 @!p0 $0x5  }
0x261: {  	_ =	swait.ge @!p0 [sflag:s0], s1  }
0x262: {  	s1 =	ssub.s32 @!p0 $0x0, s1;
	[sflag:s0] =	ssyncset.done @!p0 $0x0  }
0x263: {  	[sflag:s0] =	ssyncadd.s32 @!p0 s1  }
0x264: {  	[bflag:$0x3] =	sbarrier.arrive $0xFFFF  }
0x265: {  	_ =	shalt  }

</sc_bundles>
